<compile_context>
chip_gen: v7x
topology: tpu7x:2x2x1
jax: 0.10.2.dev20260603
libtpu: 0.0.44.dev20260713+nightly
codegen_flags: <defaults>
</compile_context>

<pallas_src>
import functools

import jax
import jax.numpy as jnp
from jax import lax
from jax.experimental import pallas as pl
from jax.experimental.pallas import tpu as pltpu
from jax.experimental.pallas import tpu_sc as plsc

V = 100000
D = 128
B = 4096
MOM = 0.5
NC, NS, L = 2, 16, 16
NW = NC * NS
R = V // NW
RCAP = 3136
TRASHR = RCAP - 1
CH = 128
CAP = B + 2 * L
TRASH = CAP - 1
DB = D // L

_mesh = plsc.VectorSubcoreMesh(core_axis_name="c", subcore_axis_name="s")


def _blend_normalize(mrow, xrow, r):
    acc = jnp.zeros((L,), jnp.float32)
    vs = []
    for dblk in range(DB):
        s = pl.ds(dblk * L, L)
        v = mrow[r, s] * MOM + xrow[r, s] * (1.0 - MOM)
        vs.append(v)
        acc = acc + v * v
    ss = jnp.full((L,), jnp.sum(acc), jnp.float32)
    bits = plsc.bitcast(ss, jnp.int32)
    guess = plsc.bitcast(
        jnp.full((L,), 0x5F3759DF, jnp.int32) - (bits >> 1), jnp.float32)
    for _ in range(2):
        guess = guess * (1.5 - 0.5 * ss * guess * guess)
    for dblk in range(DB):
        mrow[r, pl.ds(dblk * L, L)] = vs[dblk] * guess


@functools.partial(
    pl.kernel,
    out_type=(),
    mesh=_mesh,
    compiler_params=pltpu.CompilerParams(needs_layout_passes=False),
    scratch_types=[
        pltpu.VMEM((B,), jnp.int32),
        pltpu.VMEM((RCAP,), jnp.int32),
        pltpu.VMEM((CAP,), jnp.int32),
        pltpu.VMEM((CAP,), jnp.int32),
        pltpu.VMEM((B // CH, CH), jnp.int32),
        pltpu.VMEM((CH, D), jnp.float32),
        pltpu.VMEM((CH, D), jnp.float32),
        pltpu.SemaphoreType.DMA,
        pltpu.SemaphoreType.DMA,
    ],
)
def _sc_update(x_hbm, y_hbm, mem_hbm, out_ref,
               y_v, win_v, pos_v, idx_v, idx2, mrow, xrow, semA, semB):
    wid = lax.axis_index("s") * NC + lax.axis_index("c")
    lo = wid * R
    hi = lo + R
    lanes = lax.iota(jnp.int32, L)
    onev = jnp.full((L,), 1, jnp.int32)
    zerov = jnp.full((L,), 0, jnp.int32)
    lov = jnp.full((L,), lo, jnp.int32)
    hiv = jnp.full((L,), hi, jnp.int32)
    sinkr = jnp.full((L,), TRASHR, jnp.int32)

    pltpu.sync_copy(y_hbm, y_v)

    @pl.loop(0, B // L, init_carry=jnp.int32(0), unroll=8)
    def compact(i, cnt):
        yv = y_v[pl.ds(i * L, L)]
        m = (yv >= lov) & (yv < hiv)
        mi = jnp.where(m, onev, zerov)
        slots = jnp.where(m, plsc.cumsum(mi) + jnp.full((L,), cnt - 1, jnp.int32),
                          jnp.full((L,), TRASH, jnp.int32))
        plsc.store_scatter(pos_v, [slots], i * L + lanes)
        plsc.store_scatter(idx_v, [slots], yv)
        return cnt + plsc.all_reduce_population_count(m)[0]

    cnt0 = compact

    nblk = (cnt0 + L - 1) // L

    @pl.loop(0, nblk)
    def w0(b):
        base = b * L
        live = base + lanes < jnp.full((L,), cnt0, jnp.int32)
        local = jnp.where(live, idx_v[pl.ds(base, L)] - lov, sinkr)
        plsc.store_scatter(win_v, [local], jnp.full((L,), -1, jnp.int32))

    @pl.loop(0, nblk)
    def w1(b):
        base = b * L
        live = base + lanes < jnp.full((L,), cnt0, jnp.int32)
        local = jnp.where(live, idx_v[pl.ds(base, L)] - lov, sinkr)
        pos = pos_v[pl.ds(base, L)]
        plsc.store_scatter(win_v, [local], pos)
        g = plsc.load_gather(win_v, [local])
        bad0 = live & (g < pos)
        nb0 = plsc.all_reduce_population_count(bad0)[0]

        def cond(carry):
            return carry[0] > 0

        def body(carry):
            _, bad = carry
            slots = jnp.where(bad, local, sinkr)
            plsc.store_scatter(win_v, [slots], pos)
            g2 = plsc.load_gather(win_v, [slots])
            bad2 = bad & (g2 < pos)
            return (plsc.all_reduce_population_count(bad2)[0], bad2)

        lax.while_loop(cond, body, (nb0, bad0))

    @pl.loop(0, nblk, init_carry=jnp.int32(0))
    def w2(b, cnt_w):
        base = b * L
        live = base + lanes < jnp.full((L,), cnt0, jnp.int32)
        yv2 = idx_v[pl.ds(base, L)]
        local = jnp.where(live, yv2 - lov, sinkr)
        pos = pos_v[pl.ds(base, L)]
        g = plsc.load_gather(win_v, [local])
        win = live & (g == pos)
        mi = jnp.where(win, onev, zerov)
        slots = jnp.where(win, plsc.cumsum(mi) + jnp.full((L,), cnt_w - 1, jnp.int32),
                          jnp.full((L,), TRASH, jnp.int32))
        plsc.store_scatter(pos_v, [slots], pos)
        plsc.store_scatter(idx_v, [slots], yv2)
        return cnt_w + plsc.all_reduce_population_count(win)[0]

    cnt = w2

    @pl.when(cnt > 0)
    def _():
        nfull = cnt // CH
        tail = cnt - nfull * CH
        ntg = (tail + L - 1) // L
        pend = nfull * CH + ntg * L

        last_idx = idx_v[pl.ds(cnt - 1, L)][0]
        last_pos = pos_v[pl.ds(cnt - 1, L)][0]

        @pl.loop(cnt // L, pend // L)
        def fill(b):
            base = b * L
            live = base + lanes < jnp.full((L,), cnt, jnp.int32)
            cur_i = idx_v[pl.ds(base, L)]
            cur_p = pos_v[pl.ds(base, L)]
            idx_v[pl.ds(base, L)] = jnp.where(live, cur_i, jnp.full((L,), last_idx, jnp.int32))
            pos_v[pl.ds(base, L)] = jnp.where(live, cur_p, jnp.full((L,), last_pos, jnp.int32))

        @pl.loop(0, nfull)
        def chunk(c):
            off = c * CH
            for b in range(CH // L):
                idx2[c, pl.ds(b * L, L)] = idx_v[pl.ds(off + b * L, L)]
            gm = pltpu.async_copy(mem_hbm.at[idx2.at[c]], mrow, semA)
            gx = pltpu.async_copy(x_hbm.at[pos_v.at[pl.ds(off, CH)]], xrow, semB)
            gm.wait()
            gx.wait()

            @pl.loop(0, CH)
            def row(r):
                _blend_normalize(mrow, xrow, r)

            pltpu.async_copy(mrow, out_ref.at[idx2.at[c]], semA).wait()

        tbase = nfull * CH

        @pl.loop(0, ntg)
        def tg_fire(g):
            iv = idx_v[pl.ds(tbase + g * L, L)]
            pv = pos_v[pl.ds(tbase + g * L, L)]
            pltpu.make_async_copy(mem_hbm.at[iv], mrow.at[pl.ds(g * L, L)],
                                  semA).start()
            pltpu.make_async_copy(x_hbm.at[pv], xrow.at[pl.ds(g * L, L)],
                                  semB).start()

        @pl.loop(0, ntg)
        def tg_drain(g):
            iv = idx_v[pl.ds(tbase + g * L, L)]
            pv = pos_v[pl.ds(tbase + g * L, L)]
            pltpu.make_async_copy(mem_hbm.at[iv], mrow.at[pl.ds(g * L, L)],
                                  semA).wait()
            pltpu.make_async_copy(x_hbm.at[pv], xrow.at[pl.ds(g * L, L)],
                                  semB).wait()

        @pl.loop(0, ntg * L)
        def trow(r):
            _blend_normalize(mrow, xrow, r)

        @pl.loop(0, ntg)
        def tg_scatter(g):
            iv = idx_v[pl.ds(tbase + g * L, L)]
            pltpu.make_async_copy(mrow.at[pl.ds(g * L, L)], out_ref.at[iv],
                                  semA).start()

        @pl.loop(0, ntg)
        def tg_sdrain(g):
            iv = idx_v[pl.ds(tbase + g * L, L)]
            pltpu.make_async_copy(mrow.at[pl.ds(g * L, L)], out_ref.at[iv],
                                  semA).wait()


def kernel(x, x2, y, memory):
    mem_ref = jax.new_ref(memory)
    _sc_update(x, y, memory, mem_ref)
    return (x, x2, mem_ref[...])

# --- scband reference (transcript-rebuilt; emitter-appended) ---
"""Pipeline reference for scband-linear-average-without-weights-53309134078234 (READ-ONLY COPY).

The authoritative reference and input builder live on the scoring server;
editing this copy changes nothing except your own understanding.
"""

import jax, jax.numpy as jnp
import numpy as np
import math

INPUT_SIZE = 128
OUTPUT_SIZE = 100000
BATCH = 4096
T = 0.07
MOMENTUM = 0.5


def setup_inputs(seed: int = 0) -> dict:
    key = jax.random.key(seed)
    k1, k2, k3, k4 = jax.random.split(key, 4)
    stdv = 1.0 / math.sqrt(INPUT_SIZE / 3)
    x = jax.random.normal(k1, (BATCH, INPUT_SIZE), dtype=jnp.float32)
    x2 = jax.random.normal(k2, (BATCH, INPUT_SIZE), dtype=jnp.float32)
    y = jax.random.randint(k3, (BATCH,), 0, OUTPUT_SIZE, dtype=jnp.int32)
    mem = jax.random.uniform(k4, (OUTPUT_SIZE, INPUT_SIZE), dtype=jnp.float32) * (2 * stdv) - stdv
    mem = mem / jnp.sqrt(jnp.sum(mem ** 2, axis=1, keepdims=True))
    return {"x": x, "x2": x2, "y": y, "memory": mem}


def reference(x, x2, y, memory):
    # torch forward: out = (x, x2); side-effect updates memory bank under no_grad.
    # Functional JAX translation returns the updated memory explicitly.
    weight_pos = jnp.take(memory, y, axis=0)           # memory.index_select(0, y)
    weight_pos = weight_pos * MOMENTUM                 # weight_pos.mul_(momentum)
    weight_pos = weight_pos + x * (1.0 - MOMENTUM)     # weight_pos.add_(x.data * (1-momentum))
    w_norm = jnp.power(jnp.sum(jnp.power(weight_pos, 2), axis=1, keepdims=True), 0.5)
    updated_weight = weight_pos / w_norm
    new_memory = memory.at[y].set(updated_weight)      # memory.index_copy_(0, y, updated_weight)
    return (x, x2, new_memory)

if __name__ == "__main__":
    import jax
    _d = setup_inputs()
    print(jax.jit(kernel)(*tuple(_d.values())))

</pallas_src>

<mosaic_0001>
#map = affine_map<(d0, d1) -> (0, 0)>
#map1 = affine_map<(d0, d1) -> (0)>
module attributes {stable_mosaic.version = 14 : i64} {
  func.func @new_body(%arg0: i32, %arg1: i32, %arg2: memref<4096x128xf32, #tpu.memory_space<hbm>>, %arg3: memref<4096xi32, #tpu.memory_space<hbm>>, %arg4: memref<100000x128xf32, #tpu.memory_space<hbm>>, %arg5: memref<100000x128xf32, #tpu.memory_space<hbm>>, %arg6: memref<100000x128xf32, #tpu.memory_space<hbm>>, %arg7: memref<4096xi32, #tpu.memory_space<vmem>>, %arg8: memref<3136xi32, #tpu.memory_space<vmem>>, %arg9: memref<4128xi32, #tpu.memory_space<vmem>>, %arg10: memref<4128xi32, #tpu.memory_space<vmem>>, %arg11: memref<32x128xi32, #tpu.memory_space<vmem>>, %arg12: memref<128x128xf32, #tpu.memory_space<vmem>>, %arg13: memref<128x128xf32, #tpu.memory_space<vmem>>, %arg14: memref<!tpu.dma_semaphore, #tpu.memory_space<semaphore_mem>>, %arg15: memref<!tpu.dma_semaphore, #tpu.memory_space<semaphore_mem>>) attributes {dimension_semantics = [#tpu.dimension_semantics<core_parallel>, #tpu.dimension_semantics<subcore_parallel>], iteration_bounds = array<i64: 2, 16>, scalar_prefetch = 0 : i64, scratch_operands = 9 : i64, tpu.core_type = #tpu.core_type<sc_vector_subcore>, window_params = [{transform_indices = #map}, {transform_indices = #map1}, {transform_indices = #map}, {transform_indices = #map}, {transform_indices = #map}]} {
    %mul3A = arith.constant 2 : i32
    %mul3A_0 = arith.muli %arg1, %mul3A : i32
    %add3A = arith.addi %mul3A_0, %arg0 : i32
    %mul3A_1 = arith.constant 3125 : i32
    %mul3A_2 = arith.muli %add3A, %mul3A_1 : i32
    %add3A_3 = arith.constant 3125 : i32
    %add3A_4 = arith.addi %mul3A_2, %add3A_3 : i32
    %iota3A = tpu.iota {dimensions = array<i32: 0>} : vector<16xi32>
    %broadcast_in_dim3A = arith.constant 1 : i32
    %broadcast_in_dim3A_5 = vector.broadcast %broadcast_in_dim3A : i32 to vector<16xi32>
    %broadcast_in_dim3A_6 = arith.constant 0 : i32
    %broadcast_in_dim3A_7 = vector.broadcast %broadcast_in_dim3A_6 : i32 to vector<16xi32>
    %broadcast_in_dim3A_8 = vector.broadcast %mul3A_2 : i32 to vector<16xi32>
    %broadcast_in_dim3A_9 = vector.broadcast %add3A_4 : i32 to vector<16xi32>
    %broadcast_in_dim3A_10 = arith.constant 3135 : i32
    %broadcast_in_dim3A_11 = vector.broadcast %broadcast_in_dim3A_10 : i32 to vector<16xi32>
    "tpu.region"() ({
      %run_scoped3A = tpu.sem_alloc : memref<!tpu.dma_semaphore, #tpu.memory_space<semaphore_mem>>
      tpu.enqueue_dma source(%arg3 : memref<4096xi32, #tpu.memory_space<hbm>>) target(%arg7 : memref<4096xi32, #tpu.memory_space<vmem>>) target_semaphore(%run_scoped3A : memref<!tpu.dma_semaphore, #tpu.memory_space<semaphore_mem>>)
      tpu.wait_dma2 semaphore(%run_scoped3A : memref<!tpu.dma_semaphore, #tpu.memory_space<semaphore_mem>>) src(%arg3 : memref<4096xi32, #tpu.memory_space<hbm>>) dst(%arg7 : memref<4096xi32, #tpu.memory_space<vmem>>)
      tpu.yield
    }) : () -> ()
    %scan3A = arith.constant 0 : i32
    %scan3A_12 = arith.constant 0 : i32
    %scan3A_13 = arith.constant 256 : i32
    %scan3A_14 = arith.addi %scan3A_12, %scan3A_13 : i32
    %scan3A_15 = arith.constant 8 : i32
    %scan3A_16 = scf.for %scan3A_99 = %scan3A_12 to %scan3A_14 step %scan3A_15 iter_args(%scan3A_100 = %scan3A) -> (i32)  : i32 {
      %mul3A_101 = arith.constant 1 : i32
      %mul3A_102 = arith.muli %scan3A_99, %mul3A_101 : i32
      %add3A_103 = arith.constant 0 : i32
      %add3A_104 = arith.addi %add3A_103, %mul3A_102 : i32
      %mul3A_105 = arith.constant 16 : i32
      %mul3A_106 = arith.muli %add3A_104, %mul3A_105 : i32
      %get3A = arith.index_cast %mul3A_106 : i32 to index
      %get3A_107 = tpu.vector_load %arg7[%get3A] {strides = array<i32>} : memref<4096xi32, #tpu.memory_space<vmem>>, vector<16xi32>,
      %ge3A = arith.cmpi sge, %get3A_107, %broadcast_in_dim3A_8 : vector<16xi32>
      %lt3A = arith.cmpi slt, %get3A_107, %broadcast_in_dim3A_9 : vector<16xi32>
      %and3A_108 = arith.andi %ge3A, %lt3A : vector<16xi1>
      %select_n3A_109 = arith.select %and3A_108, %broadcast_in_dim3A_5, %broadcast_in_dim3A_7 : vector<16xi1>, vector<16xi32>
      %broadcast_in_dim3A_110 = arith.constant true
      %broadcast_in_dim3A_111 = vector.broadcast %broadcast_in_dim3A_110 : i1 to vector<16xi1>
      %masked_cumsum3A = tpu.scan <sum>, %select_n3A_109 masked %broadcast_in_dim3A_111 : vector<16xi32>, vector<16xi1> -> vector<16xi32>
      %sub3A_112 = arith.constant 1 : i32
      %sub3A_113 = arith.subi %scan3A_100, %sub3A_112 : i32
      %broadcast_in_dim3A_114 = vector.broadcast %sub3A_113 : i32 to vector<16xi32>
      %add3A_115 = arith.addi %masked_cumsum3A, %broadcast_in_dim3A_114 : vector<16xi32>
      %broadcast_in_dim3A_116 = arith.constant 4127 : i32
      %broadcast_in_dim3A_117 = vector.broadcast %broadcast_in_dim3A_116 : i32 to vector<16xi32>
      %select_n3A_118 = arith.select %and3A_108, %add3A_115, %broadcast_in_dim3A_117 : vector<16xi1>, vector<16xi32>
      %mul3A_119 = arith.constant 16 : i32
      %mul3A_120 = arith.muli %add3A_104, %mul3A_119 : i32
      %add3A_121 = vector.broadcast %mul3A_120 : i32 to vector<16xi32>
      %add3A_122 = arith.addi %add3A_121, %iota3A : vector<16xi32>
      tpu.vector_store_idx %arg9[%select_n3A_118], %add3A_122 : memref<4128xi32, #tpu.memory_space<vmem>>[vector<16xi32>], vector<16xi32>,
      tpu.vector_store_idx %arg10[%select_n3A_118], %get3A_107 : memref<4128xi32, #tpu.memory_space<vmem>>[vector<16xi32>], vector<16xi32>,
      %all_reduce_population_count3A = tpu.all_reduce %and3A_108 {dim = 0 : i64, kind = #tpu.reduction_kind<sum>} : vector<16xi1> -> vector<16xi32>
      %slice3A = vector.extract_strided_slice %all_reduce_population_count3A {offsets = [0], sizes = [1], strides = [1]} : vector<16xi32> to vector<1xi32>
      %squeeze3A = vector.extract %slice3A[0] : i32 from vector<1xi32>
      %add3A_123 = arith.addi %scan3A_100, %squeeze3A : i32
      %scan3A_124 = arith.constant 1 : i32
      %scan3A_125 = arith.addi %scan3A_99, %scan3A_124 : i32
      %mul3A_126 = arith.constant 1 : i32
      %mul3A_127 = arith.muli %scan3A_125, %mul3A_126 : i32
      %add3A_128 = arith.constant 0 : i32
      %add3A_129 = arith.addi %add3A_128, %mul3A_127 : i32
      %mul3A_130 = arith.constant 16 : i32
      %mul3A_131 = arith.muli %add3A_129, %mul3A_130 : i32
      %get3A_132 = arith.index_cast %mul3A_131 : i32 to index
      %get3A_133 = tpu.vector_load %arg7[%get3A_132] {strides = array<i32>} : memref<4096xi32, #tpu.memory_space<vmem>>, vector<16xi32>,
      %ge3A_134 = arith.cmpi sge, %get3A_133, %broadcast_in_dim3A_8 : vector<16xi32>
      %lt3A_135 = arith.cmpi slt, %get3A_133, %broadcast_in_dim3A_9 : vector<16xi32>
      %and3A_136 = arith.andi %ge3A_134, %lt3A_135 : vector<16xi1>
      %select_n3A_137 = arith.select %and3A_136, %broadcast_in_dim3A_5, %broadcast_in_dim3A_7 : vector<16xi1>, vector<16xi32>
      %broadcast_in_dim3A_138 = arith.constant true
      %broadcast_in_dim3A_139 = vector.broadcast %broadcast_in_dim3A_138 : i1 to vector<16xi1>
      %masked_cumsum3A_140 = tpu.scan <sum>, %select_n3A_137 masked %broadcast_in_dim3A_139 : vector<16xi32>, vector<16xi1> -> vector<16xi32>
      %sub3A_141 = arith.constant 1 : i32
      %sub3A_142 = arith.subi %add3A_123, %sub3A_141 : i32
      %broadcast_in_dim3A_143 = vector.broadcast %sub3A_142 : i32 to vector<16xi32>
      %add3A_144 = arith.addi %masked_cumsum3A_140, %broadcast_in_dim3A_143 : vector<16xi32>
      %broadcast_in_dim3A_145 = arith.constant 4127 : i32
      %broadcast_in_dim3A_146 = vector.broadcast %broadcast_in_dim3A_145 : i32 to vector<16xi32>
      %select_n3A_147 = arith.select %and3A_136, %add3A_144, %broadcast_in_dim3A_146 : vector<16xi1>, vector<16xi32>
      %mul3A_148 = arith.constant 16 : i32
      %mul3A_149 = arith.muli %add3A_129, %mul3A_148 : i32
      %add3A_150 = vector.broadcast %mul3A_149 : i32 to vector<16xi32>
      %add3A_151 = arith.addi %add3A_150, %iota3A : vector<16xi32>
      tpu.vector_store_idx %arg9[%select_n3A_147], %add3A_151 : memref<4128xi32, #tpu.memory_space<vmem>>[vector<16xi32>], vector<16xi32>,
      tpu.vector_store_idx %arg10[%select_n3A_147], %get3A_133 : memref<4128xi32, #tpu.memory_space<vmem>>[vector<16xi32>], vector<16xi32>,
      %all_reduce_population_count3A_152 = tpu.all_reduce %and3A_136 {dim = 0 : i64, kind = #tpu.reduction_kind<sum>} : vector<16xi1> -> vector<16xi32>
      %slice3A_153 = vector.extract_strided_slice %all_reduce_population_count3A_152 {offsets = [0], sizes = [1], strides = [1]} : vector<16xi32> to vector<1xi32>
      %squeeze3A_154 = vector.extract %slice3A_153[0] : i32 from vector<1xi32>
      %add3A_155 = arith.addi %add3A_123, %squeeze3A_154 : i32
      %scan3A_156 = arith.constant 2 : i32
      %scan3A_157 = arith.addi %scan3A_99, %scan3A_156 : i32
      %mul3A_158 = arith.constant 1 : i32
      %mul3A_159 = arith.muli %scan3A_157, %mul3A_158 : i32
      %add3A_160 = arith.constant 0 : i32
      %add3A_161 = arith.addi %add3A_160, %mul3A_159 : i32
      %mul3A_162 = arith.constant 16 : i32
      %mul3A_163 = arith.muli %add3A_161, %mul3A_162 : i32
      %get3A_164 = arith.index_cast %mul3A_163 : i32 to index
      %get3A_165 = tpu.vector_load %arg7[%get3A_164] {strides = array<i32>} : memref<4096xi32, #tpu.memory_space<vmem>>, vector<16xi32>,
      %ge3A_166 = arith.cmpi sge, %get3A_165, %broadcast_in_dim3A_8 : vector<16xi32>
      %lt3A_167 = arith.cmpi slt, %get3A_165, %broadcast_in_dim3A_9 : vector<16xi32>
      %and3A_168 = arith.andi %ge3A_166, %lt3A_167 : vector<16xi1>
      %select_n3A_169 = arith.select %and3A_168, %broadcast_in_dim3A_5, %broadcast_in_dim3A_7 : vector<16xi1>, vector<16xi32>
      %broadcast_in_dim3A_170 = arith.constant true
      %broadcast_in_dim3A_171 = vector.broadcast %broadcast_in_dim3A_170 : i1 to vector<16xi1>
      %masked_cumsum3A_172 = tpu.scan <sum>, %select_n3A_169 masked %broadcast_in_dim3A_171 : vector<16xi32>, vector<16xi1> -> vector<16xi32>
      %sub3A_173 = arith.constant 1 : i32
      %sub3A_174 = arith.subi %add3A_155, %sub3A_173 : i32
      %broadcast_in_dim3A_175 = vector.broadcast %sub3A_174 : i32 to vector<16xi32>
      %add3A_176 = arith.addi %masked_cumsum3A_172, %broadcast_in_dim3A_175 : vector<16xi32>
      %broadcast_in_dim3A_177 = arith.constant 4127 : i32
      %broadcast_in_dim3A_178 = vector.broadcast %broadcast_in_dim3A_177 : i32 to vector<16xi32>
      %select_n3A_179 = arith.select %and3A_168, %add3A_176, %broadcast_in_dim3A_178 : vector<16xi1>, vector<16xi32>
      %mul3A_180 = arith.constant 16 : i32
      %mul3A_181 = arith.muli %add3A_161, %mul3A_180 : i32
      %add3A_182 = vector.broadcast %mul3A_181 : i32 to vector<16xi32>
      %add3A_183 = arith.addi %add3A_182, %iota3A : vector<16xi32>
      tpu.vector_store_idx %arg9[%select_n3A_179], %add3A_183 : memref<4128xi32, #tpu.memory_space<vmem>>[vector<16xi32>], vector<16xi32>,
      tpu.vector_store_idx %arg10[%select_n3A_179], %get3A_165 : memref<4128xi32, #tpu.memory_space<vmem>>[vector<16xi32>], vector<16xi32>,
      %all_reduce_population_count3A_184 = tpu.all_reduce %and3A_168 {dim = 0 : i64, kind = #tpu.reduction_kind<sum>} : vector<16xi1> -> vector<16xi32>
      %slice3A_185 = vector.extract_strided_slice %all_reduce_population_count3A_184 {offsets = [0], sizes = [1], strides = [1]} : vector<16xi32> to vector<1xi32>
      %squeeze3A_186 = vector.extract %slice3A_185[0] : i32 from vector<1xi32>
      %add3A_187 = arith.addi %add3A_155, %squeeze3A_186 : i32
      %scan3A_188 = arith.constant 3 : i32
      %scan3A_189 = arith.addi %scan3A_99, %scan3A_188 : i32
      %mul3A_190 = arith.constant 1 : i32
      %mul3A_191 = arith.muli %scan3A_189, %mul3A_190 : i32
      %add3A_192 = arith.constant 0 : i32
      %add3A_193 = arith.addi %add3A_192, %mul3A_191 : i32
      %mul3A_194 = arith.constant 16 : i32
      %mul3A_195 = arith.muli %add3A_193, %mul3A_194 : i32
      %get3A_196 = arith.index_cast %mul3A_195 : i32 to index
      %get3A_197 = tpu.vector_load %arg7[%get3A_196] {strides = array<i32>} : memref<4096xi32, #tpu.memory_space<vmem>>, vector<16xi32>,
      %ge3A_198 = arith.cmpi sge, %get3A_197, %broadcast_in_dim3A_8 : vector<16xi32>
      %lt3A_199 = arith.cmpi slt, %get3A_197, %broadcast_in_dim3A_9 : vector<16xi32>
      %and3A_200 = arith.andi %ge3A_198, %lt3A_199 : vector<16xi1>
      %select_n3A_201 = arith.select %and3A_200, %broadcast_in_dim3A_5, %broadcast_in_dim3A_7 : vector<16xi1>, vector<16xi32>
      %broadcast_in_dim3A_202 = arith.constant true
      %broadcast_in_dim3A_203 = vector.broadcast %broadcast_in_dim3A_202 : i1 to vector<16xi1>
      %masked_cumsum3A_204 = tpu.scan <sum>, %select_n3A_201 masked %broadcast_in_dim3A_203 : vector<16xi32>, vector<16xi1> -> vector<16xi32>
      %sub3A_205 = arith.constant 1 : i32
      %sub3A_206 = arith.subi %add3A_187, %sub3A_205 : i32
      %broadcast_in_dim3A_207 = vector.broadcast %sub3A_206 : i32 to vector<16xi32>
      %add3A_208 = arith.addi %masked_cumsum3A_204, %broadcast_in_dim3A_207 : vector<16xi32>
      %broadcast_in_dim3A_209 = arith.constant 4127 : i32
      %broadcast_in_dim3A_210 = vector.broadcast %broadcast_in_dim3A_209 : i32 to vector<16xi32>
      %select_n3A_211 = arith.select %and3A_200, %add3A_208, %broadcast_in_dim3A_210 : vector<16xi1>, vector<16xi32>
      %mul3A_212 = arith.constant 16 : i32
      %mul3A_213 = arith.muli %add3A_193, %mul3A_212 : i32
      %add3A_214 = vector.broadcast %mul3A_213 : i32 to vector<16xi32>
      %add3A_215 = arith.addi %add3A_214, %iota3A : vector<16xi32>
      tpu.vector_store_idx %arg9[%select_n3A_211], %add3A_215 : memref<4128xi32, #tpu.memory_space<vmem>>[vector<16xi32>], vector<16xi32>,
      tpu.vector_store_idx %arg10[%select_n3A_211], %get3A_197 : memref<4128xi32, #tpu.memory_space<vmem>>[vector<16xi32>], vector<16xi32>,
      %all_reduce_population_count3A_216 = tpu.all_reduce %and3A_200 {dim = 0 : i64, kind = #tpu.reduction_kind<sum>} : vector<16xi1> -> vector<16xi32>
      %slice3A_217 = vector.extract_strided_slice %all_reduce_population_count3A_216 {offsets = [0], sizes = [1], strides = [1]} : vector<16xi32> to vector<1xi32>
      %squeeze3A_218 = vector.extract %slice3A_217[0] : i32 from vector<1xi32>
      %add3A_219 = arith.addi %add3A_187, %squeeze3A_218 : i32
      %scan3A_220 = arith.constant 4 : i32
      %scan3A_221 = arith.addi %scan3A_99, %scan3A_220 : i32
      %mul3A_222 = arith.constant 1 : i32
      %mul3A_223 = arith.muli %scan3A_221, %mul3A_222 : i32
      %add3A_224 = arith.constant 0 : i32
      %add3A_225 = arith.addi %add3A_224, %mul3A_223 : i32
      %mul3A_226 = arith.constant 16 : i32
      %mul3A_227 = arith.muli %add3A_225, %mul3A_226 : i32
      %get3A_228 = arith.index_cast %mul3A_227 : i32 to index
      %get3A_229 = tpu.vector_load %arg7[%get3A_228] {strides = array<i32>} : memref<4096xi32, #tpu.memory_space<vmem>>, vector<16xi32>,
      %ge3A_230 = arith.cmpi sge, %get3A_229, %broadcast_in_dim3A_8 : vector<16xi32>
      %lt3A_231 = arith.cmpi slt, %get3A_229, %broadcast_in_dim3A_9 : vector<16xi32>
      %and3A_232 = arith.andi %ge3A_230, %lt3A_231 : vector<16xi1>
      %select_n3A_233 = arith.select %and3A_232, %broadcast_in_dim3A_5, %broadcast_in_dim3A_7 : vector<16xi1>, vector<16xi32>
      %broadcast_in_dim3A_234 = arith.constant true
      %broadcast_in_dim3A_235 = vector.broadcast %broadcast_in_dim3A_234 : i1 to vector<16xi1>
      %masked_cumsum3A_236 = tpu.scan <sum>, %select_n3A_233 masked %broadcast_in_dim3A_235 : vector<16xi32>, vector<16xi1> -> vector<16xi32>
      %sub3A_237 = arith.constant 1 : i32
      %sub3A_238 = arith.subi %add3A_219, %sub3A_237 : i32
      %broadcast_in_dim3A_239 = vector.broadcast %sub3A_238 : i32 to vector<16xi32>
      %add3A_240 = arith.addi %masked_cumsum3A_236, %broadcast_in_dim3A_239 : vector<16xi32>
      %broadcast_in_dim3A_241 = arith.constant 4127 : i32
      %broadcast_in_dim3A_242 = vector.broadcast %broadcast_in_dim3A_241 : i32 to vector<16xi32>
      %select_n3A_243 = arith.select %and3A_232, %add3A_240, %broadcast_in_dim3A_242 : vector<16xi1>, vector<16xi32>
      %mul3A_244 = arith.constant 16 : i32
      %mul3A_245 = arith.muli %add3A_225, %mul3A_244 : i32
      %add3A_246 = vector.broadcast %mul3A_245 : i32 to vector<16xi32>
      %add3A_247 = arith.addi %add3A_246, %iota3A : vector<16xi32>
      tpu.vector_store_idx %arg9[%select_n3A_243], %add3A_247 : memref<4128xi32, #tpu.memory_space<vmem>>[vector<16xi32>], vector<16xi32>,
      tpu.vector_store_idx %arg10[%select_n3A_243], %get3A_229 : memref<4128xi32, #tpu.memory_space<vmem>>[vector<16xi32>], vector<16xi32>,
      %all_reduce_population_count3A_248 = tpu.all_reduce %and3A_232 {dim = 0 : i64, kind = #tpu.reduction_kind<sum>} : vector<16xi1> -> vector<16xi32>
      %slice3A_249 = vector.extract_strided_slice %all_reduce_population_count3A_248 {offsets = [0], sizes = [1], strides = [1]} : vector<16xi32> to vector<1xi32>
      %squeeze3A_250 = vector.extract %slice3A_249[0] : i32 from vector<1xi32>
      %add3A_251 = arith.addi %add3A_219, %squeeze3A_250 : i32
      %scan3A_252 = arith.constant 5 : i32
      %scan3A_253 = arith.addi %scan3A_99, %scan3A_252 : i32
      %mul3A_254 = arith.constant 1 : i32
      %mul3A_255 = arith.muli %scan3A_253, %mul3A_254 : i32
      %add3A_256 = arith.constant 0 : i32
      %add3A_257 = arith.addi %add3A_256, %mul3A_255 : i32
      %mul3A_258 = arith.constant 16 : i32
      %mul3A_259 = arith.muli %add3A_257, %mul3A_258 : i32
      %get3A_260 = arith.index_cast %mul3A_259 : i32 to index
      %get3A_261 = tpu.vector_load %arg7[%get3A_260] {strides = array<i32>} : memref<4096xi32, #tpu.memory_space<vmem>>, vector<16xi32>,
      %ge3A_262 = arith.cmpi sge, %get3A_261, %broadcast_in_dim3A_8 : vector<16xi32>
      %lt3A_263 = arith.cmpi slt, %get3A_261, %broadcast_in_dim3A_9 : vector<16xi32>
      %and3A_264 = arith.andi %ge3A_262, %lt3A_263 : vector<16xi1>
      %select_n3A_265 = arith.select %and3A_264, %broadcast_in_dim3A_5, %broadcast_in_dim3A_7 : vector<16xi1>, vector<16xi32>
      %broadcast_in_dim3A_266 = arith.constant true
      %broadcast_in_dim3A_267 = vector.broadcast %broadcast_in_dim3A_266 : i1 to vector<16xi1>
      %masked_cumsum3A_268 = tpu.scan <sum>, %select_n3A_265 masked %broadcast_in_dim3A_267 : vector<16xi32>, vector<16xi1> -> vector<16xi32>
      %sub3A_269 = arith.constant 1 : i32
      %sub3A_270 = arith.subi %add3A_251, %sub3A_269 : i32
      %broadcast_in_dim3A_271 = vector.broadcast %sub3A_270 : i32 to vector<16xi32>
      %add3A_272 = arith.addi %masked_cumsum3A_268, %broadcast_in_dim3A_271 : vector<16xi32>
      %broadcast_in_dim3A_273 = arith.constant 4127 : i32
      %broadcast_in_dim3A_274 = vector.broadcast %broadcast_in_dim3A_273 : i32 to vector<16xi32>
      %select_n3A_275 = arith.select %and3A_264, %add3A_272, %broadcast_in_dim3A_274 : vector<16xi1>, vector<16xi32>
      %mul3A_276 = arith.constant 16 : i32
      %mul3A_277 = arith.muli %add3A_257, %mul3A_276 : i32
      %add3A_278 = vector.broadcast %mul3A_277 : i32 to vector<16xi32>
      %add3A_279 = arith.addi %add3A_278, %iota3A : vector<16xi32>
      tpu.vector_store_idx %arg9[%select_n3A_275], %add3A_279 : memref<4128xi32, #tpu.memory_space<vmem>>[vector<16xi32>], vector<16xi32>,
      tpu.vector_store_idx %arg10[%select_n3A_275], %get3A_261 : memref<4128xi32, #tpu.memory_space<vmem>>[vector<16xi32>], vector<16xi32>,
      %all_reduce_population_count3A_280 = tpu.all_reduce %and3A_264 {dim = 0 : i64, kind = #tpu.reduction_kind<sum>} : vector<16xi1> -> vector<16xi32>
      %slice3A_281 = vector.extract_strided_slice %all_reduce_population_count3A_280 {offsets = [0], sizes = [1], strides = [1]} : vector<16xi32> to vector<1xi32>
      %squeeze3A_282 = vector.extract %slice3A_281[0] : i32 from vector<1xi32>
      %add3A_283 = arith.addi %add3A_251, %squeeze3A_282 : i32
      %scan3A_284 = arith.constant 6 : i32
      %scan3A_285 = arith.addi %scan3A_99, %scan3A_284 : i32
      %mul3A_286 = arith.constant 1 : i32
      %mul3A_287 = arith.muli %scan3A_285, %mul3A_286 : i32
      %add3A_288 = arith.constant 0 : i32
      %add3A_289 = arith.addi %add3A_288, %mul3A_287 : i32
      %mul3A_290 = arith.constant 16 : i32
      %mul3A_291 = arith.muli %add3A_289, %mul3A_290 : i32
      %get3A_292 = arith.index_cast %mul3A_291 : i32 to index
      %get3A_293 = tpu.vector_load %arg7[%get3A_292] {strides = array<i32>} : memref<4096xi32, #tpu.memory_space<vmem>>, vector<16xi32>,
      %ge3A_294 = arith.cmpi sge, %get3A_293, %broadcast_in_dim3A_8 : vector<16xi32>
      %lt3A_295 = arith.cmpi slt, %get3A_293, %broadcast_in_dim3A_9 : vector<16xi32>
      %and3A_296 = arith.andi %ge3A_294, %lt3A_295 : vector<16xi1>
      %select_n3A_297 = arith.select %and3A_296, %broadcast_in_dim3A_5, %broadcast_in_dim3A_7 : vector<16xi1>, vector<16xi32>
      %broadcast_in_dim3A_298 = arith.constant true
      %broadcast_in_dim3A_299 = vector.broadcast %broadcast_in_dim3A_298 : i1 to vector<16xi1>
      %masked_cumsum3A_300 = tpu.scan <sum>, %select_n3A_297 masked %broadcast_in_dim3A_299 : vector<16xi32>, vector<16xi1> -> vector<16xi32>
      %sub3A_301 = arith.constant 1 : i32
      %sub3A_302 = arith.subi %add3A_283, %sub3A_301 : i32
      %broadcast_in_dim3A_303 = vector.broadcast %sub3A_302 : i32 to vector<16xi32>
      %add3A_304 = arith.addi %masked_cumsum3A_300, %broadcast_in_dim3A_303 : vector<16xi32>
      %broadcast_in_dim3A_305 = arith.constant 4127 : i32
      %broadcast_in_dim3A_306 = vector.broadcast %broadcast_in_dim3A_305 : i32 to vector<16xi32>
      %select_n3A_307 = arith.select %and3A_296, %add3A_304, %broadcast_in_dim3A_306 : vector<16xi1>, vector<16xi32>
      %mul3A_308 = arith.constant 16 : i32
      %mul3A_309 = arith.muli %add3A_289, %mul3A_308 : i32
      %add3A_310 = vector.broadcast %mul3A_309 : i32 to vector<16xi32>
      %add3A_311 = arith.addi %add3A_310, %iota3A : vector<16xi32>
      tpu.vector_store_idx %arg9[%select_n3A_307], %add3A_311 : memref<4128xi32, #tpu.memory_space<vmem>>[vector<16xi32>], vector<16xi32>,
      tpu.vector_store_idx %arg10[%select_n3A_307], %get3A_293 : memref<4128xi32, #tpu.memory_space<vmem>>[vector<16xi32>], vector<16xi32>,
      %all_reduce_population_count3A_312 = tpu.all_reduce %and3A_296 {dim = 0 : i64, kind = #tpu.reduction_kind<sum>} : vector<16xi1> -> vector<16xi32>
      %slice3A_313 = vector.extract_strided_slice %all_reduce_population_count3A_312 {offsets = [0], sizes = [1], strides = [1]} : vector<16xi32> to vector<1xi32>
      %squeeze3A_314 = vector.extract %slice3A_313[0] : i32 from vector<1xi32>
      %add3A_315 = arith.addi %add3A_283, %squeeze3A_314 : i32
      %scan3A_316 = arith.constant 7 : i32
      %scan3A_317 = arith.addi %scan3A_99, %scan3A_316 : i32
      %mul3A_318 = arith.constant 1 : i32
      %mul3A_319 = arith.muli %scan3A_317, %mul3A_318 : i32
      %add3A_320 = arith.constant 0 : i32
      %add3A_321 = arith.addi %add3A_320, %mul3A_319 : i32
      %mul3A_322 = arith.constant 16 : i32
      %mul3A_323 = arith.muli %add3A_321, %mul3A_322 : i32
      %get3A_324 = arith.index_cast %mul3A_323 : i32 to index
      %get3A_325 = tpu.vector_load %arg7[%get3A_324] {strides = array<i32>} : memref<4096xi32, #tpu.memory_space<vmem>>, vector<16xi32>,
      %ge3A_326 = arith.cmpi sge, %get3A_325, %broadcast_in_dim3A_8 : vector<16xi32>
      %lt3A_327 = arith.cmpi slt, %get3A_325, %broadcast_in_dim3A_9 : vector<16xi32>
      %and3A_328 = arith.andi %ge3A_326, %lt3A_327 : vector<16xi1>
      %select_n3A_329 = arith.select %and3A_328, %broadcast_in_dim3A_5, %broadcast_in_dim3A_7 : vector<16xi1>, vector<16xi32>
      %broadcast_in_dim3A_330 = arith.constant true
      %broadcast_in_dim3A_331 = vector.broadcast %broadcast_in_dim3A_330 : i1 to vector<16xi1>
      %masked_cumsum3A_332 = tpu.scan <sum>, %select_n3A_329 masked %broadcast_in_dim3A_331 : vector<16xi32>, vector<16xi1> -> vector<16xi32>
      %sub3A_333 = arith.constant 1 : i32
      %sub3A_334 = arith.subi %add3A_315, %sub3A_333 : i32
      %broadcast_in_dim3A_335 = vector.broadcast %sub3A_334 : i32 to vector<16xi32>
      %add3A_336 = arith.addi %masked_cumsum3A_332, %broadcast_in_dim3A_335 : vector<16xi32>
      %broadcast_in_dim3A_337 = arith.constant 4127 : i32
      %broadcast_in_dim3A_338 = vector.broadcast %broadcast_in_dim3A_337 : i32 to vector<16xi32>
      %select_n3A_339 = arith.select %and3A_328, %add3A_336, %broadcast_in_dim3A_338 : vector<16xi1>, vector<16xi32>
      %mul3A_340 = arith.constant 16 : i32
      %mul3A_341 = arith.muli %add3A_321, %mul3A_340 : i32
      %add3A_342 = vector.broadcast %mul3A_341 : i32 to vector<16xi32>
      %add3A_343 = arith.addi %add3A_342, %iota3A : vector<16xi32>
      tpu.vector_store_idx %arg9[%select_n3A_339], %add3A_343 : memref<4128xi32, #tpu.memory_space<vmem>>[vector<16xi32>], vector<16xi32>,
      tpu.vector_store_idx %arg10[%select_n3A_339], %get3A_325 : memref<4128xi32, #tpu.memory_space<vmem>>[vector<16xi32>], vector<16xi32>,
      %all_reduce_population_count3A_344 = tpu.all_reduce %and3A_328 {dim = 0 : i64, kind = #tpu.reduction_kind<sum>} : vector<16xi1> -> vector<16xi32>
      %slice3A_345 = vector.extract_strided_slice %all_reduce_population_count3A_344 {offsets = [0], sizes = [1], strides = [1]} : vector<16xi32> to vector<1xi32>
      %squeeze3A_346 = vector.extract %slice3A_345[0] : i32 from vector<1xi32>
      %add3A_347 = arith.addi %add3A_315, %squeeze3A_346 : i32
      scf.yield %add3A_347 : i32
    }
    %scan3A_17 = arith.constant 256 : i32
    %add3A_18 = arith.constant 16 : i32
    %add3A_19 = arith.addi %scan3A_16, %add3A_18 : i32
    %sub3A = arith.constant 1 : i32
    %sub3A_20 = arith.subi %add3A_19, %sub3A : i32
    %jit3A = arith.constant 16 : i32
    %div3A = arith.divsi %sub3A_20, %jit3A : i32
    %sign3A = arith.constant 0 : i32
    %sign3A_21 = arith.cmpi sgt, %sub3A_20, %sign3A : i32
    %sign3A_22 = arith.extui %sign3A_21 : i1 to i32
    %sign3A_23 = arith.constant 0 : i32
    %sign3A_24 = arith.cmpi slt, %sub3A_20, %sign3A_23 : i32
    %sign3A_25 = arith.extui %sign3A_24 : i1 to i32
    %sign3A_26 = arith.subi %sign3A_22, %sign3A_25 : i32
    %sign3A_27 = arith.constant 0 : i32
    %sign3A_28 = arith.cmpi sgt, %jit3A, %sign3A_27 : i32
    %sign3A_29 = arith.extui %sign3A_28 : i1 to i32
    %sign3A_30 = arith.constant 0 : i32
    %sign3A_31 = arith.cmpi slt, %jit3A, %sign3A_30 : i32
    %sign3A_32 = arith.extui %sign3A_31 : i1 to i32
    %sign3A_33 = arith.subi %sign3A_29, %sign3A_32 : i32
    %ne3A = arith.cmpi ne, %sign3A_26, %sign3A_33 : i32
    %rem3A = arith.remsi %sub3A_20, %jit3A : i32
    %ne3A_34 = arith.constant 0 : i32
    %ne3A_35 = arith.cmpi ne, %rem3A, %ne3A_34 : i32
    %and3A = arith.andi %ne3A, %ne3A_35 : i1
    %sub3A_36 = arith.constant 1 : i32
    %sub3A_37 = arith.subi %div3A, %sub3A_36 : i32
    %select_n3A = arith.select %and3A, %sub3A_37, %div3A : i32
    %sub3A_38 = arith.constant 0 : i32
    %sub3A_39 = arith.subi %select_n3A, %sub3A_38 : i32
    %sub3A_40 = arith.constant 1 : i32
    %sub3A_41 = arith.constant 1 : i32
    %sub3A_42 = arith.subi %sub3A_40, %sub3A_41 : i32
    %add3A_43 = arith.addi %sub3A_39, %sub3A_42 : i32
    %div3A_44 = arith.constant 1 : i32
    %div3A_45 = arith.divsi %add3A_43, %div3A_44 : i32
    %while3A = arith.constant 1 : i32
    %while3A_46 = arith.constant 0 : i32
    %while3A_47 = arith.constant 0 : i32
    %while3A_48 = arith.subi %div3A_45, %while3A_47 : i32
    %while3A_49 = arith.addi %while3A_47, %while3A_48 : i32
    %while3A_50 = arith.constant 1 : i32
    %while3A_51 = arith.divsi %while3A_48, %while3A_50 : i32
    %while3A_52 = arith.muli %while3A_51, %while3A_50 : i32
    %while3A_53 = arith.addi %while3A_47, %while3A_52 : i32
    %while3A_54 = arith.constant 1 : i32
    scf.for %while3A_99 = %while3A_47 to %while3A_53 step %while3A_54  : i32 {
      %mul3A_100 = arith.muli %while3A_99, %while3A : i32
      %add3A_101 = arith.addi %while3A_46, %mul3A_100 : i32
      %mul3A_102 = arith.constant 16 : i32
      %mul3A_103 = arith.muli %add3A_101, %mul3A_102 : i32
      %add3A_104 = vector.broadcast %mul3A_103 : i32 to vector<16xi32>
      %add3A_105 = arith.addi %add3A_104, %iota3A : vector<16xi32>
      %broadcast_in_dim3A_106 = vector.broadcast %scan3A_16 : i32 to vector<16xi32>
      %lt3A = arith.cmpi slt, %add3A_105, %broadcast_in_dim3A_106 : vector<16xi32>
      %get3A = arith.index_cast %mul3A_103 : i32 to index
      %get3A_107 = tpu.vector_load %arg10[%get3A] {strides = array<i32>} : memref<4128xi32, #tpu.memory_space<vmem>>, vector<16xi32>,
      %sub3A_108 = arith.subi %get3A_107, %broadcast_in_dim3A_8 : vector<16xi32>
      %select_n3A_109 = arith.select %lt3A, %sub3A_108, %broadcast_in_dim3A_11 : vector<16xi1>, vector<16xi32>
      %broadcast_in_dim3A_110 = arith.constant -1 : i32
      %broadcast_in_dim3A_111 = vector.broadcast %broadcast_in_dim3A_110 : i32 to vector<16xi32>
      tpu.vector_store_idx %arg8[%select_n3A_109], %broadcast_in_dim3A_111 : memref<3136xi32, #tpu.memory_space<vmem>>[vector<16xi32>], vector<16xi32>,
    }
    %while3A_55 = arith.constant 1 : i32
    scf.for %while3A_99 = %while3A_53 to %while3A_49 step %while3A_55  : i32 {
      %mul3A_100 = arith.muli %while3A_99, %while3A : i32
      %add3A_101 = arith.addi %while3A_46, %mul3A_100 : i32
      %mul3A_102 = arith.constant 16 : i32
      %mul3A_103 = arith.muli %add3A_101, %mul3A_102 : i32
      %add3A_104 = vector.broadcast %mul3A_103 : i32 to vector<16xi32>
      %add3A_105 = arith.addi %add3A_104, %iota3A : vector<16xi32>
      %broadcast_in_dim3A_106 = vector.broadcast %scan3A_16 : i32 to vector<16xi32>
      %lt3A = arith.cmpi slt, %add3A_105, %broadcast_in_dim3A_106 : vector<16xi32>
      %get3A = arith.index_cast %mul3A_103 : i32 to index
      %get3A_107 = tpu.vector_load %arg10[%get3A] {strides = array<i32>} : memref<4128xi32, #tpu.memory_space<vmem>>, vector<16xi32>,
      %sub3A_108 = arith.subi %get3A_107, %broadcast_in_dim3A_8 : vector<16xi32>
      %select_n3A_109 = arith.select %lt3A, %sub3A_108, %broadcast_in_dim3A_11 : vector<16xi1>, vector<16xi32>
      %broadcast_in_dim3A_110 = arith.constant -1 : i32
      %broadcast_in_dim3A_111 = vector.broadcast %broadcast_in_dim3A_110 : i32 to vector<16xi32>
      tpu.vector_store_idx %arg8[%select_n3A_109], %broadcast_in_dim3A_111 : memref<3136xi32, #tpu.memory_space<vmem>>[vector<16xi32>], vector<16xi32>,
    }
    %sub3A_56 = arith.constant 0 : i32
    %sub3A_57 = arith.subi %select_n3A, %sub3A_56 : i32
    %sub3A_58 = arith.constant 1 : i32
    %sub3A_59 = arith.constant 1 : i32
    %sub3A_60 = arith.subi %sub3A_58, %sub3A_59 : i32
    %add3A_61 = arith.addi %sub3A_57, %sub3A_60 : i32
    %div3A_62 = arith.constant 1 : i32
    %div3A_63 = arith.divsi %add3A_61, %div3A_62 : i32
    %while3A_64 = arith.constant 1 : i32
    %while3A_65 = arith.constant 0 : i32
    %while3A_66 = arith.constant 0 : i32
    %while3A_67 = arith.subi %div3A_63, %while3A_66 : i32
    %while3A_68 = arith.addi %while3A_66, %while3A_67 : i32
    %while3A_69 = arith.constant 1 : i32
    %while3A_70 = arith.divsi %while3A_67, %while3A_69 : i32
    %while3A_71 = arith.muli %while3A_70, %while3A_69 : i32
    %while3A_72 = arith.addi %while3A_66, %while3A_71 : i32
    %while3A_73 = arith.constant 1 : i32
    scf.for %while3A_99 = %while3A_66 to %while3A_72 step %while3A_73  : i32 {
      %mul3A_100 = arith.muli %while3A_99, %while3A_64 : i32
      %add3A_101 = arith.addi %while3A_65, %mul3A_100 : i32
      %mul3A_102 = arith.constant 16 : i32
      %mul3A_103 = arith.muli %add3A_101, %mul3A_102 : i32
      %add3A_104 = vector.broadcast %mul3A_103 : i32 to vector<16xi32>
      %add3A_105 = arith.addi %add3A_104, %iota3A : vector<16xi32>
      %broadcast_in_dim3A_106 = vector.broadcast %scan3A_16 : i32 to vector<16xi32>
      %lt3A = arith.cmpi slt, %add3A_105, %broadcast_in_dim3A_106 : vector<16xi32>
      %get3A = arith.index_cast %mul3A_103 : i32 to index
      %get3A_107 = tpu.vector_load %arg10[%get3A] {strides = array<i32>} : memref<4128xi32, #tpu.memory_space<vmem>>, vector<16xi32>,
      %sub3A_108 = arith.subi %get3A_107, %broadcast_in_dim3A_8 : vector<16xi32>
      %select_n3A_109 = arith.select %lt3A, %sub3A_108, %broadcast_in_dim3A_11 : vector<16xi1>, vector<16xi32>
      %get3A_110 = arith.index_cast %mul3A_103 : i32 to index
      %get3A_111 = tpu.vector_load %arg9[%get3A_110] {strides = array<i32>} : memref<4128xi32, #tpu.memory_space<vmem>>, vector<16xi32>,
      tpu.vector_store_idx %arg8[%select_n3A_109], %get3A_111 : memref<3136xi32, #tpu.memory_space<vmem>>[vector<16xi32>], vector<16xi32>,
      %gather3A = tpu.vector_load_idx %arg8[%select_n3A_109] : memref<3136xi32, #tpu.memory_space<vmem>>[vector<16xi32>], vector<16xi32>,
      %lt3A_112 = arith.cmpi slt, %gather3A, %get3A_111 : vector<16xi32>
      %and3A_113 = arith.andi %lt3A, %lt3A_112 : vector<16xi1>
      %all_reduce_population_count3A = tpu.all_reduce %and3A_113 {dim = 0 : i64, kind = #tpu.reduction_kind<sum>} : vector<16xi1> -> vector<16xi32>
      %slice3A = vector.extract_strided_slice %all_reduce_population_count3A {offsets = [0], sizes = [1], strides = [1]} : vector<16xi32> to vector<1xi32>
      %squeeze3A = vector.extract %slice3A[0] : i32 from vector<1xi32>
      %while3A_114:2 = scf.while (%while3A_115 = %squeeze3A, %while3A_116 = %and3A_113) : (i32, vector<16xi1>) -> (i32, vector<16xi1>) {
        %gt3A_117 = arith.constant 0 : i32
        %gt3A_118 = arith.cmpi sgt, %while3A_115, %gt3A_117 : i32
        scf.condition(%gt3A_118) %while3A_115, %while3A_116 : i32, vector<16xi1>
      } do {
      ^bb0(%while3A_115: i32, %while3A_116: vector<16xi1>):
        %select_n3A_117 = arith.select %while3A_116, %select_n3A_109, %broadcast_in_dim3A_11 : vector<16xi1>, vector<16xi32>
        tpu.vector_store_idx %arg8[%select_n3A_117], %get3A_111 : memref<3136xi32, #tpu.memory_space<vmem>>[vector<16xi32>], vector<16xi32>,
        %gather3A_118 = tpu.vector_load_idx %arg8[%select_n3A_117] : memref<3136xi32, #tpu.memory_space<vmem>>[vector<16xi32>], vector<16xi32>,
        %lt3A_119 = arith.cmpi slt, %gather3A_118, %get3A_111 : vector<16xi32>
        %and3A_120 = arith.andi %while3A_116, %lt3A_119 : vector<16xi1>
        %all_reduce_population_count3A_121 = tpu.all_reduce %and3A_120 {dim = 0 : i64, kind = #tpu.reduction_kind<sum>} : vector<16xi1> -> vector<16xi32>
        %slice3A_122 = vector.extract_strided_slice %all_reduce_population_count3A_121 {offsets = [0], sizes = [1], strides = [1]} : vector<16xi32> to vector<1xi32>
        %squeeze3A_123 = vector.extract %slice3A_122[0] : i32 from vector<1xi32>
        scf.yield %squeeze3A_123, %and3A_120 : i32, vector<16xi1>
      }
    }
    %while3A_74 = arith.constant 1 : i32
    scf.for %while3A_99 = %while3A_72 to %while3A_68 step %while3A_74  : i32 {
      %mul3A_100 = arith.muli %while3A_99, %while3A_64 : i32
      %add3A_101 = arith.addi %while3A_65, %mul3A_100 : i32
      %mul3A_102 = arith.constant 16 : i32
      %mul3A_103 = arith.muli %add3A_101, %mul3A_102 : i32
      %add3A_104 = vector.broadcast %mul3A_103 : i32 to vector<16xi32>
      %add3A_105 = arith.addi %add3A_104, %iota3A : vector<16xi32>
      %broadcast_in_dim3A_106 = vector.broadcast %scan3A_16 : i32 to vector<16xi32>
      %lt3A = arith.cmpi slt, %add3A_105, %broadcast_in_dim3A_106 : vector<16xi32>
      %get3A = arith.index_cast %mul3A_103 : i32 to index
      %get3A_107 = tpu.vector_load %arg10[%get3A] {strides = array<i32>} : memref<4128xi32, #tpu.memory_space<vmem>>, vector<16xi32>,
      %sub3A_108 = arith.subi %get3A_107, %broadcast_in_dim3A_8 : vector<16xi32>
      %select_n3A_109 = arith.select %lt3A, %sub3A_108, %broadcast_in_dim3A_11 : vector<16xi1>, vector<16xi32>
      %get3A_110 = arith.index_cast %mul3A_103 : i32 to index
      %get3A_111 = tpu.vector_load %arg9[%get3A_110] {strides = array<i32>} : memref<4128xi32, #tpu.memory_space<vmem>>, vector<16xi32>,
      tpu.vector_store_idx %arg8[%select_n3A_109], %get3A_111 : memref<3136xi32, #tpu.memory_space<vmem>>[vector<16xi32>], vector<16xi32>,
      %gather3A = tpu.vector_load_idx %arg8[%select_n3A_109] : memref<3136xi32, #tpu.memory_space<vmem>>[vector<16xi32>], vector<16xi32>,
      %lt3A_112 = arith.cmpi slt, %gather3A, %get3A_111 : vector<16xi32>
      %and3A_113 = arith.andi %lt3A, %lt3A_112 : vector<16xi1>
      %all_reduce_population_count3A = tpu.all_reduce %and3A_113 {dim = 0 : i64, kind = #tpu.reduction_kind<sum>} : vector<16xi1> -> vector<16xi32>
      %slice3A = vector.extract_strided_slice %all_reduce_population_count3A {offsets = [0], sizes = [1], strides = [1]} : vector<16xi32> to vector<1xi32>
      %squeeze3A = vector.extract %slice3A[0] : i32 from vector<1xi32>
      %while3A_114:2 = scf.while (%while3A_115 = %squeeze3A, %while3A_116 = %and3A_113) : (i32, vector<16xi1>) -> (i32, vector<16xi1>) {
        %gt3A_117 = arith.constant 0 : i32
        %gt3A_118 = arith.cmpi sgt, %while3A_115, %gt3A_117 : i32
        scf.condition(%gt3A_118) %while3A_115, %while3A_116 : i32, vector<16xi1>
      } do {
      ^bb0(%while3A_115: i32, %while3A_116: vector<16xi1>):
        %select_n3A_117 = arith.select %while3A_116, %select_n3A_109, %broadcast_in_dim3A_11 : vector<16xi1>, vector<16xi32>
        tpu.vector_store_idx %arg8[%select_n3A_117], %get3A_111 : memref<3136xi32, #tpu.memory_space<vmem>>[vector<16xi32>], vector<16xi32>,
        %gather3A_118 = tpu.vector_load_idx %arg8[%select_n3A_117] : memref<3136xi32, #tpu.memory_space<vmem>>[vector<16xi32>], vector<16xi32>,
        %lt3A_119 = arith.cmpi slt, %gather3A_118, %get3A_111 : vector<16xi32>
        %and3A_120 = arith.andi %while3A_116, %lt3A_119 : vector<16xi1>
        %all_reduce_population_count3A_121 = tpu.all_reduce %and3A_120 {dim = 0 : i64, kind = #tpu.reduction_kind<sum>} : vector<16xi1> -> vector<16xi32>
        %slice3A_122 = vector.extract_strided_slice %all_reduce_population_count3A_121 {offsets = [0], sizes = [1], strides = [1]} : vector<16xi32> to vector<1xi32>
        %squeeze3A_123 = vector.extract %slice3A_122[0] : i32 from vector<1xi32>
        scf.yield %squeeze3A_123, %and3A_120 : i32, vector<16xi1>
      }
    }
    %sub3A_75 = arith.constant 0 : i32
    %sub3A_76 = arith.subi %select_n3A, %sub3A_75 : i32
    %sub3A_77 = arith.constant 1 : i32
    %sub3A_78 = arith.constant 1 : i32
    %sub3A_79 = arith.subi %sub3A_77, %sub3A_78 : i32
    %add3A_80 = arith.addi %sub3A_76, %sub3A_79 : i32
    %div3A_81 = arith.constant 1 : i32
    %div3A_82 = arith.divsi %add3A_80, %div3A_81 : i32
    %while3A_83 = arith.constant 1 : i32
    %while3A_84 = arith.constant 0 : i32
    %while3A_85 = arith.constant 0 : i32
    %while3A_86 = arith.constant 0 : i32
    %while3A_87 = arith.subi %div3A_82, %while3A_85 : i32
    %while3A_88 = arith.addi %while3A_85, %while3A_87 : i32
    %while3A_89 = arith.constant 1 : i32
    %while3A_90 = arith.divsi %while3A_87, %while3A_89 : i32
    %while3A_91 = arith.muli %while3A_90, %while3A_89 : i32
    %while3A_92 = arith.addi %while3A_85, %while3A_91 : i32
    %while3A_93 = arith.constant 1 : i32
    %while3A_94 = scf.for %while3A_99 = %while3A_85 to %while3A_92 step %while3A_93 iter_args(%while3A_100 = %while3A_86) -> (i32)  : i32 {
      %mul3A_101 = arith.muli %while3A_99, %while3A_83 : i32
      %add3A_102 = arith.addi %while3A_84, %mul3A_101 : i32
      %mul3A_103 = arith.constant 16 : i32
      %mul3A_104 = arith.muli %add3A_102, %mul3A_103 : i32
      %add3A_105 = vector.broadcast %mul3A_104 : i32 to vector<16xi32>
      %add3A_106 = arith.addi %add3A_105, %iota3A : vector<16xi32>
      %broadcast_in_dim3A_107 = vector.broadcast %scan3A_16 : i32 to vector<16xi32>
      %lt3A = arith.cmpi slt, %add3A_106, %broadcast_in_dim3A_107 : vector<16xi32>
      %get3A = arith.index_cast %mul3A_104 : i32 to index
      %get3A_108 = tpu.vector_load %arg10[%get3A] {strides = array<i32>} : memref<4128xi32, #tpu.memory_space<vmem>>, vector<16xi32>,
      %sub3A_109 = arith.subi %get3A_108, %broadcast_in_dim3A_8 : vector<16xi32>
      %select_n3A_110 = arith.select %lt3A, %sub3A_109, %broadcast_in_dim3A_11 : vector<16xi1>, vector<16xi32>
      %get3A_111 = arith.index_cast %mul3A_104 : i32 to index
      %get3A_112 = tpu.vector_load %arg9[%get3A_111] {strides = array<i32>} : memref<4128xi32, #tpu.memory_space<vmem>>, vector<16xi32>,
      %gather3A = tpu.vector_load_idx %arg8[%select_n3A_110] : memref<3136xi32, #tpu.memory_space<vmem>>[vector<16xi32>], vector<16xi32>,
      %eq3A = arith.cmpi eq, %gather3A, %get3A_112 : vector<16xi32>
      %and3A_113 = arith.andi %lt3A, %eq3A : vector<16xi1>
      %select_n3A_114 = arith.select %and3A_113, %broadcast_in_dim3A_5, %broadcast_in_dim3A_7 : vector<16xi1>, vector<16xi32>
      %broadcast_in_dim3A_115 = arith.constant true
      %broadcast_in_dim3A_116 = vector.broadcast %broadcast_in_dim3A_115 : i1 to vector<16xi1>
      %masked_cumsum3A = tpu.scan <sum>, %select_n3A_114 masked %broadcast_in_dim3A_116 : vector<16xi32>, vector<16xi1> -> vector<16xi32>
      %sub3A_117 = arith.constant 1 : i32
      %sub3A_118 = arith.subi %while3A_100, %sub3A_117 : i32
      %broadcast_in_dim3A_119 = vector.broadcast %sub3A_118 : i32 to vector<16xi32>
      %add3A_120 = arith.addi %masked_cumsum3A, %broadcast_in_dim3A_119 : vector<16xi32>
      %broadcast_in_dim3A_121 = arith.constant 4127 : i32
      %broadcast_in_dim3A_122 = vector.broadcast %broadcast_in_dim3A_121 : i32 to vector<16xi32>
      %select_n3A_123 = arith.select %and3A_113, %add3A_120, %broadcast_in_dim3A_122 : vector<16xi1>, vector<16xi32>
      tpu.vector_store_idx %arg9[%select_n3A_123], %get3A_112 : memref<4128xi32, #tpu.memory_space<vmem>>[vector<16xi32>], vector<16xi32>,
      tpu.vector_store_idx %arg10[%select_n3A_123], %get3A_108 : memref<4128xi32, #tpu.memory_space<vmem>>[vector<16xi32>], vector<16xi32>,
      %all_reduce_population_count3A = tpu.all_reduce %and3A_113 {dim = 0 : i64, kind = #tpu.reduction_kind<sum>} : vector<16xi1> -> vector<16xi32>
      %slice3A = vector.extract_strided_slice %all_reduce_population_count3A {offsets = [0], sizes = [1], strides = [1]} : vector<16xi32> to vector<1xi32>
      %squeeze3A = vector.extract %slice3A[0] : i32 from vector<1xi32>
      %add3A_124 = arith.addi %while3A_100, %squeeze3A : i32
      scf.yield %add3A_124 : i32
    }
    %while3A_95 = arith.constant 1 : i32
    %while3A_96 = scf.for %while3A_99 = %while3A_92 to %while3A_88 step %while3A_95 iter_args(%while3A_100 = %while3A_94) -> (i32)  : i32 {
      %mul3A_101 = arith.muli %while3A_99, %while3A_83 : i32
      %add3A_102 = arith.addi %while3A_84, %mul3A_101 : i32
      %mul3A_103 = arith.constant 16 : i32
      %mul3A_104 = arith.muli %add3A_102, %mul3A_103 : i32
      %add3A_105 = vector.broadcast %mul3A_104 : i32 to vector<16xi32>
      %add3A_106 = arith.addi %add3A_105, %iota3A : vector<16xi32>
      %broadcast_in_dim3A_107 = vector.broadcast %scan3A_16 : i32 to vector<16xi32>
      %lt3A = arith.cmpi slt, %add3A_106, %broadcast_in_dim3A_107 : vector<16xi32>
      %get3A = arith.index_cast %mul3A_104 : i32 to index
      %get3A_108 = tpu.vector_load %arg10[%get3A] {strides = array<i32>} : memref<4128xi32, #tpu.memory_space<vmem>>, vector<16xi32>,
      %sub3A_109 = arith.subi %get3A_108, %broadcast_in_dim3A_8 : vector<16xi32>
      %select_n3A_110 = arith.select %lt3A, %sub3A_109, %broadcast_in_dim3A_11 : vector<16xi1>, vector<16xi32>
      %get3A_111 = arith.index_cast %mul3A_104 : i32 to index
      %get3A_112 = tpu.vector_load %arg9[%get3A_111] {strides = array<i32>} : memref<4128xi32, #tpu.memory_space<vmem>>, vector<16xi32>,
      %gather3A = tpu.vector_load_idx %arg8[%select_n3A_110] : memref<3136xi32, #tpu.memory_space<vmem>>[vector<16xi32>], vector<16xi32>,
      %eq3A = arith.cmpi eq, %gather3A, %get3A_112 : vector<16xi32>
      %and3A_113 = arith.andi %lt3A, %eq3A : vector<16xi1>
      %select_n3A_114 = arith.select %and3A_113, %broadcast_in_dim3A_5, %broadcast_in_dim3A_7 : vector<16xi1>, vector<16xi32>
      %broadcast_in_dim3A_115 = arith.constant true
      %broadcast_in_dim3A_116 = vector.broadcast %broadcast_in_dim3A_115 : i1 to vector<16xi1>
      %masked_cumsum3A = tpu.scan <sum>, %select_n3A_114 masked %broadcast_in_dim3A_116 : vector<16xi32>, vector<16xi1> -> vector<16xi32>
      %sub3A_117 = arith.constant 1 : i32
      %sub3A_118 = arith.subi %while3A_100, %sub3A_117 : i32
      %broadcast_in_dim3A_119 = vector.broadcast %sub3A_118 : i32 to vector<16xi32>
      %add3A_120 = arith.addi %masked_cumsum3A, %broadcast_in_dim3A_119 : vector<16xi32>
      %broadcast_in_dim3A_121 = arith.constant 4127 : i32
      %broadcast_in_dim3A_122 = vector.broadcast %broadcast_in_dim3A_121 : i32 to vector<16xi32>
      %select_n3A_123 = arith.select %and3A_113, %add3A_120, %broadcast_in_dim3A_122 : vector<16xi1>, vector<16xi32>
      tpu.vector_store_idx %arg9[%select_n3A_123], %get3A_112 : memref<4128xi32, #tpu.memory_space<vmem>>[vector<16xi32>], vector<16xi32>,
      tpu.vector_store_idx %arg10[%select_n3A_123], %get3A_108 : memref<4128xi32, #tpu.memory_space<vmem>>[vector<16xi32>], vector<16xi32>,
      %all_reduce_population_count3A = tpu.all_reduce %and3A_113 {dim = 0 : i64, kind = #tpu.reduction_kind<sum>} : vector<16xi1> -> vector<16xi32>
      %slice3A = vector.extract_strided_slice %all_reduce_population_count3A {offsets = [0], sizes = [1], strides = [1]} : vector<16xi32> to vector<1xi32>
      %squeeze3A = vector.extract %slice3A[0] : i32 from vector<1xi32>
      %add3A_124 = arith.addi %while3A_100, %squeeze3A : i32
      scf.yield %add3A_124 : i32
    }
    %gt3A = arith.constant 0 : i32
    %gt3A_97 = arith.cmpi sgt, %while3A_96, %gt3A : i32
    %convert_element_type3A = arith.extui %gt3A_97 : i1 to i32
    %cond3A = arith.constant 0 : i32
    %cond3A_98 = arith.cmpi ne, %convert_element_type3A, %cond3A : i32
    scf.if %cond3A_98 {
      %jit3A_99 = arith.constant 128 : i32
      %div3A_100 = arith.divsi %while3A_96, %jit3A_99 : i32
      %sign3A_101 = arith.constant 0 : i32
      %sign3A_102 = arith.cmpi sgt, %while3A_96, %sign3A_101 : i32
      %sign3A_103 = arith.extui %sign3A_102 : i1 to i32
      %sign3A_104 = arith.constant 0 : i32
      %sign3A_105 = arith.cmpi slt, %while3A_96, %sign3A_104 : i32
      %sign3A_106 = arith.extui %sign3A_105 : i1 to i32
      %sign3A_107 = arith.subi %sign3A_103, %sign3A_106 : i32
      %sign3A_108 = arith.constant 0 : i32
      %sign3A_109 = arith.cmpi sgt, %jit3A_99, %sign3A_108 : i32
      %sign3A_110 = arith.extui %sign3A_109 : i1 to i32
      %sign3A_111 = arith.constant 0 : i32
      %sign3A_112 = arith.cmpi slt, %jit3A_99, %sign3A_111 : i32
      %sign3A_113 = arith.extui %sign3A_112 : i1 to i32
      %sign3A_114 = arith.subi %sign3A_110, %sign3A_113 : i32
      %ne3A_115 = arith.cmpi ne, %sign3A_107, %sign3A_114 : i32
      %rem3A_116 = arith.remsi %while3A_96, %jit3A_99 : i32
      %ne3A_117 = arith.constant 0 : i32
      %ne3A_118 = arith.cmpi ne, %rem3A_116, %ne3A_117 : i32
      %and3A_119 = arith.andi %ne3A_115, %ne3A_118 : i1
      %sub3A_120 = arith.constant 1 : i32
      %sub3A_121 = arith.subi %div3A_100, %sub3A_120 : i32
      %select_n3A_122 = arith.select %and3A_119, %sub3A_121, %div3A_100 : i32
      %mul3A_123 = arith.constant 128 : i32
      %mul3A_124 = arith.muli %select_n3A_122, %mul3A_123 : i32
      %sub3A_125 = arith.subi %while3A_96, %mul3A_124 : i32
      %add3A_126 = arith.constant 16 : i32
      %add3A_127 = arith.addi %sub3A_125, %add3A_126 : i32
      %sub3A_128 = arith.constant 1 : i32
      %sub3A_129 = arith.subi %add3A_127, %sub3A_128 : i32
      %jit3A_130 = arith.constant 16 : i32
      %div3A_131 = arith.divsi %sub3A_129, %jit3A_130 : i32
      %sign3A_132 = arith.constant 0 : i32
      %sign3A_133 = arith.cmpi sgt, %sub3A_129, %sign3A_132 : i32
      %sign3A_134 = arith.extui %sign3A_133 : i1 to i32
      %sign3A_135 = arith.constant 0 : i32
      %sign3A_136 = arith.cmpi slt, %sub3A_129, %sign3A_135 : i32
      %sign3A_137 = arith.extui %sign3A_136 : i1 to i32
      %sign3A_138 = arith.subi %sign3A_134, %sign3A_137 : i32
      %sign3A_139 = arith.constant 0 : i32
      %sign3A_140 = arith.cmpi sgt, %jit3A_130, %sign3A_139 : i32
      %sign3A_141 = arith.extui %sign3A_140 : i1 to i32
      %sign3A_142 = arith.constant 0 : i32
      %sign3A_143 = arith.cmpi slt, %jit3A_130, %sign3A_142 : i32
      %sign3A_144 = arith.extui %sign3A_143 : i1 to i32
      %sign3A_145 = arith.subi %sign3A_141, %sign3A_144 : i32
      %ne3A_146 = arith.cmpi ne, %sign3A_138, %sign3A_145 : i32
      %rem3A_147 = arith.remsi %sub3A_129, %jit3A_130 : i32
      %ne3A_148 = arith.constant 0 : i32
      %ne3A_149 = arith.cmpi ne, %rem3A_147, %ne3A_148 : i32
      %and3A_150 = arith.andi %ne3A_146, %ne3A_149 : i1
      %sub3A_151 = arith.constant 1 : i32
      %sub3A_152 = arith.subi %div3A_131, %sub3A_151 : i32
      %select_n3A_153 = arith.select %and3A_150, %sub3A_152, %div3A_131 : i32
      %mul3A_154 = arith.constant 128 : i32
      %mul3A_155 = arith.muli %select_n3A_122, %mul3A_154 : i32
      %mul3A_156 = arith.constant 16 : i32
      %mul3A_157 = arith.muli %select_n3A_153, %mul3A_156 : i32
      %add3A_158 = arith.addi %mul3A_155, %mul3A_157 : i32
      %sub3A_159 = arith.constant 1 : i32
      %sub3A_160 = arith.subi %while3A_96, %sub3A_159 : i32
      %get3A = arith.index_cast %sub3A_160 : i32 to index
      %get3A_161 = tpu.vector_load %arg10[%get3A] {strides = array<i32>} : memref<4128xi32, #tpu.memory_space<vmem>>, vector<16xi32>,
      %slice3A = vector.extract_strided_slice %get3A_161 {offsets = [0], sizes = [1], strides = [1]} : vector<16xi32> to vector<1xi32>
      %squeeze3A = vector.extract %slice3A[0] : i32 from vector<1xi32>
      %sub3A_162 = arith.constant 1 : i32
      %sub3A_163 = arith.subi %while3A_96, %sub3A_162 : i32
      %get3A_164 = arith.index_cast %sub3A_163 : i32 to index
      %get3A_165 = tpu.vector_load %arg9[%get3A_164] {strides = array<i32>} : memref<4128xi32, #tpu.memory_space<vmem>>, vector<16xi32>,
      %slice3A_166 = vector.extract_strided_slice %get3A_165 {offsets = [0], sizes = [1], strides = [1]} : vector<16xi32> to vector<1xi32>
      %squeeze3A_167 = vector.extract %slice3A_166[0] : i32 from vector<1xi32>
      %jit3A_168 = arith.constant 16 : i32
      %div3A_169 = arith.divsi %while3A_96, %jit3A_168 : i32
      %sign3A_170 = arith.constant 0 : i32
      %sign3A_171 = arith.cmpi sgt, %while3A_96, %sign3A_170 : i32
      %sign3A_172 = arith.extui %sign3A_171 : i1 to i32
      %sign3A_173 = arith.constant 0 : i32
      %sign3A_174 = arith.cmpi slt, %while3A_96, %sign3A_173 : i32
      %sign3A_175 = arith.extui %sign3A_174 : i1 to i32
      %sign3A_176 = arith.subi %sign3A_172, %sign3A_175 : i32
      %sign3A_177 = arith.constant 0 : i32
      %sign3A_178 = arith.cmpi sgt, %jit3A_168, %sign3A_177 : i32
      %sign3A_179 = arith.extui %sign3A_178 : i1 to i32
      %sign3A_180 = arith.constant 0 : i32
      %sign3A_181 = arith.cmpi slt, %jit3A_168, %sign3A_180 : i32
      %sign3A_182 = arith.extui %sign3A_181 : i1 to i32
      %sign3A_183 = arith.subi %sign3A_179, %sign3A_182 : i32
      %ne3A_184 = arith.cmpi ne, %sign3A_176, %sign3A_183 : i32
      %rem3A_185 = arith.remsi %while3A_96, %jit3A_168 : i32
      %ne3A_186 = arith.constant 0 : i32
      %ne3A_187 = arith.cmpi ne, %rem3A_185, %ne3A_186 : i32
      %and3A_188 = arith.andi %ne3A_184, %ne3A_187 : i1
      %sub3A_189 = arith.constant 1 : i32
      %sub3A_190 = arith.subi %div3A_169, %sub3A_189 : i32
      %select_n3A_191 = arith.select %and3A_188, %sub3A_190, %div3A_169 : i32
      %jit3A_192 = arith.constant 16 : i32
      %div3A_193 = arith.divsi %add3A_158, %jit3A_192 : i32
      %sign3A_194 = arith.constant 0 : i32
      %sign3A_195 = arith.cmpi sgt, %add3A_158, %sign3A_194 : i32
      %sign3A_196 = arith.extui %sign3A_195 : i1 to i32
      %sign3A_197 = arith.constant 0 : i32
      %sign3A_198 = arith.cmpi slt, %add3A_158, %sign3A_197 : i32
      %sign3A_199 = arith.extui %sign3A_198 : i1 to i32
      %sign3A_200 = arith.subi %sign3A_196, %sign3A_199 : i32
      %sign3A_201 = arith.constant 0 : i32
      %sign3A_202 = arith.cmpi sgt, %jit3A_192, %sign3A_201 : i32
      %sign3A_203 = arith.extui %sign3A_202 : i1 to i32
      %sign3A_204 = arith.constant 0 : i32
      %sign3A_205 = arith.cmpi slt, %jit3A_192, %sign3A_204 : i32
      %sign3A_206 = arith.extui %sign3A_205 : i1 to i32
      %sign3A_207 = arith.subi %sign3A_203, %sign3A_206 : i32
      %ne3A_208 = arith.cmpi ne, %sign3A_200, %sign3A_207 : i32
      %rem3A_209 = arith.remsi %add3A_158, %jit3A_192 : i32
      %ne3A_210 = arith.constant 0 : i32
      %ne3A_211 = arith.cmpi ne, %rem3A_209, %ne3A_210 : i32
      %and3A_212 = arith.andi %ne3A_208, %ne3A_211 : i1
      %sub3A_213 = arith.constant 1 : i32
      %sub3A_214 = arith.subi %div3A_193, %sub3A_213 : i32
      %select_n3A_215 = arith.select %and3A_212, %sub3A_214, %div3A_193 : i32
      %sub3A_216 = arith.subi %select_n3A_215, %select_n3A_191 : i32
      %sub3A_217 = arith.constant 1 : i32
      %sub3A_218 = arith.constant 1 : i32
      %sub3A_219 = arith.subi %sub3A_217, %sub3A_218 : i32
      %add3A_220 = arith.addi %sub3A_216, %sub3A_219 : i32
      %div3A_221 = arith.constant 1 : i32
      %div3A_222 = arith.divsi %add3A_220, %div3A_221 : i32
      %while3A_223 = arith.constant 1 : i32
      %while3A_224 = arith.constant 0 : i32
      %while3A_225 = arith.subi %div3A_222, %while3A_224 : i32
      %while3A_226 = arith.addi %while3A_224, %while3A_225 : i32
      %while3A_227 = arith.constant 1 : i32
      %while3A_228 = arith.divsi %while3A_225, %while3A_227 : i32
      %while3A_229 = arith.muli %while3A_228, %while3A_227 : i32
      %while3A_230 = arith.addi %while3A_224, %while3A_229 : i32
      %while3A_231 = arith.constant 1 : i32
      scf.for %while3A_351 = %while3A_224 to %while3A_230 step %while3A_231  : i32 {
        %mul3A_352 = arith.muli %while3A_351, %while3A_223 : i32
        %add3A_353 = arith.addi %select_n3A_191, %mul3A_352 : i32
        %mul3A_354 = arith.constant 16 : i32
        %mul3A_355 = arith.muli %add3A_353, %mul3A_354 : i32
        %add3A_356 = vector.broadcast %mul3A_355 : i32 to vector<16xi32>
        %add3A_357 = arith.addi %add3A_356, %iota3A : vector<16xi32>
        %broadcast_in_dim3A_358 = vector.broadcast %while3A_96 : i32 to vector<16xi32>
        %lt3A = arith.cmpi slt, %add3A_357, %broadcast_in_dim3A_358 : vector<16xi32>
        %get3A_359 = arith.index_cast %mul3A_355 : i32 to index
        %get3A_360 = tpu.vector_load %arg10[%get3A_359] {strides = array<i32>} : memref<4128xi32, #tpu.memory_space<vmem>>, vector<16xi32>,
        %get3A_361 = arith.index_cast %mul3A_355 : i32 to index
        %get3A_362 = tpu.vector_load %arg9[%get3A_361] {strides = array<i32>} : memref<4128xi32, #tpu.memory_space<vmem>>, vector<16xi32>,
        %broadcast_in_dim3A_363 = vector.broadcast %squeeze3A : i32 to vector<16xi32>
        %select_n3A_364 = arith.select %lt3A, %get3A_360, %broadcast_in_dim3A_363 : vector<16xi1>, vector<16xi32>
        %swap3A = arith.index_cast %mul3A_355 : i32 to index
        %swap3A_365 = tpu.vector_load %arg10[%swap3A] {strides = array<i32>} : memref<4128xi32, #tpu.memory_space<vmem>>, vector<16xi32>,
        tpu.vector_store %arg10[%swap3A], %select_n3A_364 {strides = array<i32>} : memref<4128xi32, #tpu.memory_space<vmem>>, vector<16xi32>,
        %broadcast_in_dim3A_366 = vector.broadcast %squeeze3A_167 : i32 to vector<16xi32>
        %select_n3A_367 = arith.select %lt3A, %get3A_362, %broadcast_in_dim3A_366 : vector<16xi1>, vector<16xi32>
        %swap3A_368 = arith.index_cast %mul3A_355 : i32 to index
        %swap3A_369 = tpu.vector_load %arg9[%swap3A_368] {strides = array<i32>} : memref<4128xi32, #tpu.memory_space<vmem>>, vector<16xi32>,
        tpu.vector_store %arg9[%swap3A_368], %select_n3A_367 {strides = array<i32>} : memref<4128xi32, #tpu.memory_space<vmem>>, vector<16xi32>,
      }
      %while3A_232 = arith.constant 1 : i32
      scf.for %while3A_351 = %while3A_230 to %while3A_226 step %while3A_232  : i32 {
        %mul3A_352 = arith.muli %while3A_351, %while3A_223 : i32
        %add3A_353 = arith.addi %select_n3A_191, %mul3A_352 : i32
        %mul3A_354 = arith.constant 16 : i32
        %mul3A_355 = arith.muli %add3A_353, %mul3A_354 : i32
        %add3A_356 = vector.broadcast %mul3A_355 : i32 to vector<16xi32>
        %add3A_357 = arith.addi %add3A_356, %iota3A : vector<16xi32>
        %broadcast_in_dim3A_358 = vector.broadcast %while3A_96 : i32 to vector<16xi32>
        %lt3A = arith.cmpi slt, %add3A_357, %broadcast_in_dim3A_358 : vector<16xi32>
        %get3A_359 = arith.index_cast %mul3A_355 : i32 to index
        %get3A_360 = tpu.vector_load %arg10[%get3A_359] {strides = array<i32>} : memref<4128xi32, #tpu.memory_space<vmem>>, vector<16xi32>,
        %get3A_361 = arith.index_cast %mul3A_355 : i32 to index
        %get3A_362 = tpu.vector_load %arg9[%get3A_361] {strides = array<i32>} : memref<4128xi32, #tpu.memory_space<vmem>>, vector<16xi32>,
        %broadcast_in_dim3A_363 = vector.broadcast %squeeze3A : i32 to vector<16xi32>
        %select_n3A_364 = arith.select %lt3A, %get3A_360, %broadcast_in_dim3A_363 : vector<16xi1>, vector<16xi32>
        %swap3A = arith.index_cast %mul3A_355 : i32 to index
        %swap3A_365 = tpu.vector_load %arg10[%swap3A] {strides = array<i32>} : memref<4128xi32, #tpu.memory_space<vmem>>, vector<16xi32>,
        tpu.vector_store %arg10[%swap3A], %select_n3A_364 {strides = array<i32>} : memref<4128xi32, #tpu.memory_space<vmem>>, vector<16xi32>,
        %broadcast_in_dim3A_366 = vector.broadcast %squeeze3A_167 : i32 to vector<16xi32>
        %select_n3A_367 = arith.select %lt3A, %get3A_362, %broadcast_in_dim3A_366 : vector<16xi1>, vector<16xi32>
        %swap3A_368 = arith.index_cast %mul3A_355 : i32 to index
        %swap3A_369 = tpu.vector_load %arg9[%swap3A_368] {strides = array<i32>} : memref<4128xi32, #tpu.memory_space<vmem>>, vector<16xi32>,
        tpu.vector_store %arg9[%swap3A_368], %select_n3A_367 {strides = array<i32>} : memref<4128xi32, #tpu.memory_space<vmem>>, vector<16xi32>,
      }
      %sub3A_233 = arith.constant 0 : i32
      %sub3A_234 = arith.subi %select_n3A_122, %sub3A_233 : i32
      %sub3A_235 = arith.constant 1 : i32
      %sub3A_236 = arith.constant 1 : i32
      %sub3A_237 = arith.subi %sub3A_235, %sub3A_236 : i32
      %add3A_238 = arith.addi %sub3A_234, %sub3A_237 : i32
      %div3A_239 = arith.constant 1 : i32
      %div3A_240 = arith.divsi %add3A_238, %div3A_239 : i32
      %while3A_241 = arith.constant 1 : i32
      %while3A_242 = arith.constant 0 : i32
      %while3A_243 = arith.constant 0 : i32
      %while3A_244 = arith.subi %div3A_240, %while3A_243 : i32
      %while3A_245 = arith.addi %while3A_243, %while3A_244 : i32
      %while3A_246 = arith.constant 1 : i32
      %while3A_247 = arith.divsi %while3A_244, %while3A_246 : i32
      %while3A_248 = arith.muli %while3A_247, %while3A_246 : i32
      %while3A_249 = arith.addi %while3A_243, %while3A_248 : i32
      %while3A_250 = arith.constant 1 : i32
      scf.for %while3A_351 = %while3A_243 to %while3A_249 step %while3A_250  : i32 {
        %mul3A_352 = arith.muli %while3A_351, %while3A_241 : i32
        %add3A_353 = arith.addi %while3A_242, %mul3A_352 : i32
        %mul3A_354 = arith.constant 128 : i32
        %mul3A_355 = arith.muli %add3A_353, %mul3A_354 : i32
        %add3A_356 = arith.constant 0 : i32
        %add3A_357 = arith.addi %mul3A_355, %add3A_356 : i32
        %get3A_358 = arith.index_cast %add3A_357 : i32 to index
        %get3A_359 = tpu.vector_load %arg10[%get3A_358] {strides = array<i32>} : memref<4128xi32, #tpu.memory_space<vmem>>, vector<16xi32>,
        %swap3A = arith.index_cast %add3A_353 : i32 to index
        %swap3A_360 = arith.constant 0 : index
        %swap3A_361 = tpu.vector_load %arg11[%swap3A, %swap3A_360] {strides = array<i32>} : memref<32x128xi32, #tpu.memory_space<vmem>>, vector<16xi32>,
        tpu.vector_store %arg11[%swap3A, %swap3A_360], %get3A_359 {strides = array<i32>} : memref<32x128xi32, #tpu.memory_space<vmem>>, vector<16xi32>,
        %add3A_362 = arith.constant 16 : i32
        %add3A_363 = arith.addi %mul3A_355, %add3A_362 : i32
        %get3A_364 = arith.index_cast %add3A_363 : i32 to index
        %get3A_365 = tpu.vector_load %arg10[%get3A_364] {strides = array<i32>} : memref<4128xi32, #tpu.memory_space<vmem>>, vector<16xi32>,
        %swap3A_366 = arith.index_cast %add3A_353 : i32 to index
        %swap3A_367 = arith.constant 16 : index
        %swap3A_368 = tpu.vector_load %arg11[%swap3A_366, %swap3A_367] {strides = array<i32>} : memref<32x128xi32, #tpu.memory_space<vmem>>, vector<16xi32>,
        tpu.vector_store %arg11[%swap3A_366, %swap3A_367], %get3A_365 {strides = array<i32>} : memref<32x128xi32, #tpu.memory_space<vmem>>, vector<16xi32>,
        %add3A_369 = arith.constant 32 : i32
        %add3A_370 = arith.addi %mul3A_355, %add3A_369 : i32
        %get3A_371 = arith.index_cast %add3A_370 : i32 to index
        %get3A_372 = tpu.vector_load %arg10[%get3A_371] {strides = array<i32>} : memref<4128xi32, #tpu.memory_space<vmem>>, vector<16xi32>,
        %swap3A_373 = arith.index_cast %add3A_353 : i32 to index
        %swap3A_374 = arith.constant 32 : index
        %swap3A_375 = tpu.vector_load %arg11[%swap3A_373, %swap3A_374] {strides = array<i32>} : memref<32x128xi32, #tpu.memory_space<vmem>>, vector<16xi32>,
        tpu.vector_store %arg11[%swap3A_373, %swap3A_374], %get3A_372 {strides = array<i32>} : memref<32x128xi32, #tpu.memory_space<vmem>>, vector<16xi32>,
        %add3A_376 = arith.constant 48 : i32
        %add3A_377 = arith.addi %mul3A_355, %add3A_376 : i32
        %get3A_378 = arith.index_cast %add3A_377 : i32 to index
        %get3A_379 = tpu.vector_load %arg10[%get3A_378] {strides = array<i32>} : memref<4128xi32, #tpu.memory_space<vmem>>, vector<16xi32>,
        %swap3A_380 = arith.index_cast %add3A_353 : i32 to index
        %swap3A_381 = arith.constant 48 : index
        %swap3A_382 = tpu.vector_load %arg11[%swap3A_380, %swap3A_381] {strides = array<i32>} : memref<32x128xi32, #tpu.memory_space<vmem>>, vector<16xi32>,
        tpu.vector_store %arg11[%swap3A_380, %swap3A_381], %get3A_379 {strides = array<i32>} : memref<32x128xi32, #tpu.memory_space<vmem>>, vector<16xi32>,
        %add3A_383 = arith.constant 64 : i32
        %add3A_384 = arith.addi %mul3A_355, %add3A_383 : i32
        %get3A_385 = arith.index_cast %add3A_384 : i32 to index
        %get3A_386 = tpu.vector_load %arg10[%get3A_385] {strides = array<i32>} : memref<4128xi32, #tpu.memory_space<vmem>>, vector<16xi32>,
        %swap3A_387 = arith.index_cast %add3A_353 : i32 to index
        %swap3A_388 = arith.constant 64 : index
        %swap3A_389 = tpu.vector_load %arg11[%swap3A_387, %swap3A_388] {strides = array<i32>} : memref<32x128xi32, #tpu.memory_space<vmem>>, vector<16xi32>,
        tpu.vector_store %arg11[%swap3A_387, %swap3A_388], %get3A_386 {strides = array<i32>} : memref<32x128xi32, #tpu.memory_space<vmem>>, vector<16xi32>,
        %add3A_390 = arith.constant 80 : i32
        %add3A_391 = arith.addi %mul3A_355, %add3A_390 : i32
        %get3A_392 = arith.index_cast %add3A_391 : i32 to index
        %get3A_393 = tpu.vector_load %arg10[%get3A_392] {strides = array<i32>} : memref<4128xi32, #tpu.memory_space<vmem>>, vector<16xi32>,
        %swap3A_394 = arith.index_cast %add3A_353 : i32 to index
        %swap3A_395 = arith.constant 80 : index
        %swap3A_396 = tpu.vector_load %arg11[%swap3A_394, %swap3A_395] {strides = array<i32>} : memref<32x128xi32, #tpu.memory_space<vmem>>, vector<16xi32>,
        tpu.vector_store %arg11[%swap3A_394, %swap3A_395], %get3A_393 {strides = array<i32>} : memref<32x128xi32, #tpu.memory_space<vmem>>, vector<16xi32>,
        %add3A_397 = arith.constant 96 : i32
        %add3A_398 = arith.addi %mul3A_355, %add3A_397 : i32
        %get3A_399 = arith.index_cast %add3A_398 : i32 to index
        %get3A_400 = tpu.vector_load %arg10[%get3A_399] {strides = array<i32>} : memref<4128xi32, #tpu.memory_space<vmem>>, vector<16xi32>,
        %swap3A_401 = arith.index_cast %add3A_353 : i32 to index
        %swap3A_402 = arith.constant 96 : index
        %swap3A_403 = tpu.vector_load %arg11[%swap3A_401, %swap3A_402] {strides = array<i32>} : memref<32x128xi32, #tpu.memory_space<vmem>>, vector<16xi32>,
        tpu.vector_store %arg11[%swap3A_401, %swap3A_402], %get3A_400 {strides = array<i32>} : memref<32x128xi32, #tpu.memory_space<vmem>>, vector<16xi32>,
        %add3A_404 = arith.constant 112 : i32
        %add3A_405 = arith.addi %mul3A_355, %add3A_404 : i32
        %get3A_406 = arith.index_cast %add3A_405 : i32 to index
        %get3A_407 = tpu.vector_load %arg10[%get3A_406] {strides = array<i32>} : memref<4128xi32, #tpu.memory_space<vmem>>, vector<16xi32>,
        %swap3A_408 = arith.index_cast %add3A_353 : i32 to index
        %swap3A_409 = arith.constant 112 : index
        %swap3A_410 = tpu.vector_load %arg11[%swap3A_408, %swap3A_409] {strides = array<i32>} : memref<32x128xi32, #tpu.memory_space<vmem>>, vector<16xi32>,
        tpu.vector_store %arg11[%swap3A_408, %swap3A_409], %get3A_407 {strides = array<i32>} : memref<32x128xi32, #tpu.memory_space<vmem>>, vector<16xi32>,
        %dma_start3A = arith.constant 0 : i32
        %dma_start3A_411 = tpu.memref_slice %arg11[%add3A_353, %dma_start3A] : memref<32x128xi32, #tpu.memory_space<vmem>> -> memref<1x128xi32, #tpu.memory_space<vmem>>
        %dma_start3A_412 = tpu.memref_squeeze %dma_start3A_411 : memref<1x128xi32, #tpu.memory_space<vmem>> -> memref<128xi32, #tpu.memory_space<vmem>>
        %dma_start3A_413 = arith.constant 0 : i32
        %dma_start3A_414 = arith.constant 0 : i32
        %dma_start3A_415 = tpu.memref_slice %arg4[%dma_start3A_413, %dma_start3A_414] : memref<100000x128xf32, #tpu.memory_space<hbm>> -> memref<100000x128xf32, #tpu.memory_space<hbm>>
        tpu.enqueue_indirect_dma source(%dma_start3A_415 : memref<100000x128xf32, #tpu.memory_space<hbm>>) target(%arg12 : memref<128x128xf32, #tpu.memory_space<vmem>>) offsets(%dma_start3A_412 : memref<128xi32, #tpu.memory_space<vmem>>) semaphore(%arg14 : memref<!tpu.dma_semaphore, #tpu.memory_space<semaphore_mem>>)
        %dma_start3A_416 = tpu.memref_slice %arg9[%mul3A_355] : memref<4128xi32, #tpu.memory_space<vmem>> -> memref<128xi32, #tpu.memory_space<vmem>>
        %dma_start3A_417 = arith.constant 0 : i32
        %dma_start3A_418 = arith.constant 0 : i32
        %dma_start3A_419 = tpu.memref_slice %arg2[%dma_start3A_417, %dma_start3A_418] : memref<4096x128xf32, #tpu.memory_space<hbm>> -> memref<4096x128xf32, #tpu.memory_space<hbm>>
        tpu.enqueue_indirect_dma source(%dma_start3A_419 : memref<4096x128xf32, #tpu.memory_space<hbm>>) target(%arg13 : memref<128x128xf32, #tpu.memory_space<vmem>>) offsets(%dma_start3A_416 : memref<128xi32, #tpu.memory_space<vmem>>) semaphore(%arg15 : memref<!tpu.dma_semaphore, #tpu.memory_space<semaphore_mem>>)
        %dma_wait3A = arith.constant 0 : i32
        %dma_wait3A_420 = tpu.memref_slice %arg11[%add3A_353, %dma_wait3A] : memref<32x128xi32, #tpu.memory_space<vmem>> -> memref<1x128xi32, #tpu.memory_space<vmem>>
        %dma_wait3A_421 = tpu.memref_squeeze %dma_wait3A_420 : memref<1x128xi32, #tpu.memory_space<vmem>> -> memref<128xi32, #tpu.memory_space<vmem>>
        %dma_wait3A_422 = arith.constant 0 : i32
        %dma_wait3A_423 = arith.constant 0 : i32
        %dma_wait3A_424 = tpu.memref_slice %arg4[%dma_wait3A_422, %dma_wait3A_423] : memref<100000x128xf32, #tpu.memory_space<hbm>> -> memref<100000x128xf32, #tpu.memory_space<hbm>>
        tpu.wait_indirect_dma semaphore(%arg14 : memref<!tpu.dma_semaphore, #tpu.memory_space<semaphore_mem>>) src(%dma_wait3A_424 : memref<100000x128xf32, #tpu.memory_space<hbm>>) dst(%arg12 : memref<128x128xf32, #tpu.memory_space<vmem>>)
        %dma_wait3A_425 = tpu.memref_slice %arg9[%mul3A_355] : memref<4128xi32, #tpu.memory_space<vmem>> -> memref<128xi32, #tpu.memory_space<vmem>>
        %dma_wait3A_426 = arith.constant 0 : i32
        %dma_wait3A_427 = arith.constant 0 : i32
        %dma_wait3A_428 = tpu.memref_slice %arg2[%dma_wait3A_426, %dma_wait3A_427] : memref<4096x128xf32, #tpu.memory_space<hbm>> -> memref<4096x128xf32, #tpu.memory_space<hbm>>
        tpu.wait_indirect_dma semaphore(%arg15 : memref<!tpu.dma_semaphore, #tpu.memory_space<semaphore_mem>>) src(%dma_wait3A_428 : memref<4096x128xf32, #tpu.memory_space<hbm>>) dst(%arg13 : memref<128x128xf32, #tpu.memory_space<vmem>>)
        %scan3A_429 = arith.constant 0 : i32
        %scan3A_430 = arith.constant 128 : i32
        %scan3A_431 = arith.addi %scan3A_429, %scan3A_430 : i32
        %scan3A_432 = arith.constant 1 : i32
        scf.for %scan3A_446 = %scan3A_429 to %scan3A_431 step %scan3A_432  : i32 {
          %mul3A_447 = arith.constant 1 : i32
          %mul3A_448 = arith.muli %scan3A_446, %mul3A_447 : i32
          %add3A_449 = arith.constant 0 : i32
          %add3A_450 = arith.addi %add3A_449, %mul3A_448 : i32
          %broadcast_in_dim3A_451 = arith.constant 0.000000e+00 : f32
          %broadcast_in_dim3A_452 = vector.broadcast %broadcast_in_dim3A_451 : f32 to vector<16xf32>
          %get3A_453 = arith.index_cast %add3A_450 : i32 to index
          %get3A_454 = arith.constant 0 : index
          %get3A_455 = tpu.vector_load %arg12[%get3A_453, %get3A_454] {strides = array<i32>} : memref<128x128xf32, #tpu.memory_space<vmem>>, vector<16xf32>,
          %mul3A_456 = arith.constant 5.000000e-01 : f32
          %mul3A_457 = vector.broadcast %mul3A_456 : f32 to vector<16xf32>
          %mul3A_458 = arith.mulf %get3A_455, %mul3A_457 : vector<16xf32>
          %get3A_459 = arith.index_cast %add3A_450 : i32 to index
          %get3A_460 = arith.constant 0 : index
          %get3A_461 = tpu.vector_load %arg13[%get3A_459, %get3A_460] {strides = array<i32>} : memref<128x128xf32, #tpu.memory_space<vmem>>, vector<16xf32>,
          %mul3A_462 = arith.constant 5.000000e-01 : f32
          %mul3A_463 = vector.broadcast %mul3A_462 : f32 to vector<16xf32>
          %mul3A_464 = arith.mulf %get3A_461, %mul3A_463 : vector<16xf32>
          %add3A_465 = arith.addf %mul3A_458, %mul3A_464 : vector<16xf32>
          %mul3A_466 = arith.mulf %add3A_465, %add3A_465 : vector<16xf32>
          %add3A_467 = arith.addf %broadcast_in_dim3A_452, %mul3A_466 : vector<16xf32>
          %get3A_468 = arith.index_cast %add3A_450 : i32 to index
          %get3A_469 = arith.constant 16 : index
          %get3A_470 = tpu.vector_load %arg12[%get3A_468, %get3A_469] {strides = array<i32>} : memref<128x128xf32, #tpu.memory_space<vmem>>, vector<16xf32>,
          %mul3A_471 = arith.constant 5.000000e-01 : f32
          %mul3A_472 = vector.broadcast %mul3A_471 : f32 to vector<16xf32>
          %mul3A_473 = arith.mulf %get3A_470, %mul3A_472 : vector<16xf32>
          %get3A_474 = arith.index_cast %add3A_450 : i32 to index
          %get3A_475 = arith.constant 16 : index
          %get3A_476 = tpu.vector_load %arg13[%get3A_474, %get3A_475] {strides = array<i32>} : memref<128x128xf32, #tpu.memory_space<vmem>>, vector<16xf32>,
          %mul3A_477 = arith.constant 5.000000e-01 : f32
          %mul3A_478 = vector.broadcast %mul3A_477 : f32 to vector<16xf32>
          %mul3A_479 = arith.mulf %get3A_476, %mul3A_478 : vector<16xf32>
          %add3A_480 = arith.addf %mul3A_473, %mul3A_479 : vector<16xf32>
          %mul3A_481 = arith.mulf %add3A_480, %add3A_480 : vector<16xf32>
          %add3A_482 = arith.addf %add3A_467, %mul3A_481 : vector<16xf32>
          %get3A_483 = arith.index_cast %add3A_450 : i32 to index
          %get3A_484 = arith.constant 32 : index
          %get3A_485 = tpu.vector_load %arg12[%get3A_483, %get3A_484] {strides = array<i32>} : memref<128x128xf32, #tpu.memory_space<vmem>>, vector<16xf32>,
          %mul3A_486 = arith.constant 5.000000e-01 : f32
          %mul3A_487 = vector.broadcast %mul3A_486 : f32 to vector<16xf32>
          %mul3A_488 = arith.mulf %get3A_485, %mul3A_487 : vector<16xf32>
          %get3A_489 = arith.index_cast %add3A_450 : i32 to index
          %get3A_490 = arith.constant 32 : index
          %get3A_491 = tpu.vector_load %arg13[%get3A_489, %get3A_490] {strides = array<i32>} : memref<128x128xf32, #tpu.memory_space<vmem>>, vector<16xf32>,
          %mul3A_492 = arith.constant 5.000000e-01 : f32
          %mul3A_493 = vector.broadcast %mul3A_492 : f32 to vector<16xf32>
          %mul3A_494 = arith.mulf %get3A_491, %mul3A_493 : vector<16xf32>
          %add3A_495 = arith.addf %mul3A_488, %mul3A_494 : vector<16xf32>
          %mul3A_496 = arith.mulf %add3A_495, %add3A_495 : vector<16xf32>
          %add3A_497 = arith.addf %add3A_482, %mul3A_496 : vector<16xf32>
          %get3A_498 = arith.index_cast %add3A_450 : i32 to index
          %get3A_499 = arith.constant 48 : index
          %get3A_500 = tpu.vector_load %arg12[%get3A_498, %get3A_499] {strides = array<i32>} : memref<128x128xf32, #tpu.memory_space<vmem>>, vector<16xf32>,
          %mul3A_501 = arith.constant 5.000000e-01 : f32
          %mul3A_502 = vector.broadcast %mul3A_501 : f32 to vector<16xf32>
          %mul3A_503 = arith.mulf %get3A_500, %mul3A_502 : vector<16xf32>
          %get3A_504 = arith.index_cast %add3A_450 : i32 to index
          %get3A_505 = arith.constant 48 : index
          %get3A_506 = tpu.vector_load %arg13[%get3A_504, %get3A_505] {strides = array<i32>} : memref<128x128xf32, #tpu.memory_space<vmem>>, vector<16xf32>,
          %mul3A_507 = arith.constant 5.000000e-01 : f32
          %mul3A_508 = vector.broadcast %mul3A_507 : f32 to vector<16xf32>
          %mul3A_509 = arith.mulf %get3A_506, %mul3A_508 : vector<16xf32>
          %add3A_510 = arith.addf %mul3A_503, %mul3A_509 : vector<16xf32>
          %mul3A_511 = arith.mulf %add3A_510, %add3A_510 : vector<16xf32>
          %add3A_512 = arith.addf %add3A_497, %mul3A_511 : vector<16xf32>
          %get3A_513 = arith.index_cast %add3A_450 : i32 to index
          %get3A_514 = arith.constant 64 : index
          %get3A_515 = tpu.vector_load %arg12[%get3A_513, %get3A_514] {strides = array<i32>} : memref<128x128xf32, #tpu.memory_space<vmem>>, vector<16xf32>,
          %mul3A_516 = arith.constant 5.000000e-01 : f32
          %mul3A_517 = vector.broadcast %mul3A_516 : f32 to vector<16xf32>
          %mul3A_518 = arith.mulf %get3A_515, %mul3A_517 : vector<16xf32>
          %get3A_519 = arith.index_cast %add3A_450 : i32 to index
          %get3A_520 = arith.constant 64 : index
          %get3A_521 = tpu.vector_load %arg13[%get3A_519, %get3A_520] {strides = array<i32>} : memref<128x128xf32, #tpu.memory_space<vmem>>, vector<16xf32>,
          %mul3A_522 = arith.constant 5.000000e-01 : f32
          %mul3A_523 = vector.broadcast %mul3A_522 : f32 to vector<16xf32>
          %mul3A_524 = arith.mulf %get3A_521, %mul3A_523 : vector<16xf32>
          %add3A_525 = arith.addf %mul3A_518, %mul3A_524 : vector<16xf32>
          %mul3A_526 = arith.mulf %add3A_525, %add3A_525 : vector<16xf32>
          %add3A_527 = arith.addf %add3A_512, %mul3A_526 : vector<16xf32>
          %get3A_528 = arith.index_cast %add3A_450 : i32 to index
          %get3A_529 = arith.constant 80 : index
          %get3A_530 = tpu.vector_load %arg12[%get3A_528, %get3A_529] {strides = array<i32>} : memref<128x128xf32, #tpu.memory_space<vmem>>, vector<16xf32>,
          %mul3A_531 = arith.constant 5.000000e-01 : f32
          %mul3A_532 = vector.broadcast %mul3A_531 : f32 to vector<16xf32>
          %mul3A_533 = arith.mulf %get3A_530, %mul3A_532 : vector<16xf32>
          %get3A_534 = arith.index_cast %add3A_450 : i32 to index
          %get3A_535 = arith.constant 80 : index
          %get3A_536 = tpu.vector_load %arg13[%get3A_534, %get3A_535] {strides = array<i32>} : memref<128x128xf32, #tpu.memory_space<vmem>>, vector<16xf32>,
          %mul3A_537 = arith.constant 5.000000e-01 : f32
          %mul3A_538 = vector.broadcast %mul3A_537 : f32 to vector<16xf32>
          %mul3A_539 = arith.mulf %get3A_536, %mul3A_538 : vector<16xf32>
          %add3A_540 = arith.addf %mul3A_533, %mul3A_539 : vector<16xf32>
          %mul3A_541 = arith.mulf %add3A_540, %add3A_540 : vector<16xf32>
          %add3A_542 = arith.addf %add3A_527, %mul3A_541 : vector<16xf32>
          %get3A_543 = arith.index_cast %add3A_450 : i32 to index
          %get3A_544 = arith.constant 96 : index
          %get3A_545 = tpu.vector_load %arg12[%get3A_543, %get3A_544] {strides = array<i32>} : memref<128x128xf32, #tpu.memory_space<vmem>>, vector<16xf32>,
          %mul3A_546 = arith.constant 5.000000e-01 : f32
          %mul3A_547 = vector.broadcast %mul3A_546 : f32 to vector<16xf32>
          %mul3A_548 = arith.mulf %get3A_545, %mul3A_547 : vector<16xf32>
          %get3A_549 = arith.index_cast %add3A_450 : i32 to index
          %get3A_550 = arith.constant 96 : index
          %get3A_551 = tpu.vector_load %arg13[%get3A_549, %get3A_550] {strides = array<i32>} : memref<128x128xf32, #tpu.memory_space<vmem>>, vector<16xf32>,
          %mul3A_552 = arith.constant 5.000000e-01 : f32
          %mul3A_553 = vector.broadcast %mul3A_552 : f32 to vector<16xf32>
          %mul3A_554 = arith.mulf %get3A_551, %mul3A_553 : vector<16xf32>
          %add3A_555 = arith.addf %mul3A_548, %mul3A_554 : vector<16xf32>
          %mul3A_556 = arith.mulf %add3A_555, %add3A_555 : vector<16xf32>
          %add3A_557 = arith.addf %add3A_542, %mul3A_556 : vector<16xf32>
          %get3A_558 = arith.index_cast %add3A_450 : i32 to index
          %get3A_559 = arith.constant 112 : index
          %get3A_560 = tpu.vector_load %arg12[%get3A_558, %get3A_559] {strides = array<i32>} : memref<128x128xf32, #tpu.memory_space<vmem>>, vector<16xf32>,
          %mul3A_561 = arith.constant 5.000000e-01 : f32
          %mul3A_562 = vector.broadcast %mul3A_561 : f32 to vector<16xf32>
          %mul3A_563 = arith.mulf %get3A_560, %mul3A_562 : vector<16xf32>
          %get3A_564 = arith.index_cast %add3A_450 : i32 to index
          %get3A_565 = arith.constant 112 : index
          %get3A_566 = tpu.vector_load %arg13[%get3A_564, %get3A_565] {strides = array<i32>} : memref<128x128xf32, #tpu.memory_space<vmem>>, vector<16xf32>,
          %mul3A_567 = arith.constant 5.000000e-01 : f32
          %mul3A_568 = vector.broadcast %mul3A_567 : f32 to vector<16xf32>
          %mul3A_569 = arith.mulf %get3A_566, %mul3A_568 : vector<16xf32>
          %add3A_570 = arith.addf %mul3A_563, %mul3A_569 : vector<16xf32>
          %mul3A_571 = arith.mulf %add3A_570, %add3A_570 : vector<16xf32>
          %add3A_572 = arith.addf %add3A_557, %mul3A_571 : vector<16xf32>
          %reduce_sum3A = arith.constant true
          %reduce_sum3A_573 = vector.broadcast %reduce_sum3A : i1 to vector<16xi1>
          %reduce_sum3A_574 = tpu.scan <sum>, %add3A_572 masked %reduce_sum3A_573 : vector<16xf32>, vector<16xi1> -> vector<16xf32>
          %reduce_sum3A_575 = vector.extract %reduce_sum3A_574[15] : f32 from vector<16xf32>
          %broadcast_in_dim3A_576 = vector.broadcast %reduce_sum3A_575 : f32 to vector<16xf32>
          %bitcast3A = vector.bitcast %broadcast_in_dim3A_576 : vector<16xf32> to vector<16xi32>
          %broadcast_in_dim3A_577 = arith.constant 1597463007 : i32
          %broadcast_in_dim3A_578 = vector.broadcast %broadcast_in_dim3A_577 : i32 to vector<16xi32>
          %shift_right_arithmetic3A = arith.constant 1 : i32
          %shift_right_arithmetic3A_579 = vector.broadcast %shift_right_arithmetic3A : i32 to vector<16xi32>
          %shift_right_arithmetic3A_580 = arith.shrsi %bitcast3A, %shift_right_arithmetic3A_579 : vector<16xi32>
          %sub3A_581 = arith.subi %broadcast_in_dim3A_578, %shift_right_arithmetic3A_580 : vector<16xi32>
          %bitcast3A_582 = vector.bitcast %sub3A_581 : vector<16xi32> to vector<16xf32>
          %mul3A_583 = arith.constant 5.000000e-01 : f32
          %mul3A_584 = vector.broadcast %mul3A_583 : f32 to vector<16xf32>
          %mul3A_585 = arith.mulf %mul3A_584, %broadcast_in_dim3A_576 : vector<16xf32>
          %mul3A_586 = arith.mulf %mul3A_585, %bitcast3A_582 : vector<16xf32>
          %mul3A_587 = arith.mulf %mul3A_586, %bitcast3A_582 : vector<16xf32>
          %sub3A_588 = arith.constant 1.500000e+00 : f32
          %sub3A_589 = vector.broadcast %sub3A_588 : f32 to vector<16xf32>
          %sub3A_590 = arith.subf %sub3A_589, %mul3A_587 : vector<16xf32>
          %mul3A_591 = arith.mulf %bitcast3A_582, %sub3A_590 : vector<16xf32>
          %mul3A_592 = arith.constant 5.000000e-01 : f32
          %mul3A_593 = vector.broadcast %mul3A_592 : f32 to vector<16xf32>
          %mul3A_594 = arith.mulf %mul3A_593, %broadcast_in_dim3A_576 : vector<16xf32>
          %mul3A_595 = arith.mulf %mul3A_594, %mul3A_591 : vector<16xf32>
          %mul3A_596 = arith.mulf %mul3A_595, %mul3A_591 : vector<16xf32>
          %sub3A_597 = arith.constant 1.500000e+00 : f32
          %sub3A_598 = vector.broadcast %sub3A_597 : f32 to vector<16xf32>
          %sub3A_599 = arith.subf %sub3A_598, %mul3A_596 : vector<16xf32>
          %mul3A_600 = arith.mulf %mul3A_591, %sub3A_599 : vector<16xf32>
          %mul3A_601 = arith.mulf %add3A_465, %mul3A_600 : vector<16xf32>
          %swap3A_602 = arith.index_cast %add3A_450 : i32 to index
          %swap3A_603 = arith.constant 0 : index
          %swap3A_604 = tpu.vector_load %arg12[%swap3A_602, %swap3A_603] {strides = array<i32>} : memref<128x128xf32, #tpu.memory_space<vmem>>, vector<16xf32>,
          tpu.vector_store %arg12[%swap3A_602, %swap3A_603], %mul3A_601 {strides = array<i32>} : memref<128x128xf32, #tpu.memory_space<vmem>>, vector<16xf32>,
          %mul3A_605 = arith.mulf %add3A_480, %mul3A_600 : vector<16xf32>
          %swap3A_606 = arith.index_cast %add3A_450 : i32 to index
          %swap3A_607 = arith.constant 16 : index
          %swap3A_608 = tpu.vector_load %arg12[%swap3A_606, %swap3A_607] {strides = array<i32>} : memref<128x128xf32, #tpu.memory_space<vmem>>, vector<16xf32>,
          tpu.vector_store %arg12[%swap3A_606, %swap3A_607], %mul3A_605 {strides = array<i32>} : memref<128x128xf32, #tpu.memory_space<vmem>>, vector<16xf32>,
          %mul3A_609 = arith.mulf %add3A_495, %mul3A_600 : vector<16xf32>
          %swap3A_610 = arith.index_cast %add3A_450 : i32 to index
          %swap3A_611 = arith.constant 32 : index
          %swap3A_612 = tpu.vector_load %arg12[%swap3A_610, %swap3A_611] {strides = array<i32>} : memref<128x128xf32, #tpu.memory_space<vmem>>, vector<16xf32>,
          tpu.vector_store %arg12[%swap3A_610, %swap3A_611], %mul3A_609 {strides = array<i32>} : memref<128x128xf32, #tpu.memory_space<vmem>>, vector<16xf32>,
          %mul3A_613 = arith.mulf %add3A_510, %mul3A_600 : vector<16xf32>
          %swap3A_614 = arith.index_cast %add3A_450 : i32 to index
          %swap3A_615 = arith.constant 48 : index
          %swap3A_616 = tpu.vector_load %arg12[%swap3A_614, %swap3A_615] {strides = array<i32>} : memref<128x128xf32, #tpu.memory_space<vmem>>, vector<16xf32>,
          tpu.vector_store %arg12[%swap3A_614, %swap3A_615], %mul3A_613 {strides = array<i32>} : memref<128x128xf32, #tpu.memory_space<vmem>>, vector<16xf32>,
          %mul3A_617 = arith.mulf %add3A_525, %mul3A_600 : vector<16xf32>
          %swap3A_618 = arith.index_cast %add3A_450 : i32 to index
          %swap3A_619 = arith.constant 64 : index
          %swap3A_620 = tpu.vector_load %arg12[%swap3A_618, %swap3A_619] {strides = array<i32>} : memref<128x128xf32, #tpu.memory_space<vmem>>, vector<16xf32>,
          tpu.vector_store %arg12[%swap3A_618, %swap3A_619], %mul3A_617 {strides = array<i32>} : memref<128x128xf32, #tpu.memory_space<vmem>>, vector<16xf32>,
          %mul3A_621 = arith.mulf %add3A_540, %mul3A_600 : vector<16xf32>
          %swap3A_622 = arith.index_cast %add3A_450 : i32 to index
          %swap3A_623 = arith.constant 80 : index
          %swap3A_624 = tpu.vector_load %arg12[%swap3A_622, %swap3A_623] {strides = array<i32>} : memref<128x128xf32, #tpu.memory_space<vmem>>, vector<16xf32>,
          tpu.vector_store %arg12[%swap3A_622, %swap3A_623], %mul3A_621 {strides = array<i32>} : memref<128x128xf32, #tpu.memory_space<vmem>>, vector<16xf32>,
          %mul3A_625 = arith.mulf %add3A_555, %mul3A_600 : vector<16xf32>
          %swap3A_626 = arith.index_cast %add3A_450 : i32 to index
          %swap3A_627 = arith.constant 96 : index
          %swap3A_628 = tpu.vector_load %arg12[%swap3A_626, %swap3A_627] {strides = array<i32>} : memref<128x128xf32, #tpu.memory_space<vmem>>, vector<16xf32>,
          tpu.vector_store %arg12[%swap3A_626, %swap3A_627], %mul3A_625 {strides = array<i32>} : memref<128x128xf32, #tpu.memory_space<vmem>>, vector<16xf32>,
          %mul3A_629 = arith.mulf %add3A_570, %mul3A_600 : vector<16xf32>
          %swap3A_630 = arith.index_cast %add3A_450 : i32 to index
          %swap3A_631 = arith.constant 112 : index
          %swap3A_632 = tpu.vector_load %arg12[%swap3A_630, %swap3A_631] {strides = array<i32>} : memref<128x128xf32, #tpu.memory_space<vmem>>, vector<16xf32>,
          tpu.vector_store %arg12[%swap3A_630, %swap3A_631], %mul3A_629 {strides = array<i32>} : memref<128x128xf32, #tpu.memory_space<vmem>>, vector<16xf32>,
        }
        %scan3A_433 = arith.constant 128 : i32
        %dma_start3A_434 = arith.constant 0 : i32
        %dma_start3A_435 = tpu.memref_slice %arg11[%add3A_353, %dma_start3A_434] : memref<32x128xi32, #tpu.memory_space<vmem>> -> memref<1x128xi32, #tpu.memory_space<vmem>>
        %dma_start3A_436 = tpu.memref_squeeze %dma_start3A_435 : memref<1x128xi32, #tpu.memory_space<vmem>> -> memref<128xi32, #tpu.memory_space<vmem>>
        %dma_start3A_437 = arith.constant 0 : i32
        %dma_start3A_438 = arith.constant 0 : i32
        %dma_start3A_439 = tpu.memref_slice %arg5[%dma_start3A_437, %dma_start3A_438] : memref<100000x128xf32, #tpu.memory_space<hbm>> -> memref<100000x128xf32, #tpu.memory_space<hbm>>
        tpu.enqueue_indirect_dma source(%arg12 : memref<128x128xf32, #tpu.memory_space<vmem>>) target(%dma_start3A_439 : memref<100000x128xf32, #tpu.memory_space<hbm>>) offsets(%dma_start3A_436 : memref<128xi32, #tpu.memory_space<vmem>>) semaphore(%arg14 : memref<!tpu.dma_semaphore, #tpu.memory_space<semaphore_mem>>)
        %dma_wait3A_440 = arith.constant 0 : i32
        %dma_wait3A_441 = tpu.memref_slice %arg11[%add3A_353, %dma_wait3A_440] : memref<32x128xi32, #tpu.memory_space<vmem>> -> memref<1x128xi32, #tpu.memory_space<vmem>>
        %dma_wait3A_442 = tpu.memref_squeeze %dma_wait3A_441 : memref<1x128xi32, #tpu.memory_space<vmem>> -> memref<128xi32, #tpu.memory_space<vmem>>
        %dma_wait3A_443 = arith.constant 0 : i32
        %dma_wait3A_444 = arith.constant 0 : i32
        %dma_wait3A_445 = tpu.memref_slice %arg5[%dma_wait3A_443, %dma_wait3A_444] : memref<100000x128xf32, #tpu.memory_space<hbm>> -> memref<100000x128xf32, #tpu.memory_space<hbm>>
        tpu.wait_indirect_dma semaphore(%arg14 : memref<!tpu.dma_semaphore, #tpu.memory_space<semaphore_mem>>) src(%arg12 : memref<128x128xf32, #tpu.memory_space<vmem>>) dst(%dma_wait3A_445 : memref<100000x128xf32, #tpu.memory_space<hbm>>)
      }
      %while3A_251 = arith.constant 1 : i32
      scf.for %while3A_351 = %while3A_249 to %while3A_245 step %while3A_251  : i32 {
        %mul3A_352 = arith.muli %while3A_351, %while3A_241 : i32
        %add3A_353 = arith.addi %while3A_242, %mul3A_352 : i32
        %mul3A_354 = arith.constant 128 : i32
        %mul3A_355 = arith.muli %add3A_353, %mul3A_354 : i32
        %add3A_356 = arith.constant 0 : i32
        %add3A_357 = arith.addi %mul3A_355, %add3A_356 : i32
        %get3A_358 = arith.index_cast %add3A_357 : i32 to index
        %get3A_359 = tpu.vector_load %arg10[%get3A_358] {strides = array<i32>} : memref<4128xi32, #tpu.memory_space<vmem>>, vector<16xi32>,
        %swap3A = arith.index_cast %add3A_353 : i32 to index
        %swap3A_360 = arith.constant 0 : index
        %swap3A_361 = tpu.vector_load %arg11[%swap3A, %swap3A_360] {strides = array<i32>} : memref<32x128xi32, #tpu.memory_space<vmem>>, vector<16xi32>,
        tpu.vector_store %arg11[%swap3A, %swap3A_360], %get3A_359 {strides = array<i32>} : memref<32x128xi32, #tpu.memory_space<vmem>>, vector<16xi32>,
        %add3A_362 = arith.constant 16 : i32
        %add3A_363 = arith.addi %mul3A_355, %add3A_362 : i32
        %get3A_364 = arith.index_cast %add3A_363 : i32 to index
        %get3A_365 = tpu.vector_load %arg10[%get3A_364] {strides = array<i32>} : memref<4128xi32, #tpu.memory_space<vmem>>, vector<16xi32>,
        %swap3A_366 = arith.index_cast %add3A_353 : i32 to index
        %swap3A_367 = arith.constant 16 : index
        %swap3A_368 = tpu.vector_load %arg11[%swap3A_366, %swap3A_367] {strides = array<i32>} : memref<32x128xi32, #tpu.memory_space<vmem>>, vector<16xi32>,
        tpu.vector_store %arg11[%swap3A_366, %swap3A_367], %get3A_365 {strides = array<i32>} : memref<32x128xi32, #tpu.memory_space<vmem>>, vector<16xi32>,
        %add3A_369 = arith.constant 32 : i32
        %add3A_370 = arith.addi %mul3A_355, %add3A_369 : i32
        %get3A_371 = arith.index_cast %add3A_370 : i32 to index
        %get3A_372 = tpu.vector_load %arg10[%get3A_371] {strides = array<i32>} : memref<4128xi32, #tpu.memory_space<vmem>>, vector<16xi32>,
        %swap3A_373 = arith.index_cast %add3A_353 : i32 to index
        %swap3A_374 = arith.constant 32 : index
        %swap3A_375 = tpu.vector_load %arg11[%swap3A_373, %swap3A_374] {strides = array<i32>} : memref<32x128xi32, #tpu.memory_space<vmem>>, vector<16xi32>,
        tpu.vector_store %arg11[%swap3A_373, %swap3A_374], %get3A_372 {strides = array<i32>} : memref<32x128xi32, #tpu.memory_space<vmem>>, vector<16xi32>,
        %add3A_376 = arith.constant 48 : i32
        %add3A_377 = arith.addi %mul3A_355, %add3A_376 : i32
        %get3A_378 = arith.index_cast %add3A_377 : i32 to index
        %get3A_379 = tpu.vector_load %arg10[%get3A_378] {strides = array<i32>} : memref<4128xi32, #tpu.memory_space<vmem>>, vector<16xi32>,
        %swap3A_380 = arith.index_cast %add3A_353 : i32 to index
        %swap3A_381 = arith.constant 48 : index
        %swap3A_382 = tpu.vector_load %arg11[%swap3A_380, %swap3A_381] {strides = array<i32>} : memref<32x128xi32, #tpu.memory_space<vmem>>, vector<16xi32>,
        tpu.vector_store %arg11[%swap3A_380, %swap3A_381], %get3A_379 {strides = array<i32>} : memref<32x128xi32, #tpu.memory_space<vmem>>, vector<16xi32>,
        %add3A_383 = arith.constant 64 : i32
        %add3A_384 = arith.addi %mul3A_355, %add3A_383 : i32
        %get3A_385 = arith.index_cast %add3A_384 : i32 to index
        %get3A_386 = tpu.vector_load %arg10[%get3A_385] {strides = array<i32>} : memref<4128xi32, #tpu.memory_space<vmem>>, vector<16xi32>,
        %swap3A_387 = arith.index_cast %add3A_353 : i32 to index
        %swap3A_388 = arith.constant 64 : index
        %swap3A_389 = tpu.vector_load %arg11[%swap3A_387, %swap3A_388] {strides = array<i32>} : memref<32x128xi32, #tpu.memory_space<vmem>>, vector<16xi32>,
        tpu.vector_store %arg11[%swap3A_387, %swap3A_388], %get3A_386 {strides = array<i32>} : memref<32x128xi32, #tpu.memory_space<vmem>>, vector<16xi32>,
        %add3A_390 = arith.constant 80 : i32
        %add3A_391 = arith.addi %mul3A_355, %add3A_390 : i32
        %get3A_392 = arith.index_cast %add3A_391 : i32 to index
        %get3A_393 = tpu.vector_load %arg10[%get3A_392] {strides = array<i32>} : memref<4128xi32, #tpu.memory_space<vmem>>, vector<16xi32>,
        %swap3A_394 = arith.index_cast %add3A_353 : i32 to index
        %swap3A_395 = arith.constant 80 : index
        %swap3A_396 = tpu.vector_load %arg11[%swap3A_394, %swap3A_395] {strides = array<i32>} : memref<32x128xi32, #tpu.memory_space<vmem>>, vector<16xi32>,
        tpu.vector_store %arg11[%swap3A_394, %swap3A_395], %get3A_393 {strides = array<i32>} : memref<32x128xi32, #tpu.memory_space<vmem>>, vector<16xi32>,
        %add3A_397 = arith.constant 96 : i32
        %add3A_398 = arith.addi %mul3A_355, %add3A_397 : i32
        %get3A_399 = arith.index_cast %add3A_398 : i32 to index
        %get3A_400 = tpu.vector_load %arg10[%get3A_399] {strides = array<i32>} : memref<4128xi32, #tpu.memory_space<vmem>>, vector<16xi32>,
        %swap3A_401 = arith.index_cast %add3A_353 : i32 to index
        %swap3A_402 = arith.constant 96 : index
        %swap3A_403 = tpu.vector_load %arg11[%swap3A_401, %swap3A_402] {strides = array<i32>} : memref<32x128xi32, #tpu.memory_space<vmem>>, vector<16xi32>,
        tpu.vector_store %arg11[%swap3A_401, %swap3A_402], %get3A_400 {strides = array<i32>} : memref<32x128xi32, #tpu.memory_space<vmem>>, vector<16xi32>,
        %add3A_404 = arith.constant 112 : i32
        %add3A_405 = arith.addi %mul3A_355, %add3A_404 : i32
        %get3A_406 = arith.index_cast %add3A_405 : i32 to index
        %get3A_407 = tpu.vector_load %arg10[%get3A_406] {strides = array<i32>} : memref<4128xi32, #tpu.memory_space<vmem>>, vector<16xi32>,
        %swap3A_408 = arith.index_cast %add3A_353 : i32 to index
        %swap3A_409 = arith.constant 112 : index
        %swap3A_410 = tpu.vector_load %arg11[%swap3A_408, %swap3A_409] {strides = array<i32>} : memref<32x128xi32, #tpu.memory_space<vmem>>, vector<16xi32>,
        tpu.vector_store %arg11[%swap3A_408, %swap3A_409], %get3A_407 {strides = array<i32>} : memref<32x128xi32, #tpu.memory_space<vmem>>, vector<16xi32>,
        %dma_start3A = arith.constant 0 : i32
        %dma_start3A_411 = tpu.memref_slice %arg11[%add3A_353, %dma_start3A] : memref<32x128xi32, #tpu.memory_space<vmem>> -> memref<1x128xi32, #tpu.memory_space<vmem>>
        %dma_start3A_412 = tpu.memref_squeeze %dma_start3A_411 : memref<1x128xi32, #tpu.memory_space<vmem>> -> memref<128xi32, #tpu.memory_space<vmem>>
        %dma_start3A_413 = arith.constant 0 : i32
        %dma_start3A_414 = arith.constant 0 : i32
        %dma_start3A_415 = tpu.memref_slice %arg4[%dma_start3A_413, %dma_start3A_414] : memref<100000x128xf32, #tpu.memory_space<hbm>> -> memref<100000x128xf32, #tpu.memory_space<hbm>>
        tpu.enqueue_indirect_dma source(%dma_start3A_415 : memref<100000x128xf32, #tpu.memory_space<hbm>>) target(%arg12 : memref<128x128xf32, #tpu.memory_space<vmem>>) offsets(%dma_start3A_412 : memref<128xi32, #tpu.memory_space<vmem>>) semaphore(%arg14 : memref<!tpu.dma_semaphore, #tpu.memory_space<semaphore_mem>>)
        %dma_start3A_416 = tpu.memref_slice %arg9[%mul3A_355] : memref<4128xi32, #tpu.memory_space<vmem>> -> memref<128xi32, #tpu.memory_space<vmem>>
        %dma_start3A_417 = arith.constant 0 : i32
        %dma_start3A_418 = arith.constant 0 : i32
        %dma_start3A_419 = tpu.memref_slice %arg2[%dma_start3A_417, %dma_start3A_418] : memref<4096x128xf32, #tpu.memory_space<hbm>> -> memref<4096x128xf32, #tpu.memory_space<hbm>>
        tpu.enqueue_indirect_dma source(%dma_start3A_419 : memref<4096x128xf32, #tpu.memory_space<hbm>>) target(%arg13 : memref<128x128xf32, #tpu.memory_space<vmem>>) offsets(%dma_start3A_416 : memref<128xi32, #tpu.memory_space<vmem>>) semaphore(%arg15 : memref<!tpu.dma_semaphore, #tpu.memory_space<semaphore_mem>>)
        %dma_wait3A = arith.constant 0 : i32
        %dma_wait3A_420 = tpu.memref_slice %arg11[%add3A_353, %dma_wait3A] : memref<32x128xi32, #tpu.memory_space<vmem>> -> memref<1x128xi32, #tpu.memory_space<vmem>>
        %dma_wait3A_421 = tpu.memref_squeeze %dma_wait3A_420 : memref<1x128xi32, #tpu.memory_space<vmem>> -> memref<128xi32, #tpu.memory_space<vmem>>
        %dma_wait3A_422 = arith.constant 0 : i32
        %dma_wait3A_423 = arith.constant 0 : i32
        %dma_wait3A_424 = tpu.memref_slice %arg4[%dma_wait3A_422, %dma_wait3A_423] : memref<100000x128xf32, #tpu.memory_space<hbm>> -> memref<100000x128xf32, #tpu.memory_space<hbm>>
        tpu.wait_indirect_dma semaphore(%arg14 : memref<!tpu.dma_semaphore, #tpu.memory_space<semaphore_mem>>) src(%dma_wait3A_424 : memref<100000x128xf32, #tpu.memory_space<hbm>>) dst(%arg12 : memref<128x128xf32, #tpu.memory_space<vmem>>)
        %dma_wait3A_425 = tpu.memref_slice %arg9[%mul3A_355] : memref<4128xi32, #tpu.memory_space<vmem>> -> memref<128xi32, #tpu.memory_space<vmem>>
        %dma_wait3A_426 = arith.constant 0 : i32
        %dma_wait3A_427 = arith.constant 0 : i32
        %dma_wait3A_428 = tpu.memref_slice %arg2[%dma_wait3A_426, %dma_wait3A_427] : memref<4096x128xf32, #tpu.memory_space<hbm>> -> memref<4096x128xf32, #tpu.memory_space<hbm>>
        tpu.wait_indirect_dma semaphore(%arg15 : memref<!tpu.dma_semaphore, #tpu.memory_space<semaphore_mem>>) src(%dma_wait3A_428 : memref<4096x128xf32, #tpu.memory_space<hbm>>) dst(%arg13 : memref<128x128xf32, #tpu.memory_space<vmem>>)
        %scan3A_429 = arith.constant 0 : i32
        %scan3A_430 = arith.constant 128 : i32
        %scan3A_431 = arith.addi %scan3A_429, %scan3A_430 : i32
        %scan3A_432 = arith.constant 1 : i32
        scf.for %scan3A_446 = %scan3A_429 to %scan3A_431 step %scan3A_432  : i32 {
          %mul3A_447 = arith.constant 1 : i32
          %mul3A_448 = arith.muli %scan3A_446, %mul3A_447 : i32
          %add3A_449 = arith.constant 0 : i32
          %add3A_450 = arith.addi %add3A_449, %mul3A_448 : i32
          %broadcast_in_dim3A_451 = arith.constant 0.000000e+00 : f32
          %broadcast_in_dim3A_452 = vector.broadcast %broadcast_in_dim3A_451 : f32 to vector<16xf32>
          %get3A_453 = arith.index_cast %add3A_450 : i32 to index
          %get3A_454 = arith.constant 0 : index
          %get3A_455 = tpu.vector_load %arg12[%get3A_453, %get3A_454] {strides = array<i32>} : memref<128x128xf32, #tpu.memory_space<vmem>>, vector<16xf32>,
          %mul3A_456 = arith.constant 5.000000e-01 : f32
          %mul3A_457 = vector.broadcast %mul3A_456 : f32 to vector<16xf32>
          %mul3A_458 = arith.mulf %get3A_455, %mul3A_457 : vector<16xf32>
          %get3A_459 = arith.index_cast %add3A_450 : i32 to index
          %get3A_460 = arith.constant 0 : index
          %get3A_461 = tpu.vector_load %arg13[%get3A_459, %get3A_460] {strides = array<i32>} : memref<128x128xf32, #tpu.memory_space<vmem>>, vector<16xf32>,
          %mul3A_462 = arith.constant 5.000000e-01 : f32
          %mul3A_463 = vector.broadcast %mul3A_462 : f32 to vector<16xf32>
          %mul3A_464 = arith.mulf %get3A_461, %mul3A_463 : vector<16xf32>
          %add3A_465 = arith.addf %mul3A_458, %mul3A_464 : vector<16xf32>
          %mul3A_466 = arith.mulf %add3A_465, %add3A_465 : vector<16xf32>
          %add3A_467 = arith.addf %broadcast_in_dim3A_452, %mul3A_466 : vector<16xf32>
          %get3A_468 = arith.index_cast %add3A_450 : i32 to index
          %get3A_469 = arith.constant 16 : index
          %get3A_470 = tpu.vector_load %arg12[%get3A_468, %get3A_469] {strides = array<i32>} : memref<128x128xf32, #tpu.memory_space<vmem>>, vector<16xf32>,
          %mul3A_471 = arith.constant 5.000000e-01 : f32
          %mul3A_472 = vector.broadcast %mul3A_471 : f32 to vector<16xf32>
          %mul3A_473 = arith.mulf %get3A_470, %mul3A_472 : vector<16xf32>
          %get3A_474 = arith.index_cast %add3A_450 : i32 to index
          %get3A_475 = arith.constant 16 : index
          %get3A_476 = tpu.vector_load %arg13[%get3A_474, %get3A_475] {strides = array<i32>} : memref<128x128xf32, #tpu.memory_space<vmem>>, vector<16xf32>,
          %mul3A_477 = arith.constant 5.000000e-01 : f32
          %mul3A_478 = vector.broadcast %mul3A_477 : f32 to vector<16xf32>
          %mul3A_479 = arith.mulf %get3A_476, %mul3A_478 : vector<16xf32>
          %add3A_480 = arith.addf %mul3A_473, %mul3A_479 : vector<16xf32>
          %mul3A_481 = arith.mulf %add3A_480, %add3A_480 : vector<16xf32>
          %add3A_482 = arith.addf %add3A_467, %mul3A_481 : vector<16xf32>
          %get3A_483 = arith.index_cast %add3A_450 : i32 to index
          %get3A_484 = arith.constant 32 : index
          %get3A_485 = tpu.vector_load %arg12[%get3A_483, %get3A_484] {strides = array<i32>} : memref<128x128xf32, #tpu.memory_space<vmem>>, vector<16xf32>,
          %mul3A_486 = arith.constant 5.000000e-01 : f32
          %mul3A_487 = vector.broadcast %mul3A_486 : f32 to vector<16xf32>
          %mul3A_488 = arith.mulf %get3A_485, %mul3A_487 : vector<16xf32>
          %get3A_489 = arith.index_cast %add3A_450 : i32 to index
          %get3A_490 = arith.constant 32 : index
          %get3A_491 = tpu.vector_load %arg13[%get3A_489, %get3A_490] {strides = array<i32>} : memref<128x128xf32, #tpu.memory_space<vmem>>, vector<16xf32>,
          %mul3A_492 = arith.constant 5.000000e-01 : f32
          %mul3A_493 = vector.broadcast %mul3A_492 : f32 to vector<16xf32>
          %mul3A_494 = arith.mulf %get3A_491, %mul3A_493 : vector<16xf32>
          %add3A_495 = arith.addf %mul3A_488, %mul3A_494 : vector<16xf32>
          %mul3A_496 = arith.mulf %add3A_495, %add3A_495 : vector<16xf32>
          %add3A_497 = arith.addf %add3A_482, %mul3A_496 : vector<16xf32>
          %get3A_498 = arith.index_cast %add3A_450 : i32 to index
          %get3A_499 = arith.constant 48 : index
          %get3A_500 = tpu.vector_load %arg12[%get3A_498, %get3A_499] {strides = array<i32>} : memref<128x128xf32, #tpu.memory_space<vmem>>, vector<16xf32>,
          %mul3A_501 = arith.constant 5.000000e-01 : f32
          %mul3A_502 = vector.broadcast %mul3A_501 : f32 to vector<16xf32>
          %mul3A_503 = arith.mulf %get3A_500, %mul3A_502 : vector<16xf32>
          %get3A_504 = arith.index_cast %add3A_450 : i32 to index
          %get3A_505 = arith.constant 48 : index
          %get3A_506 = tpu.vector_load %arg13[%get3A_504, %get3A_505] {strides = array<i32>} : memref<128x128xf32, #tpu.memory_space<vmem>>, vector<16xf32>,
          %mul3A_507 = arith.constant 5.000000e-01 : f32
          %mul3A_508 = vector.broadcast %mul3A_507 : f32 to vector<16xf32>
          %mul3A_509 = arith.mulf %get3A_506, %mul3A_508 : vector<16xf32>
          %add3A_510 = arith.addf %mul3A_503, %mul3A_509 : vector<16xf32>
          %mul3A_511 = arith.mulf %add3A_510, %add3A_510 : vector<16xf32>
          %add3A_512 = arith.addf %add3A_497, %mul3A_511 : vector<16xf32>
          %get3A_513 = arith.index_cast %add3A_450 : i32 to index
          %get3A_514 = arith.constant 64 : index
          %get3A_515 = tpu.vector_load %arg12[%get3A_513, %get3A_514] {strides = array<i32>} : memref<128x128xf32, #tpu.memory_space<vmem>>, vector<16xf32>,
          %mul3A_516 = arith.constant 5.000000e-01 : f32
          %mul3A_517 = vector.broadcast %mul3A_516 : f32 to vector<16xf32>
          %mul3A_518 = arith.mulf %get3A_515, %mul3A_517 : vector<16xf32>
          %get3A_519 = arith.index_cast %add3A_450 : i32 to index
          %get3A_520 = arith.constant 64 : index
          %get3A_521 = tpu.vector_load %arg13[%get3A_519, %get3A_520] {strides = array<i32>} : memref<128x128xf32, #tpu.memory_space<vmem>>, vector<16xf32>,
          %mul3A_522 = arith.constant 5.000000e-01 : f32
          %mul3A_523 = vector.broadcast %mul3A_522 : f32 to vector<16xf32>
          %mul3A_524 = arith.mulf %get3A_521, %mul3A_523 : vector<16xf32>
          %add3A_525 = arith.addf %mul3A_518, %mul3A_524 : vector<16xf32>
          %mul3A_526 = arith.mulf %add3A_525, %add3A_525 : vector<16xf32>
          %add3A_527 = arith.addf %add3A_512, %mul3A_526 : vector<16xf32>
          %get3A_528 = arith.index_cast %add3A_450 : i32 to index
          %get3A_529 = arith.constant 80 : index
          %get3A_530 = tpu.vector_load %arg12[%get3A_528, %get3A_529] {strides = array<i32>} : memref<128x128xf32, #tpu.memory_space<vmem>>, vector<16xf32>,
          %mul3A_531 = arith.constant 5.000000e-01 : f32
          %mul3A_532 = vector.broadcast %mul3A_531 : f32 to vector<16xf32>
          %mul3A_533 = arith.mulf %get3A_530, %mul3A_532 : vector<16xf32>
          %get3A_534 = arith.index_cast %add3A_450 : i32 to index
          %get3A_535 = arith.constant 80 : index
          %get3A_536 = tpu.vector_load %arg13[%get3A_534, %get3A_535] {strides = array<i32>} : memref<128x128xf32, #tpu.memory_space<vmem>>, vector<16xf32>,
          %mul3A_537 = arith.constant 5.000000e-01 : f32
          %mul3A_538 = vector.broadcast %mul3A_537 : f32 to vector<16xf32>
          %mul3A_539 = arith.mulf %get3A_536, %mul3A_538 : vector<16xf32>
          %add3A_540 = arith.addf %mul3A_533, %mul3A_539 : vector<16xf32>
          %mul3A_541 = arith.mulf %add3A_540, %add3A_540 : vector<16xf32>
          %add3A_542 = arith.addf %add3A_527, %mul3A_541 : vector<16xf32>
          %get3A_543 = arith.index_cast %add3A_450 : i32 to index
          %get3A_544 = arith.constant 96 : index
          %get3A_545 = tpu.vector_load %arg12[%get3A_543, %get3A_544] {strides = array<i32>} : memref<128x128xf32, #tpu.memory_space<vmem>>, vector<16xf32>,
          %mul3A_546 = arith.constant 5.000000e-01 : f32
          %mul3A_547 = vector.broadcast %mul3A_546 : f32 to vector<16xf32>
          %mul3A_548 = arith.mulf %get3A_545, %mul3A_547 : vector<16xf32>
          %get3A_549 = arith.index_cast %add3A_450 : i32 to index
          %get3A_550 = arith.constant 96 : index
          %get3A_551 = tpu.vector_load %arg13[%get3A_549, %get3A_550] {strides = array<i32>} : memref<128x128xf32, #tpu.memory_space<vmem>>, vector<16xf32>,
          %mul3A_552 = arith.constant 5.000000e-01 : f32
          %mul3A_553 = vector.broadcast %mul3A_552 : f32 to vector<16xf32>
          %mul3A_554 = arith.mulf %get3A_551, %mul3A_553 : vector<16xf32>
          %add3A_555 = arith.addf %mul3A_548, %mul3A_554 : vector<16xf32>
          %mul3A_556 = arith.mulf %add3A_555, %add3A_555 : vector<16xf32>
          %add3A_557 = arith.addf %add3A_542, %mul3A_556 : vector<16xf32>
          %get3A_558 = arith.index_cast %add3A_450 : i32 to index
          %get3A_559 = arith.constant 112 : index
          %get3A_560 = tpu.vector_load %arg12[%get3A_558, %get3A_559] {strides = array<i32>} : memref<128x128xf32, #tpu.memory_space<vmem>>, vector<16xf32>,
          %mul3A_561 = arith.constant 5.000000e-01 : f32
          %mul3A_562 = vector.broadcast %mul3A_561 : f32 to vector<16xf32>
          %mul3A_563 = arith.mulf %get3A_560, %mul3A_562 : vector<16xf32>
          %get3A_564 = arith.index_cast %add3A_450 : i32 to index
          %get3A_565 = arith.constant 112 : index
          %get3A_566 = tpu.vector_load %arg13[%get3A_564, %get3A_565] {strides = array<i32>} : memref<128x128xf32, #tpu.memory_space<vmem>>, vector<16xf32>,
          %mul3A_567 = arith.constant 5.000000e-01 : f32
          %mul3A_568 = vector.broadcast %mul3A_567 : f32 to vector<16xf32>
          %mul3A_569 = arith.mulf %get3A_566, %mul3A_568 : vector<16xf32>
          %add3A_570 = arith.addf %mul3A_563, %mul3A_569 : vector<16xf32>
          %mul3A_571 = arith.mulf %add3A_570, %add3A_570 : vector<16xf32>
          %add3A_572 = arith.addf %add3A_557, %mul3A_571 : vector<16xf32>
          %reduce_sum3A = arith.constant true
          %reduce_sum3A_573 = vector.broadcast %reduce_sum3A : i1 to vector<16xi1>
          %reduce_sum3A_574 = tpu.scan <sum>, %add3A_572 masked %reduce_sum3A_573 : vector<16xf32>, vector<16xi1> -> vector<16xf32>
          %reduce_sum3A_575 = vector.extract %reduce_sum3A_574[15] : f32 from vector<16xf32>
          %broadcast_in_dim3A_576 = vector.broadcast %reduce_sum3A_575 : f32 to vector<16xf32>
          %bitcast3A = vector.bitcast %broadcast_in_dim3A_576 : vector<16xf32> to vector<16xi32>
          %broadcast_in_dim3A_577 = arith.constant 1597463007 : i32
          %broadcast_in_dim3A_578 = vector.broadcast %broadcast_in_dim3A_577 : i32 to vector<16xi32>
          %shift_right_arithmetic3A = arith.constant 1 : i32
          %shift_right_arithmetic3A_579 = vector.broadcast %shift_right_arithmetic3A : i32 to vector<16xi32>
          %shift_right_arithmetic3A_580 = arith.shrsi %bitcast3A, %shift_right_arithmetic3A_579 : vector<16xi32>
          %sub3A_581 = arith.subi %broadcast_in_dim3A_578, %shift_right_arithmetic3A_580 : vector<16xi32>
          %bitcast3A_582 = vector.bitcast %sub3A_581 : vector<16xi32> to vector<16xf32>
          %mul3A_583 = arith.constant 5.000000e-01 : f32
          %mul3A_584 = vector.broadcast %mul3A_583 : f32 to vector<16xf32>
          %mul3A_585 = arith.mulf %mul3A_584, %broadcast_in_dim3A_576 : vector<16xf32>
          %mul3A_586 = arith.mulf %mul3A_585, %bitcast3A_582 : vector<16xf32>
          %mul3A_587 = arith.mulf %mul3A_586, %bitcast3A_582 : vector<16xf32>
          %sub3A_588 = arith.constant 1.500000e+00 : f32
          %sub3A_589 = vector.broadcast %sub3A_588 : f32 to vector<16xf32>
          %sub3A_590 = arith.subf %sub3A_589, %mul3A_587 : vector<16xf32>
          %mul3A_591 = arith.mulf %bitcast3A_582, %sub3A_590 : vector<16xf32>
          %mul3A_592 = arith.constant 5.000000e-01 : f32
          %mul3A_593 = vector.broadcast %mul3A_592 : f32 to vector<16xf32>
          %mul3A_594 = arith.mulf %mul3A_593, %broadcast_in_dim3A_576 : vector<16xf32>
          %mul3A_595 = arith.mulf %mul3A_594, %mul3A_591 : vector<16xf32>
          %mul3A_596 = arith.mulf %mul3A_595, %mul3A_591 : vector<16xf32>
          %sub3A_597 = arith.constant 1.500000e+00 : f32
          %sub3A_598 = vector.broadcast %sub3A_597 : f32 to vector<16xf32>
          %sub3A_599 = arith.subf %sub3A_598, %mul3A_596 : vector<16xf32>
          %mul3A_600 = arith.mulf %mul3A_591, %sub3A_599 : vector<16xf32>
          %mul3A_601 = arith.mulf %add3A_465, %mul3A_600 : vector<16xf32>
          %swap3A_602 = arith.index_cast %add3A_450 : i32 to index
          %swap3A_603 = arith.constant 0 : index
          %swap3A_604 = tpu.vector_load %arg12[%swap3A_602, %swap3A_603] {strides = array<i32>} : memref<128x128xf32, #tpu.memory_space<vmem>>, vector<16xf32>,
          tpu.vector_store %arg12[%swap3A_602, %swap3A_603], %mul3A_601 {strides = array<i32>} : memref<128x128xf32, #tpu.memory_space<vmem>>, vector<16xf32>,
          %mul3A_605 = arith.mulf %add3A_480, %mul3A_600 : vector<16xf32>
          %swap3A_606 = arith.index_cast %add3A_450 : i32 to index
          %swap3A_607 = arith.constant 16 : index
          %swap3A_608 = tpu.vector_load %arg12[%swap3A_606, %swap3A_607] {strides = array<i32>} : memref<128x128xf32, #tpu.memory_space<vmem>>, vector<16xf32>,
          tpu.vector_store %arg12[%swap3A_606, %swap3A_607], %mul3A_605 {strides = array<i32>} : memref<128x128xf32, #tpu.memory_space<vmem>>, vector<16xf32>,
          %mul3A_609 = arith.mulf %add3A_495, %mul3A_600 : vector<16xf32>
          %swap3A_610 = arith.index_cast %add3A_450 : i32 to index
          %swap3A_611 = arith.constant 32 : index
          %swap3A_612 = tpu.vector_load %arg12[%swap3A_610, %swap3A_611] {strides = array<i32>} : memref<128x128xf32, #tpu.memory_space<vmem>>, vector<16xf32>,
          tpu.vector_store %arg12[%swap3A_610, %swap3A_611], %mul3A_609 {strides = array<i32>} : memref<128x128xf32, #tpu.memory_space<vmem>>, vector<16xf32>,
          %mul3A_613 = arith.mulf %add3A_510, %mul3A_600 : vector<16xf32>
          %swap3A_614 = arith.index_cast %add3A_450 : i32 to index
          %swap3A_615 = arith.constant 48 : index
          %swap3A_616 = tpu.vector_load %arg12[%swap3A_614, %swap3A_615] {strides = array<i32>} : memref<128x128xf32, #tpu.memory_space<vmem>>, vector<16xf32>,
          tpu.vector_store %arg12[%swap3A_614, %swap3A_615], %mul3A_613 {strides = array<i32>} : memref<128x128xf32, #tpu.memory_space<vmem>>, vector<16xf32>,
          %mul3A_617 = arith.mulf %add3A_525, %mul3A_600 : vector<16xf32>
          %swap3A_618 = arith.index_cast %add3A_450 : i32 to index
          %swap3A_619 = arith.constant 64 : index
          %swap3A_620 = tpu.vector_load %arg12[%swap3A_618, %swap3A_619] {strides = array<i32>} : memref<128x128xf32, #tpu.memory_space<vmem>>, vector<16xf32>,
          tpu.vector_store %arg12[%swap3A_618, %swap3A_619], %mul3A_617 {strides = array<i32>} : memref<128x128xf32, #tpu.memory_space<vmem>>, vector<16xf32>,
          %mul3A_621 = arith.mulf %add3A_540, %mul3A_600 : vector<16xf32>
          %swap3A_622 = arith.index_cast %add3A_450 : i32 to index
          %swap3A_623 = arith.constant 80 : index
          %swap3A_624 = tpu.vector_load %arg12[%swap3A_622, %swap3A_623] {strides = array<i32>} : memref<128x128xf32, #tpu.memory_space<vmem>>, vector<16xf32>,
          tpu.vector_store %arg12[%swap3A_622, %swap3A_623], %mul3A_621 {strides = array<i32>} : memref<128x128xf32, #tpu.memory_space<vmem>>, vector<16xf32>,
          %mul3A_625 = arith.mulf %add3A_555, %mul3A_600 : vector<16xf32>
          %swap3A_626 = arith.index_cast %add3A_450 : i32 to index
          %swap3A_627 = arith.constant 96 : index
          %swap3A_628 = tpu.vector_load %arg12[%swap3A_626, %swap3A_627] {strides = array<i32>} : memref<128x128xf32, #tpu.memory_space<vmem>>, vector<16xf32>,
          tpu.vector_store %arg12[%swap3A_626, %swap3A_627], %mul3A_625 {strides = array<i32>} : memref<128x128xf32, #tpu.memory_space<vmem>>, vector<16xf32>,
          %mul3A_629 = arith.mulf %add3A_570, %mul3A_600 : vector<16xf32>
          %swap3A_630 = arith.index_cast %add3A_450 : i32 to index
          %swap3A_631 = arith.constant 112 : index
          %swap3A_632 = tpu.vector_load %arg12[%swap3A_630, %swap3A_631] {strides = array<i32>} : memref<128x128xf32, #tpu.memory_space<vmem>>, vector<16xf32>,
          tpu.vector_store %arg12[%swap3A_630, %swap3A_631], %mul3A_629 {strides = array<i32>} : memref<128x128xf32, #tpu.memory_space<vmem>>, vector<16xf32>,
        }
        %scan3A_433 = arith.constant 128 : i32
        %dma_start3A_434 = arith.constant 0 : i32
        %dma_start3A_435 = tpu.memref_slice %arg11[%add3A_353, %dma_start3A_434] : memref<32x128xi32, #tpu.memory_space<vmem>> -> memref<1x128xi32, #tpu.memory_space<vmem>>
        %dma_start3A_436 = tpu.memref_squeeze %dma_start3A_435 : memref<1x128xi32, #tpu.memory_space<vmem>> -> memref<128xi32, #tpu.memory_space<vmem>>
        %dma_start3A_437 = arith.constant 0 : i32
        %dma_start3A_438 = arith.constant 0 : i32
        %dma_start3A_439 = tpu.memref_slice %arg5[%dma_start3A_437, %dma_start3A_438] : memref<100000x128xf32, #tpu.memory_space<hbm>> -> memref<100000x128xf32, #tpu.memory_space<hbm>>
        tpu.enqueue_indirect_dma source(%arg12 : memref<128x128xf32, #tpu.memory_space<vmem>>) target(%dma_start3A_439 : memref<100000x128xf32, #tpu.memory_space<hbm>>) offsets(%dma_start3A_436 : memref<128xi32, #tpu.memory_space<vmem>>) semaphore(%arg14 : memref<!tpu.dma_semaphore, #tpu.memory_space<semaphore_mem>>)
        %dma_wait3A_440 = arith.constant 0 : i32
        %dma_wait3A_441 = tpu.memref_slice %arg11[%add3A_353, %dma_wait3A_440] : memref<32x128xi32, #tpu.memory_space<vmem>> -> memref<1x128xi32, #tpu.memory_space<vmem>>
        %dma_wait3A_442 = tpu.memref_squeeze %dma_wait3A_441 : memref<1x128xi32, #tpu.memory_space<vmem>> -> memref<128xi32, #tpu.memory_space<vmem>>
        %dma_wait3A_443 = arith.constant 0 : i32
        %dma_wait3A_444 = arith.constant 0 : i32
        %dma_wait3A_445 = tpu.memref_slice %arg5[%dma_wait3A_443, %dma_wait3A_444] : memref<100000x128xf32, #tpu.memory_space<hbm>> -> memref<100000x128xf32, #tpu.memory_space<hbm>>
        tpu.wait_indirect_dma semaphore(%arg14 : memref<!tpu.dma_semaphore, #tpu.memory_space<semaphore_mem>>) src(%arg12 : memref<128x128xf32, #tpu.memory_space<vmem>>) dst(%dma_wait3A_445 : memref<100000x128xf32, #tpu.memory_space<hbm>>)
      }
      %mul3A_252 = arith.constant 128 : i32
      %mul3A_253 = arith.muli %select_n3A_122, %mul3A_252 : i32
      %sub3A_254 = arith.constant 0 : i32
      %sub3A_255 = arith.subi %select_n3A_153, %sub3A_254 : i32
      %sub3A_256 = arith.constant 1 : i32
      %sub3A_257 = arith.constant 1 : i32
      %sub3A_258 = arith.subi %sub3A_256, %sub3A_257 : i32
      %add3A_259 = arith.addi %sub3A_255, %sub3A_258 : i32
      %div3A_260 = arith.constant 1 : i32
      %div3A_261 = arith.divsi %add3A_259, %div3A_260 : i32
      %while3A_262 = arith.constant 1 : i32
      %while3A_263 = arith.constant 0 : i32
      %while3A_264 = arith.constant 0 : i32
      %while3A_265 = arith.subi %div3A_261, %while3A_264 : i32
      %while3A_266 = arith.addi %while3A_264, %while3A_265 : i32
      %while3A_267 = arith.constant 1 : i32
      %while3A_268 = arith.divsi %while3A_265, %while3A_267 : i32
      %while3A_269 = arith.muli %while3A_268, %while3A_267 : i32
      %while3A_270 = arith.addi %while3A_264, %while3A_269 : i32
      %while3A_271 = arith.constant 1 : i32
      scf.for %while3A_351 = %while3A_264 to %while3A_270 step %while3A_271  : i32 {
        %mul3A_352 = arith.muli %while3A_351, %while3A_262 : i32
        %add3A_353 = arith.addi %while3A_263, %mul3A_352 : i32
        %mul3A_354 = arith.constant 16 : i32
        %mul3A_355 = arith.muli %add3A_353, %mul3A_354 : i32
        %add3A_356 = arith.addi %mul3A_253, %mul3A_355 : i32
        %get3A_357 = arith.index_cast %add3A_356 : i32 to index
        %get3A_358 = tpu.vector_load %arg10[%get3A_357] {strides = array<i32>} : memref<4128xi32, #tpu.memory_space<vmem>>, vector<16xi32>,
        %mul3A_359 = arith.constant 16 : i32
        %mul3A_360 = arith.muli %add3A_353, %mul3A_359 : i32
        %add3A_361 = arith.addi %mul3A_253, %mul3A_360 : i32
        %get3A_362 = arith.index_cast %add3A_361 : i32 to index
        %get3A_363 = tpu.vector_load %arg9[%get3A_362] {strides = array<i32>} : memref<4128xi32, #tpu.memory_space<vmem>>, vector<16xi32>,
        %mul3A_364 = arith.constant 16 : i32
        %mul3A_365 = arith.muli %add3A_353, %mul3A_364 : i32
        %dma_start3A = arith.constant 0 : i32
        %dma_start3A_366 = tpu.memref_slice %arg12[%mul3A_365, %dma_start3A] : memref<128x128xf32, #tpu.memory_space<vmem>> -> memref<16x128xf32, #tpu.memory_space<vmem>>
        %dma_start3A_367 = arith.constant 0 : i32
        %dma_start3A_368 = arith.constant 0 : i32
        %dma_start3A_369 = tpu.memref_slice %arg4[%dma_start3A_367, %dma_start3A_368] : memref<100000x128xf32, #tpu.memory_space<hbm>> -> memref<100000x128xf32, #tpu.memory_space<hbm>>
        tpu.enqueue_indirect_dma source(%dma_start3A_369 : memref<100000x128xf32, #tpu.memory_space<hbm>>) target(%dma_start3A_366 : memref<16x128xf32, #tpu.memory_space<vmem>>) offsets(%get3A_358 : vector<16xi32>) semaphore(%arg14 : memref<!tpu.dma_semaphore, #tpu.memory_space<semaphore_mem>>)
        %mul3A_370 = arith.constant 16 : i32
        %mul3A_371 = arith.muli %add3A_353, %mul3A_370 : i32
        %dma_start3A_372 = arith.constant 0 : i32
        %dma_start3A_373 = tpu.memref_slice %arg13[%mul3A_371, %dma_start3A_372] : memref<128x128xf32, #tpu.memory_space<vmem>> -> memref<16x128xf32, #tpu.memory_space<vmem>>
        %dma_start3A_374 = arith.constant 0 : i32
        %dma_start3A_375 = arith.constant 0 : i32
        %dma_start3A_376 = tpu.memref_slice %arg2[%dma_start3A_374, %dma_start3A_375] : memref<4096x128xf32, #tpu.memory_space<hbm>> -> memref<4096x128xf32, #tpu.memory_space<hbm>>
        tpu.enqueue_indirect_dma source(%dma_start3A_376 : memref<4096x128xf32, #tpu.memory_space<hbm>>) target(%dma_start3A_373 : memref<16x128xf32, #tpu.memory_space<vmem>>) offsets(%get3A_363 : vector<16xi32>) semaphore(%arg15 : memref<!tpu.dma_semaphore, #tpu.memory_space<semaphore_mem>>)
      }
      %while3A_272 = arith.constant 1 : i32
      scf.for %while3A_351 = %while3A_270 to %while3A_266 step %while3A_272  : i32 {
        %mul3A_352 = arith.muli %while3A_351, %while3A_262 : i32
        %add3A_353 = arith.addi %while3A_263, %mul3A_352 : i32
        %mul3A_354 = arith.constant 16 : i32
        %mul3A_355 = arith.muli %add3A_353, %mul3A_354 : i32
        %add3A_356 = arith.addi %mul3A_253, %mul3A_355 : i32
        %get3A_357 = arith.index_cast %add3A_356 : i32 to index
        %get3A_358 = tpu.vector_load %arg10[%get3A_357] {strides = array<i32>} : memref<4128xi32, #tpu.memory_space<vmem>>, vector<16xi32>,
        %mul3A_359 = arith.constant 16 : i32
        %mul3A_360 = arith.muli %add3A_353, %mul3A_359 : i32
        %add3A_361 = arith.addi %mul3A_253, %mul3A_360 : i32
        %get3A_362 = arith.index_cast %add3A_361 : i32 to index
        %get3A_363 = tpu.vector_load %arg9[%get3A_362] {strides = array<i32>} : memref<4128xi32, #tpu.memory_space<vmem>>, vector<16xi32>,
        %mul3A_364 = arith.constant 16 : i32
        %mul3A_365 = arith.muli %add3A_353, %mul3A_364 : i32
        %dma_start3A = arith.constant 0 : i32
        %dma_start3A_366 = tpu.memref_slice %arg12[%mul3A_365, %dma_start3A] : memref<128x128xf32, #tpu.memory_space<vmem>> -> memref<16x128xf32, #tpu.memory_space<vmem>>
        %dma_start3A_367 = arith.constant 0 : i32
        %dma_start3A_368 = arith.constant 0 : i32
        %dma_start3A_369 = tpu.memref_slice %arg4[%dma_start3A_367, %dma_start3A_368] : memref<100000x128xf32, #tpu.memory_space<hbm>> -> memref<100000x128xf32, #tpu.memory_space<hbm>>
        tpu.enqueue_indirect_dma source(%dma_start3A_369 : memref<100000x128xf32, #tpu.memory_space<hbm>>) target(%dma_start3A_366 : memref<16x128xf32, #tpu.memory_space<vmem>>) offsets(%get3A_358 : vector<16xi32>) semaphore(%arg14 : memref<!tpu.dma_semaphore, #tpu.memory_space<semaphore_mem>>)
        %mul3A_370 = arith.constant 16 : i32
        %mul3A_371 = arith.muli %add3A_353, %mul3A_370 : i32
        %dma_start3A_372 = arith.constant 0 : i32
        %dma_start3A_373 = tpu.memref_slice %arg13[%mul3A_371, %dma_start3A_372] : memref<128x128xf32, #tpu.memory_space<vmem>> -> memref<16x128xf32, #tpu.memory_space<vmem>>
        %dma_start3A_374 = arith.constant 0 : i32
        %dma_start3A_375 = arith.constant 0 : i32
        %dma_start3A_376 = tpu.memref_slice %arg2[%dma_start3A_374, %dma_start3A_375] : memref<4096x128xf32, #tpu.memory_space<hbm>> -> memref<4096x128xf32, #tpu.memory_space<hbm>>
        tpu.enqueue_indirect_dma source(%dma_start3A_376 : memref<4096x128xf32, #tpu.memory_space<hbm>>) target(%dma_start3A_373 : memref<16x128xf32, #tpu.memory_space<vmem>>) offsets(%get3A_363 : vector<16xi32>) semaphore(%arg15 : memref<!tpu.dma_semaphore, #tpu.memory_space<semaphore_mem>>)
      }
      %sub3A_273 = arith.constant 0 : i32
      %sub3A_274 = arith.subi %select_n3A_153, %sub3A_273 : i32
      %sub3A_275 = arith.constant 1 : i32
      %sub3A_276 = arith.constant 1 : i32
      %sub3A_277 = arith.subi %sub3A_275, %sub3A_276 : i32
      %add3A_278 = arith.addi %sub3A_274, %sub3A_277 : i32
      %div3A_279 = arith.constant 1 : i32
      %div3A_280 = arith.divsi %add3A_278, %div3A_279 : i32
      %while3A_281 = arith.constant 1 : i32
      %while3A_282 = arith.constant 0 : i32
      %while3A_283 = arith.constant 0 : i32
      %while3A_284 = arith.subi %div3A_280, %while3A_283 : i32
      %while3A_285 = arith.addi %while3A_283, %while3A_284 : i32
      %while3A_286 = arith.constant 1 : i32
      %while3A_287 = arith.divsi %while3A_284, %while3A_286 : i32
      %while3A_288 = arith.muli %while3A_287, %while3A_286 : i32
      %while3A_289 = arith.addi %while3A_283, %while3A_288 : i32
      %while3A_290 = arith.constant 1 : i32
      scf.for %while3A_351 = %while3A_283 to %while3A_289 step %while3A_290  : i32 {
        %mul3A_352 = arith.muli %while3A_351, %while3A_281 : i32
        %add3A_353 = arith.addi %while3A_282, %mul3A_352 : i32
        %mul3A_354 = arith.constant 16 : i32
        %mul3A_355 = arith.muli %add3A_353, %mul3A_354 : i32
        %add3A_356 = arith.addi %mul3A_253, %mul3A_355 : i32
        %get3A_357 = arith.index_cast %add3A_356 : i32 to index
        %get3A_358 = tpu.vector_load %arg10[%get3A_357] {strides = array<i32>} : memref<4128xi32, #tpu.memory_space<vmem>>, vector<16xi32>,
        %mul3A_359 = arith.constant 16 : i32
        %mul3A_360 = arith.muli %add3A_353, %mul3A_359 : i32
        %add3A_361 = arith.addi %mul3A_253, %mul3A_360 : i32
        %get3A_362 = arith.index_cast %add3A_361 : i32 to index
        %get3A_363 = tpu.vector_load %arg9[%get3A_362] {strides = array<i32>} : memref<4128xi32, #tpu.memory_space<vmem>>, vector<16xi32>,
        %mul3A_364 = arith.constant 16 : i32
        %mul3A_365 = arith.muli %add3A_353, %mul3A_364 : i32
        %dma_wait3A = arith.constant 0 : i32
        %dma_wait3A_366 = tpu.memref_slice %arg12[%mul3A_365, %dma_wait3A] : memref<128x128xf32, #tpu.memory_space<vmem>> -> memref<16x128xf32, #tpu.memory_space<vmem>>
        %dma_wait3A_367 = arith.constant 0 : i32
        %dma_wait3A_368 = arith.constant 0 : i32
        %dma_wait3A_369 = tpu.memref_slice %arg4[%dma_wait3A_367, %dma_wait3A_368] : memref<100000x128xf32, #tpu.memory_space<hbm>> -> memref<100000x128xf32, #tpu.memory_space<hbm>>
        tpu.wait_indirect_dma semaphore(%arg14 : memref<!tpu.dma_semaphore, #tpu.memory_space<semaphore_mem>>) src(%dma_wait3A_369 : memref<100000x128xf32, #tpu.memory_space<hbm>>) dst(%dma_wait3A_366 : memref<16x128xf32, #tpu.memory_space<vmem>>)
        %mul3A_370 = arith.constant 16 : i32
        %mul3A_371 = arith.muli %add3A_353, %mul3A_370 : i32
        %dma_wait3A_372 = arith.constant 0 : i32
        %dma_wait3A_373 = tpu.memref_slice %arg13[%mul3A_371, %dma_wait3A_372] : memref<128x128xf32, #tpu.memory_space<vmem>> -> memref<16x128xf32, #tpu.memory_space<vmem>>
        %dma_wait3A_374 = arith.constant 0 : i32
        %dma_wait3A_375 = arith.constant 0 : i32
        %dma_wait3A_376 = tpu.memref_slice %arg2[%dma_wait3A_374, %dma_wait3A_375] : memref<4096x128xf32, #tpu.memory_space<hbm>> -> memref<4096x128xf32, #tpu.memory_space<hbm>>
        tpu.wait_indirect_dma semaphore(%arg15 : memref<!tpu.dma_semaphore, #tpu.memory_space<semaphore_mem>>) src(%dma_wait3A_376 : memref<4096x128xf32, #tpu.memory_space<hbm>>) dst(%dma_wait3A_373 : memref<16x128xf32, #tpu.memory_space<vmem>>)
      }
      %while3A_291 = arith.constant 1 : i32
      scf.for %while3A_351 = %while3A_289 to %while3A_285 step %while3A_291  : i32 {
        %mul3A_352 = arith.muli %while3A_351, %while3A_281 : i32
        %add3A_353 = arith.addi %while3A_282, %mul3A_352 : i32
        %mul3A_354 = arith.constant 16 : i32
        %mul3A_355 = arith.muli %add3A_353, %mul3A_354 : i32
        %add3A_356 = arith.addi %mul3A_253, %mul3A_355 : i32
        %get3A_357 = arith.index_cast %add3A_356 : i32 to index
        %get3A_358 = tpu.vector_load %arg10[%get3A_357] {strides = array<i32>} : memref<4128xi32, #tpu.memory_space<vmem>>, vector<16xi32>,
        %mul3A_359 = arith.constant 16 : i32
        %mul3A_360 = arith.muli %add3A_353, %mul3A_359 : i32
        %add3A_361 = arith.addi %mul3A_253, %mul3A_360 : i32
        %get3A_362 = arith.index_cast %add3A_361 : i32 to index
        %get3A_363 = tpu.vector_load %arg9[%get3A_362] {strides = array<i32>} : memref<4128xi32, #tpu.memory_space<vmem>>, vector<16xi32>,
        %mul3A_364 = arith.constant 16 : i32
        %mul3A_365 = arith.muli %add3A_353, %mul3A_364 : i32
        %dma_wait3A = arith.constant 0 : i32
        %dma_wait3A_366 = tpu.memref_slice %arg12[%mul3A_365, %dma_wait3A] : memref<128x128xf32, #tpu.memory_space<vmem>> -> memref<16x128xf32, #tpu.memory_space<vmem>>
        %dma_wait3A_367 = arith.constant 0 : i32
        %dma_wait3A_368 = arith.constant 0 : i32
        %dma_wait3A_369 = tpu.memref_slice %arg4[%dma_wait3A_367, %dma_wait3A_368] : memref<100000x128xf32, #tpu.memory_space<hbm>> -> memref<100000x128xf32, #tpu.memory_space<hbm>>
        tpu.wait_indirect_dma semaphore(%arg14 : memref<!tpu.dma_semaphore, #tpu.memory_space<semaphore_mem>>) src(%dma_wait3A_369 : memref<100000x128xf32, #tpu.memory_space<hbm>>) dst(%dma_wait3A_366 : memref<16x128xf32, #tpu.memory_space<vmem>>)
        %mul3A_370 = arith.constant 16 : i32
        %mul3A_371 = arith.muli %add3A_353, %mul3A_370 : i32
        %dma_wait3A_372 = arith.constant 0 : i32
        %dma_wait3A_373 = tpu.memref_slice %arg13[%mul3A_371, %dma_wait3A_372] : memref<128x128xf32, #tpu.memory_space<vmem>> -> memref<16x128xf32, #tpu.memory_space<vmem>>
        %dma_wait3A_374 = arith.constant 0 : i32
        %dma_wait3A_375 = arith.constant 0 : i32
        %dma_wait3A_376 = tpu.memref_slice %arg2[%dma_wait3A_374, %dma_wait3A_375] : memref<4096x128xf32, #tpu.memory_space<hbm>> -> memref<4096x128xf32, #tpu.memory_space<hbm>>
        tpu.wait_indirect_dma semaphore(%arg15 : memref<!tpu.dma_semaphore, #tpu.memory_space<semaphore_mem>>) src(%dma_wait3A_376 : memref<4096x128xf32, #tpu.memory_space<hbm>>) dst(%dma_wait3A_373 : memref<16x128xf32, #tpu.memory_space<vmem>>)
      }
      %mul3A_292 = arith.constant 16 : i32
      %mul3A_293 = arith.muli %select_n3A_153, %mul3A_292 : i32
      %sub3A_294 = arith.constant 0 : i32
      %sub3A_295 = arith.subi %mul3A_293, %sub3A_294 : i32
      %sub3A_296 = arith.constant 1 : i32
      %sub3A_297 = arith.constant 1 : i32
      %sub3A_298 = arith.subi %sub3A_296, %sub3A_297 : i32
      %add3A_299 = arith.addi %sub3A_295, %sub3A_298 : i32
      %div3A_300 = arith.constant 1 : i32
      %div3A_301 = arith.divsi %add3A_299, %div3A_300 : i32
      %while3A_302 = arith.constant 1 : i32
      %while3A_303 = arith.constant 0 : i32
      %while3A_304 = arith.constant 0 : i32
      %while3A_305 = arith.subi %div3A_301, %while3A_304 : i32
      %while3A_306 = arith.addi %while3A_304, %while3A_305 : i32
      %while3A_307 = arith.constant 1 : i32
      %while3A_308 = arith.divsi %while3A_305, %while3A_307 : i32
      %while3A_309 = arith.muli %while3A_308, %while3A_307 : i32
      %while3A_310 = arith.addi %while3A_304, %while3A_309 : i32
      %while3A_311 = arith.constant 1 : i32
      scf.for %while3A_351 = %while3A_304 to %while3A_310 step %while3A_311  : i32 {
        %mul3A_352 = arith.muli %while3A_351, %while3A_302 : i32
        %add3A_353 = arith.addi %while3A_303, %mul3A_352 : i32
        %broadcast_in_dim3A_354 = arith.constant 0.000000e+00 : f32
        %broadcast_in_dim3A_355 = vector.broadcast %broadcast_in_dim3A_354 : f32 to vector<16xf32>
        %get3A_356 = arith.index_cast %add3A_353 : i32 to index
        %get3A_357 = arith.constant 0 : index
        %get3A_358 = tpu.vector_load %arg12[%get3A_356, %get3A_357] {strides = array<i32>} : memref<128x128xf32, #tpu.memory_space<vmem>>, vector<16xf32>,
        %mul3A_359 = arith.constant 5.000000e-01 : f32
        %mul3A_360 = vector.broadcast %mul3A_359 : f32 to vector<16xf32>
        %mul3A_361 = arith.mulf %get3A_358, %mul3A_360 : vector<16xf32>
        %get3A_362 = arith.index_cast %add3A_353 : i32 to index
        %get3A_363 = arith.constant 0 : index
        %get3A_364 = tpu.vector_load %arg13[%get3A_362, %get3A_363] {strides = array<i32>} : memref<128x128xf32, #tpu.memory_space<vmem>>, vector<16xf32>,
        %mul3A_365 = arith.constant 5.000000e-01 : f32
        %mul3A_366 = vector.broadcast %mul3A_365 : f32 to vector<16xf32>
        %mul3A_367 = arith.mulf %get3A_364, %mul3A_366 : vector<16xf32>
        %add3A_368 = arith.addf %mul3A_361, %mul3A_367 : vector<16xf32>
        %mul3A_369 = arith.mulf %add3A_368, %add3A_368 : vector<16xf32>
        %add3A_370 = arith.addf %broadcast_in_dim3A_355, %mul3A_369 : vector<16xf32>
        %get3A_371 = arith.index_cast %add3A_353 : i32 to index
        %get3A_372 = arith.constant 16 : index
        %get3A_373 = tpu.vector_load %arg12[%get3A_371, %get3A_372] {strides = array<i32>} : memref<128x128xf32, #tpu.memory_space<vmem>>, vector<16xf32>,
        %mul3A_374 = arith.constant 5.000000e-01 : f32
        %mul3A_375 = vector.broadcast %mul3A_374 : f32 to vector<16xf32>
        %mul3A_376 = arith.mulf %get3A_373, %mul3A_375 : vector<16xf32>
        %get3A_377 = arith.index_cast %add3A_353 : i32 to index
        %get3A_378 = arith.constant 16 : index
        %get3A_379 = tpu.vector_load %arg13[%get3A_377, %get3A_378] {strides = array<i32>} : memref<128x128xf32, #tpu.memory_space<vmem>>, vector<16xf32>,
        %mul3A_380 = arith.constant 5.000000e-01 : f32
        %mul3A_381 = vector.broadcast %mul3A_380 : f32 to vector<16xf32>
        %mul3A_382 = arith.mulf %get3A_379, %mul3A_381 : vector<16xf32>
        %add3A_383 = arith.addf %mul3A_376, %mul3A_382 : vector<16xf32>
        %mul3A_384 = arith.mulf %add3A_383, %add3A_383 : vector<16xf32>
        %add3A_385 = arith.addf %add3A_370, %mul3A_384 : vector<16xf32>
        %get3A_386 = arith.index_cast %add3A_353 : i32 to index
        %get3A_387 = arith.constant 32 : index
        %get3A_388 = tpu.vector_load %arg12[%get3A_386, %get3A_387] {strides = array<i32>} : memref<128x128xf32, #tpu.memory_space<vmem>>, vector<16xf32>,
        %mul3A_389 = arith.constant 5.000000e-01 : f32
        %mul3A_390 = vector.broadcast %mul3A_389 : f32 to vector<16xf32>
        %mul3A_391 = arith.mulf %get3A_388, %mul3A_390 : vector<16xf32>
        %get3A_392 = arith.index_cast %add3A_353 : i32 to index
        %get3A_393 = arith.constant 32 : index
        %get3A_394 = tpu.vector_load %arg13[%get3A_392, %get3A_393] {strides = array<i32>} : memref<128x128xf32, #tpu.memory_space<vmem>>, vector<16xf32>,
        %mul3A_395 = arith.constant 5.000000e-01 : f32
        %mul3A_396 = vector.broadcast %mul3A_395 : f32 to vector<16xf32>
        %mul3A_397 = arith.mulf %get3A_394, %mul3A_396 : vector<16xf32>
        %add3A_398 = arith.addf %mul3A_391, %mul3A_397 : vector<16xf32>
        %mul3A_399 = arith.mulf %add3A_398, %add3A_398 : vector<16xf32>
        %add3A_400 = arith.addf %add3A_385, %mul3A_399 : vector<16xf32>
        %get3A_401 = arith.index_cast %add3A_353 : i32 to index
        %get3A_402 = arith.constant 48 : index
        %get3A_403 = tpu.vector_load %arg12[%get3A_401, %get3A_402] {strides = array<i32>} : memref<128x128xf32, #tpu.memory_space<vmem>>, vector<16xf32>,
        %mul3A_404 = arith.constant 5.000000e-01 : f32
        %mul3A_405 = vector.broadcast %mul3A_404 : f32 to vector<16xf32>
        %mul3A_406 = arith.mulf %get3A_403, %mul3A_405 : vector<16xf32>
        %get3A_407 = arith.index_cast %add3A_353 : i32 to index
        %get3A_408 = arith.constant 48 : index
        %get3A_409 = tpu.vector_load %arg13[%get3A_407, %get3A_408] {strides = array<i32>} : memref<128x128xf32, #tpu.memory_space<vmem>>, vector<16xf32>,
        %mul3A_410 = arith.constant 5.000000e-01 : f32
        %mul3A_411 = vector.broadcast %mul3A_410 : f32 to vector<16xf32>
        %mul3A_412 = arith.mulf %get3A_409, %mul3A_411 : vector<16xf32>
        %add3A_413 = arith.addf %mul3A_406, %mul3A_412 : vector<16xf32>
        %mul3A_414 = arith.mulf %add3A_413, %add3A_413 : vector<16xf32>
        %add3A_415 = arith.addf %add3A_400, %mul3A_414 : vector<16xf32>
        %get3A_416 = arith.index_cast %add3A_353 : i32 to index
        %get3A_417 = arith.constant 64 : index
        %get3A_418 = tpu.vector_load %arg12[%get3A_416, %get3A_417] {strides = array<i32>} : memref<128x128xf32, #tpu.memory_space<vmem>>, vector<16xf32>,
        %mul3A_419 = arith.constant 5.000000e-01 : f32
        %mul3A_420 = vector.broadcast %mul3A_419 : f32 to vector<16xf32>
        %mul3A_421 = arith.mulf %get3A_418, %mul3A_420 : vector<16xf32>
        %get3A_422 = arith.index_cast %add3A_353 : i32 to index
        %get3A_423 = arith.constant 64 : index
        %get3A_424 = tpu.vector_load %arg13[%get3A_422, %get3A_423] {strides = array<i32>} : memref<128x128xf32, #tpu.memory_space<vmem>>, vector<16xf32>,
        %mul3A_425 = arith.constant 5.000000e-01 : f32
        %mul3A_426 = vector.broadcast %mul3A_425 : f32 to vector<16xf32>
        %mul3A_427 = arith.mulf %get3A_424, %mul3A_426 : vector<16xf32>
        %add3A_428 = arith.addf %mul3A_421, %mul3A_427 : vector<16xf32>
        %mul3A_429 = arith.mulf %add3A_428, %add3A_428 : vector<16xf32>
        %add3A_430 = arith.addf %add3A_415, %mul3A_429 : vector<16xf32>
        %get3A_431 = arith.index_cast %add3A_353 : i32 to index
        %get3A_432 = arith.constant 80 : index
        %get3A_433 = tpu.vector_load %arg12[%get3A_431, %get3A_432] {strides = array<i32>} : memref<128x128xf32, #tpu.memory_space<vmem>>, vector<16xf32>,
        %mul3A_434 = arith.constant 5.000000e-01 : f32
        %mul3A_435 = vector.broadcast %mul3A_434 : f32 to vector<16xf32>
        %mul3A_436 = arith.mulf %get3A_433, %mul3A_435 : vector<16xf32>
        %get3A_437 = arith.index_cast %add3A_353 : i32 to index
        %get3A_438 = arith.constant 80 : index
        %get3A_439 = tpu.vector_load %arg13[%get3A_437, %get3A_438] {strides = array<i32>} : memref<128x128xf32, #tpu.memory_space<vmem>>, vector<16xf32>,
        %mul3A_440 = arith.constant 5.000000e-01 : f32
        %mul3A_441 = vector.broadcast %mul3A_440 : f32 to vector<16xf32>
        %mul3A_442 = arith.mulf %get3A_439, %mul3A_441 : vector<16xf32>
        %add3A_443 = arith.addf %mul3A_436, %mul3A_442 : vector<16xf32>
        %mul3A_444 = arith.mulf %add3A_443, %add3A_443 : vector<16xf32>
        %add3A_445 = arith.addf %add3A_430, %mul3A_444 : vector<16xf32>
        %get3A_446 = arith.index_cast %add3A_353 : i32 to index
        %get3A_447 = arith.constant 96 : index
        %get3A_448 = tpu.vector_load %arg12[%get3A_446, %get3A_447] {strides = array<i32>} : memref<128x128xf32, #tpu.memory_space<vmem>>, vector<16xf32>,
        %mul3A_449 = arith.constant 5.000000e-01 : f32
        %mul3A_450 = vector.broadcast %mul3A_449 : f32 to vector<16xf32>
        %mul3A_451 = arith.mulf %get3A_448, %mul3A_450 : vector<16xf32>
        %get3A_452 = arith.index_cast %add3A_353 : i32 to index
        %get3A_453 = arith.constant 96 : index
        %get3A_454 = tpu.vector_load %arg13[%get3A_452, %get3A_453] {strides = array<i32>} : memref<128x128xf32, #tpu.memory_space<vmem>>, vector<16xf32>,
        %mul3A_455 = arith.constant 5.000000e-01 : f32
        %mul3A_456 = vector.broadcast %mul3A_455 : f32 to vector<16xf32>
        %mul3A_457 = arith.mulf %get3A_454, %mul3A_456 : vector<16xf32>
        %add3A_458 = arith.addf %mul3A_451, %mul3A_457 : vector<16xf32>
        %mul3A_459 = arith.mulf %add3A_458, %add3A_458 : vector<16xf32>
        %add3A_460 = arith.addf %add3A_445, %mul3A_459 : vector<16xf32>
        %get3A_461 = arith.index_cast %add3A_353 : i32 to index
        %get3A_462 = arith.constant 112 : index
        %get3A_463 = tpu.vector_load %arg12[%get3A_461, %get3A_462] {strides = array<i32>} : memref<128x128xf32, #tpu.memory_space<vmem>>, vector<16xf32>,
        %mul3A_464 = arith.constant 5.000000e-01 : f32
        %mul3A_465 = vector.broadcast %mul3A_464 : f32 to vector<16xf32>
        %mul3A_466 = arith.mulf %get3A_463, %mul3A_465 : vector<16xf32>
        %get3A_467 = arith.index_cast %add3A_353 : i32 to index
        %get3A_468 = arith.constant 112 : index
        %get3A_469 = tpu.vector_load %arg13[%get3A_467, %get3A_468] {strides = array<i32>} : memref<128x128xf32, #tpu.memory_space<vmem>>, vector<16xf32>,
        %mul3A_470 = arith.constant 5.000000e-01 : f32
        %mul3A_471 = vector.broadcast %mul3A_470 : f32 to vector<16xf32>
        %mul3A_472 = arith.mulf %get3A_469, %mul3A_471 : vector<16xf32>
        %add3A_473 = arith.addf %mul3A_466, %mul3A_472 : vector<16xf32>
        %mul3A_474 = arith.mulf %add3A_473, %add3A_473 : vector<16xf32>
        %add3A_475 = arith.addf %add3A_460, %mul3A_474 : vector<16xf32>
        %reduce_sum3A = arith.constant true
        %reduce_sum3A_476 = vector.broadcast %reduce_sum3A : i1 to vector<16xi1>
        %reduce_sum3A_477 = tpu.scan <sum>, %add3A_475 masked %reduce_sum3A_476 : vector<16xf32>, vector<16xi1> -> vector<16xf32>
        %reduce_sum3A_478 = vector.extract %reduce_sum3A_477[15] : f32 from vector<16xf32>
        %broadcast_in_dim3A_479 = vector.broadcast %reduce_sum3A_478 : f32 to vector<16xf32>
        %bitcast3A = vector.bitcast %broadcast_in_dim3A_479 : vector<16xf32> to vector<16xi32>
        %broadcast_in_dim3A_480 = arith.constant 1597463007 : i32
        %broadcast_in_dim3A_481 = vector.broadcast %broadcast_in_dim3A_480 : i32 to vector<16xi32>
        %shift_right_arithmetic3A = arith.constant 1 : i32
        %shift_right_arithmetic3A_482 = vector.broadcast %shift_right_arithmetic3A : i32 to vector<16xi32>
        %shift_right_arithmetic3A_483 = arith.shrsi %bitcast3A, %shift_right_arithmetic3A_482 : vector<16xi32>
        %sub3A_484 = arith.subi %broadcast_in_dim3A_481, %shift_right_arithmetic3A_483 : vector<16xi32>
        %bitcast3A_485 = vector.bitcast %sub3A_484 : vector<16xi32> to vector<16xf32>
        %mul3A_486 = arith.constant 5.000000e-01 : f32
        %mul3A_487 = vector.broadcast %mul3A_486 : f32 to vector<16xf32>
        %mul3A_488 = arith.mulf %mul3A_487, %broadcast_in_dim3A_479 : vector<16xf32>
        %mul3A_489 = arith.mulf %mul3A_488, %bitcast3A_485 : vector<16xf32>
        %mul3A_490 = arith.mulf %mul3A_489, %bitcast3A_485 : vector<16xf32>
        %sub3A_491 = arith.constant 1.500000e+00 : f32
        %sub3A_492 = vector.broadcast %sub3A_491 : f32 to vector<16xf32>
        %sub3A_493 = arith.subf %sub3A_492, %mul3A_490 : vector<16xf32>
        %mul3A_494 = arith.mulf %bitcast3A_485, %sub3A_493 : vector<16xf32>
        %mul3A_495 = arith.constant 5.000000e-01 : f32
        %mul3A_496 = vector.broadcast %mul3A_495 : f32 to vector<16xf32>
        %mul3A_497 = arith.mulf %mul3A_496, %broadcast_in_dim3A_479 : vector<16xf32>
        %mul3A_498 = arith.mulf %mul3A_497, %mul3A_494 : vector<16xf32>
        %mul3A_499 = arith.mulf %mul3A_498, %mul3A_494 : vector<16xf32>
        %sub3A_500 = arith.constant 1.500000e+00 : f32
        %sub3A_501 = vector.broadcast %sub3A_500 : f32 to vector<16xf32>
        %sub3A_502 = arith.subf %sub3A_501, %mul3A_499 : vector<16xf32>
        %mul3A_503 = arith.mulf %mul3A_494, %sub3A_502 : vector<16xf32>
        %mul3A_504 = arith.mulf %add3A_368, %mul3A_503 : vector<16xf32>
        %swap3A = arith.index_cast %add3A_353 : i32 to index
        %swap3A_505 = arith.constant 0 : index
        %swap3A_506 = tpu.vector_load %arg12[%swap3A, %swap3A_505] {strides = array<i32>} : memref<128x128xf32, #tpu.memory_space<vmem>>, vector<16xf32>,
        tpu.vector_store %arg12[%swap3A, %swap3A_505], %mul3A_504 {strides = array<i32>} : memref<128x128xf32, #tpu.memory_space<vmem>>, vector<16xf32>,
        %mul3A_507 = arith.mulf %add3A_383, %mul3A_503 : vector<16xf32>
        %swap3A_508 = arith.index_cast %add3A_353 : i32 to index
        %swap3A_509 = arith.constant 16 : index
        %swap3A_510 = tpu.vector_load %arg12[%swap3A_508, %swap3A_509] {strides = array<i32>} : memref<128x128xf32, #tpu.memory_space<vmem>>, vector<16xf32>,
        tpu.vector_store %arg12[%swap3A_508, %swap3A_509], %mul3A_507 {strides = array<i32>} : memref<128x128xf32, #tpu.memory_space<vmem>>, vector<16xf32>,
        %mul3A_511 = arith.mulf %add3A_398, %mul3A_503 : vector<16xf32>
        %swap3A_512 = arith.index_cast %add3A_353 : i32 to index
        %swap3A_513 = arith.constant 32 : index
        %swap3A_514 = tpu.vector_load %arg12[%swap3A_512, %swap3A_513] {strides = array<i32>} : memref<128x128xf32, #tpu.memory_space<vmem>>, vector<16xf32>,
        tpu.vector_store %arg12[%swap3A_512, %swap3A_513], %mul3A_511 {strides = array<i32>} : memref<128x128xf32, #tpu.memory_space<vmem>>, vector<16xf32>,
        %mul3A_515 = arith.mulf %add3A_413, %mul3A_503 : vector<16xf32>
        %swap3A_516 = arith.index_cast %add3A_353 : i32 to index
        %swap3A_517 = arith.constant 48 : index
        %swap3A_518 = tpu.vector_load %arg12[%swap3A_516, %swap3A_517] {strides = array<i32>} : memref<128x128xf32, #tpu.memory_space<vmem>>, vector<16xf32>,
        tpu.vector_store %arg12[%swap3A_516, %swap3A_517], %mul3A_515 {strides = array<i32>} : memref<128x128xf32, #tpu.memory_space<vmem>>, vector<16xf32>,
        %mul3A_519 = arith.mulf %add3A_428, %mul3A_503 : vector<16xf32>
        %swap3A_520 = arith.index_cast %add3A_353 : i32 to index
        %swap3A_521 = arith.constant 64 : index
        %swap3A_522 = tpu.vector_load %arg12[%swap3A_520, %swap3A_521] {strides = array<i32>} : memref<128x128xf32, #tpu.memory_space<vmem>>, vector<16xf32>,
        tpu.vector_store %arg12[%swap3A_520, %swap3A_521], %mul3A_519 {strides = array<i32>} : memref<128x128xf32, #tpu.memory_space<vmem>>, vector<16xf32>,
        %mul3A_523 = arith.mulf %add3A_443, %mul3A_503 : vector<16xf32>
        %swap3A_524 = arith.index_cast %add3A_353 : i32 to index
        %swap3A_525 = arith.constant 80 : index
        %swap3A_526 = tpu.vector_load %arg12[%swap3A_524, %swap3A_525] {strides = array<i32>} : memref<128x128xf32, #tpu.memory_space<vmem>>, vector<16xf32>,
        tpu.vector_store %arg12[%swap3A_524, %swap3A_525], %mul3A_523 {strides = array<i32>} : memref<128x128xf32, #tpu.memory_space<vmem>>, vector<16xf32>,
        %mul3A_527 = arith.mulf %add3A_458, %mul3A_503 : vector<16xf32>
        %swap3A_528 = arith.index_cast %add3A_353 : i32 to index
        %swap3A_529 = arith.constant 96 : index
        %swap3A_530 = tpu.vector_load %arg12[%swap3A_528, %swap3A_529] {strides = array<i32>} : memref<128x128xf32, #tpu.memory_space<vmem>>, vector<16xf32>,
        tpu.vector_store %arg12[%swap3A_528, %swap3A_529], %mul3A_527 {strides = array<i32>} : memref<128x128xf32, #tpu.memory_space<vmem>>, vector<16xf32>,
        %mul3A_531 = arith.mulf %add3A_473, %mul3A_503 : vector<16xf32>
        %swap3A_532 = arith.index_cast %add3A_353 : i32 to index
        %swap3A_533 = arith.constant 112 : index
        %swap3A_534 = tpu.vector_load %arg12[%swap3A_532, %swap3A_533] {strides = array<i32>} : memref<128x128xf32, #tpu.memory_space<vmem>>, vector<16xf32>,
        tpu.vector_store %arg12[%swap3A_532, %swap3A_533], %mul3A_531 {strides = array<i32>} : memref<128x128xf32, #tpu.memory_space<vmem>>, vector<16xf32>,
      }
      %while3A_312 = arith.constant 1 : i32
      scf.for %while3A_351 = %while3A_310 to %while3A_306 step %while3A_312  : i32 {
        %mul3A_352 = arith.muli %while3A_351, %while3A_302 : i32
        %add3A_353 = arith.addi %while3A_303, %mul3A_352 : i32
        %broadcast_in_dim3A_354 = arith.constant 0.000000e+00 : f32
        %broadcast_in_dim3A_355 = vector.broadcast %broadcast_in_dim3A_354 : f32 to vector<16xf32>
        %get3A_356 = arith.index_cast %add3A_353 : i32 to index
        %get3A_357 = arith.constant 0 : index
        %get3A_358 = tpu.vector_load %arg12[%get3A_356, %get3A_357] {strides = array<i32>} : memref<128x128xf32, #tpu.memory_space<vmem>>, vector<16xf32>,
        %mul3A_359 = arith.constant 5.000000e-01 : f32
        %mul3A_360 = vector.broadcast %mul3A_359 : f32 to vector<16xf32>
        %mul3A_361 = arith.mulf %get3A_358, %mul3A_360 : vector<16xf32>
        %get3A_362 = arith.index_cast %add3A_353 : i32 to index
        %get3A_363 = arith.constant 0 : index
        %get3A_364 = tpu.vector_load %arg13[%get3A_362, %get3A_363] {strides = array<i32>} : memref<128x128xf32, #tpu.memory_space<vmem>>, vector<16xf32>,
        %mul3A_365 = arith.constant 5.000000e-01 : f32
        %mul3A_366 = vector.broadcast %mul3A_365 : f32 to vector<16xf32>
        %mul3A_367 = arith.mulf %get3A_364, %mul3A_366 : vector<16xf32>
        %add3A_368 = arith.addf %mul3A_361, %mul3A_367 : vector<16xf32>
        %mul3A_369 = arith.mulf %add3A_368, %add3A_368 : vector<16xf32>
        %add3A_370 = arith.addf %broadcast_in_dim3A_355, %mul3A_369 : vector<16xf32>
        %get3A_371 = arith.index_cast %add3A_353 : i32 to index
        %get3A_372 = arith.constant 16 : index
        %get3A_373 = tpu.vector_load %arg12[%get3A_371, %get3A_372] {strides = array<i32>} : memref<128x128xf32, #tpu.memory_space<vmem>>, vector<16xf32>,
        %mul3A_374 = arith.constant 5.000000e-01 : f32
        %mul3A_375 = vector.broadcast %mul3A_374 : f32 to vector<16xf32>
        %mul3A_376 = arith.mulf %get3A_373, %mul3A_375 : vector<16xf32>
        %get3A_377 = arith.index_cast %add3A_353 : i32 to index
        %get3A_378 = arith.constant 16 : index
        %get3A_379 = tpu.vector_load %arg13[%get3A_377, %get3A_378] {strides = array<i32>} : memref<128x128xf32, #tpu.memory_space<vmem>>, vector<16xf32>,
        %mul3A_380 = arith.constant 5.000000e-01 : f32
        %mul3A_381 = vector.broadcast %mul3A_380 : f32 to vector<16xf32>
        %mul3A_382 = arith.mulf %get3A_379, %mul3A_381 : vector<16xf32>
        %add3A_383 = arith.addf %mul3A_376, %mul3A_382 : vector<16xf32>
        %mul3A_384 = arith.mulf %add3A_383, %add3A_383 : vector<16xf32>
        %add3A_385 = arith.addf %add3A_370, %mul3A_384 : vector<16xf32>
        %get3A_386 = arith.index_cast %add3A_353 : i32 to index
        %get3A_387 = arith.constant 32 : index
        %get3A_388 = tpu.vector_load %arg12[%get3A_386, %get3A_387] {strides = array<i32>} : memref<128x128xf32, #tpu.memory_space<vmem>>, vector<16xf32>,
        %mul3A_389 = arith.constant 5.000000e-01 : f32
        %mul3A_390 = vector.broadcast %mul3A_389 : f32 to vector<16xf32>
        %mul3A_391 = arith.mulf %get3A_388, %mul3A_390 : vector<16xf32>
        %get3A_392 = arith.index_cast %add3A_353 : i32 to index
        %get3A_393 = arith.constant 32 : index
        %get3A_394 = tpu.vector_load %arg13[%get3A_392, %get3A_393] {strides = array<i32>} : memref<128x128xf32, #tpu.memory_space<vmem>>, vector<16xf32>,
        %mul3A_395 = arith.constant 5.000000e-01 : f32
        %mul3A_396 = vector.broadcast %mul3A_395 : f32 to vector<16xf32>
        %mul3A_397 = arith.mulf %get3A_394, %mul3A_396 : vector<16xf32>
        %add3A_398 = arith.addf %mul3A_391, %mul3A_397 : vector<16xf32>
        %mul3A_399 = arith.mulf %add3A_398, %add3A_398 : vector<16xf32>
        %add3A_400 = arith.addf %add3A_385, %mul3A_399 : vector<16xf32>
        %get3A_401 = arith.index_cast %add3A_353 : i32 to index
        %get3A_402 = arith.constant 48 : index
        %get3A_403 = tpu.vector_load %arg12[%get3A_401, %get3A_402] {strides = array<i32>} : memref<128x128xf32, #tpu.memory_space<vmem>>, vector<16xf32>,
        %mul3A_404 = arith.constant 5.000000e-01 : f32
        %mul3A_405 = vector.broadcast %mul3A_404 : f32 to vector<16xf32>
        %mul3A_406 = arith.mulf %get3A_403, %mul3A_405 : vector<16xf32>
        %get3A_407 = arith.index_cast %add3A_353 : i32 to index
        %get3A_408 = arith.constant 48 : index
        %get3A_409 = tpu.vector_load %arg13[%get3A_407, %get3A_408] {strides = array<i32>} : memref<128x128xf32, #tpu.memory_space<vmem>>, vector<16xf32>,
        %mul3A_410 = arith.constant 5.000000e-01 : f32
        %mul3A_411 = vector.broadcast %mul3A_410 : f32 to vector<16xf32>
        %mul3A_412 = arith.mulf %get3A_409, %mul3A_411 : vector<16xf32>
        %add3A_413 = arith.addf %mul3A_406, %mul3A_412 : vector<16xf32>
        %mul3A_414 = arith.mulf %add3A_413, %add3A_413 : vector<16xf32>
        %add3A_415 = arith.addf %add3A_400, %mul3A_414 : vector<16xf32>
        %get3A_416 = arith.index_cast %add3A_353 : i32 to index
        %get3A_417 = arith.constant 64 : index
        %get3A_418 = tpu.vector_load %arg12[%get3A_416, %get3A_417] {strides = array<i32>} : memref<128x128xf32, #tpu.memory_space<vmem>>, vector<16xf32>,
        %mul3A_419 = arith.constant 5.000000e-01 : f32
        %mul3A_420 = vector.broadcast %mul3A_419 : f32 to vector<16xf32>
        %mul3A_421 = arith.mulf %get3A_418, %mul3A_420 : vector<16xf32>
        %get3A_422 = arith.index_cast %add3A_353 : i32 to index
        %get3A_423 = arith.constant 64 : index
        %get3A_424 = tpu.vector_load %arg13[%get3A_422, %get3A_423] {strides = array<i32>} : memref<128x128xf32, #tpu.memory_space<vmem>>, vector<16xf32>,
        %mul3A_425 = arith.constant 5.000000e-01 : f32
        %mul3A_426 = vector.broadcast %mul3A_425 : f32 to vector<16xf32>
        %mul3A_427 = arith.mulf %get3A_424, %mul3A_426 : vector<16xf32>
        %add3A_428 = arith.addf %mul3A_421, %mul3A_427 : vector<16xf32>
        %mul3A_429 = arith.mulf %add3A_428, %add3A_428 : vector<16xf32>
        %add3A_430 = arith.addf %add3A_415, %mul3A_429 : vector<16xf32>
        %get3A_431 = arith.index_cast %add3A_353 : i32 to index
        %get3A_432 = arith.constant 80 : index
        %get3A_433 = tpu.vector_load %arg12[%get3A_431, %get3A_432] {strides = array<i32>} : memref<128x128xf32, #tpu.memory_space<vmem>>, vector<16xf32>,
        %mul3A_434 = arith.constant 5.000000e-01 : f32
        %mul3A_435 = vector.broadcast %mul3A_434 : f32 to vector<16xf32>
        %mul3A_436 = arith.mulf %get3A_433, %mul3A_435 : vector<16xf32>
        %get3A_437 = arith.index_cast %add3A_353 : i32 to index
        %get3A_438 = arith.constant 80 : index
        %get3A_439 = tpu.vector_load %arg13[%get3A_437, %get3A_438] {strides = array<i32>} : memref<128x128xf32, #tpu.memory_space<vmem>>, vector<16xf32>,
        %mul3A_440 = arith.constant 5.000000e-01 : f32
        %mul3A_441 = vector.broadcast %mul3A_440 : f32 to vector<16xf32>
        %mul3A_442 = arith.mulf %get3A_439, %mul3A_441 : vector<16xf32>
        %add3A_443 = arith.addf %mul3A_436, %mul3A_442 : vector<16xf32>
        %mul3A_444 = arith.mulf %add3A_443, %add3A_443 : vector<16xf32>
        %add3A_445 = arith.addf %add3A_430, %mul3A_444 : vector<16xf32>
        %get3A_446 = arith.index_cast %add3A_353 : i32 to index
        %get3A_447 = arith.constant 96 : index
        %get3A_448 = tpu.vector_load %arg12[%get3A_446, %get3A_447] {strides = array<i32>} : memref<128x128xf32, #tpu.memory_space<vmem>>, vector<16xf32>,
        %mul3A_449 = arith.constant 5.000000e-01 : f32
        %mul3A_450 = vector.broadcast %mul3A_449 : f32 to vector<16xf32>
        %mul3A_451 = arith.mulf %get3A_448, %mul3A_450 : vector<16xf32>
        %get3A_452 = arith.index_cast %add3A_353 : i32 to index
        %get3A_453 = arith.constant 96 : index
        %get3A_454 = tpu.vector_load %arg13[%get3A_452, %get3A_453] {strides = array<i32>} : memref<128x128xf32, #tpu.memory_space<vmem>>, vector<16xf32>,
        %mul3A_455 = arith.constant 5.000000e-01 : f32
        %mul3A_456 = vector.broadcast %mul3A_455 : f32 to vector<16xf32>
        %mul3A_457 = arith.mulf %get3A_454, %mul3A_456 : vector<16xf32>
        %add3A_458 = arith.addf %mul3A_451, %mul3A_457 : vector<16xf32>
        %mul3A_459 = arith.mulf %add3A_458, %add3A_458 : vector<16xf32>
        %add3A_460 = arith.addf %add3A_445, %mul3A_459 : vector<16xf32>
        %get3A_461 = arith.index_cast %add3A_353 : i32 to index
        %get3A_462 = arith.constant 112 : index
        %get3A_463 = tpu.vector_load %arg12[%get3A_461, %get3A_462] {strides = array<i32>} : memref<128x128xf32, #tpu.memory_space<vmem>>, vector<16xf32>,
        %mul3A_464 = arith.constant 5.000000e-01 : f32
        %mul3A_465 = vector.broadcast %mul3A_464 : f32 to vector<16xf32>
        %mul3A_466 = arith.mulf %get3A_463, %mul3A_465 : vector<16xf32>
        %get3A_467 = arith.index_cast %add3A_353 : i32 to index
        %get3A_468 = arith.constant 112 : index
        %get3A_469 = tpu.vector_load %arg13[%get3A_467, %get3A_468] {strides = array<i32>} : memref<128x128xf32, #tpu.memory_space<vmem>>, vector<16xf32>,
        %mul3A_470 = arith.constant 5.000000e-01 : f32
        %mul3A_471 = vector.broadcast %mul3A_470 : f32 to vector<16xf32>
        %mul3A_472 = arith.mulf %get3A_469, %mul3A_471 : vector<16xf32>
        %add3A_473 = arith.addf %mul3A_466, %mul3A_472 : vector<16xf32>
        %mul3A_474 = arith.mulf %add3A_473, %add3A_473 : vector<16xf32>
        %add3A_475 = arith.addf %add3A_460, %mul3A_474 : vector<16xf32>
        %reduce_sum3A = arith.constant true
        %reduce_sum3A_476 = vector.broadcast %reduce_sum3A : i1 to vector<16xi1>
        %reduce_sum3A_477 = tpu.scan <sum>, %add3A_475 masked %reduce_sum3A_476 : vector<16xf32>, vector<16xi1> -> vector<16xf32>
        %reduce_sum3A_478 = vector.extract %reduce_sum3A_477[15] : f32 from vector<16xf32>
        %broadcast_in_dim3A_479 = vector.broadcast %reduce_sum3A_478 : f32 to vector<16xf32>
        %bitcast3A = vector.bitcast %broadcast_in_dim3A_479 : vector<16xf32> to vector<16xi32>
        %broadcast_in_dim3A_480 = arith.constant 1597463007 : i32
        %broadcast_in_dim3A_481 = vector.broadcast %broadcast_in_dim3A_480 : i32 to vector<16xi32>
        %shift_right_arithmetic3A = arith.constant 1 : i32
        %shift_right_arithmetic3A_482 = vector.broadcast %shift_right_arithmetic3A : i32 to vector<16xi32>
        %shift_right_arithmetic3A_483 = arith.shrsi %bitcast3A, %shift_right_arithmetic3A_482 : vector<16xi32>
        %sub3A_484 = arith.subi %broadcast_in_dim3A_481, %shift_right_arithmetic3A_483 : vector<16xi32>
        %bitcast3A_485 = vector.bitcast %sub3A_484 : vector<16xi32> to vector<16xf32>
        %mul3A_486 = arith.constant 5.000000e-01 : f32
        %mul3A_487 = vector.broadcast %mul3A_486 : f32 to vector<16xf32>
        %mul3A_488 = arith.mulf %mul3A_487, %broadcast_in_dim3A_479 : vector<16xf32>
        %mul3A_489 = arith.mulf %mul3A_488, %bitcast3A_485 : vector<16xf32>
        %mul3A_490 = arith.mulf %mul3A_489, %bitcast3A_485 : vector<16xf32>
        %sub3A_491 = arith.constant 1.500000e+00 : f32
        %sub3A_492 = vector.broadcast %sub3A_491 : f32 to vector<16xf32>
        %sub3A_493 = arith.subf %sub3A_492, %mul3A_490 : vector<16xf32>
        %mul3A_494 = arith.mulf %bitcast3A_485, %sub3A_493 : vector<16xf32>
        %mul3A_495 = arith.constant 5.000000e-01 : f32
        %mul3A_496 = vector.broadcast %mul3A_495 : f32 to vector<16xf32>
        %mul3A_497 = arith.mulf %mul3A_496, %broadcast_in_dim3A_479 : vector<16xf32>
        %mul3A_498 = arith.mulf %mul3A_497, %mul3A_494 : vector<16xf32>
        %mul3A_499 = arith.mulf %mul3A_498, %mul3A_494 : vector<16xf32>
        %sub3A_500 = arith.constant 1.500000e+00 : f32
        %sub3A_501 = vector.broadcast %sub3A_500 : f32 to vector<16xf32>
        %sub3A_502 = arith.subf %sub3A_501, %mul3A_499 : vector<16xf32>
        %mul3A_503 = arith.mulf %mul3A_494, %sub3A_502 : vector<16xf32>
        %mul3A_504 = arith.mulf %add3A_368, %mul3A_503 : vector<16xf32>
        %swap3A = arith.index_cast %add3A_353 : i32 to index
        %swap3A_505 = arith.constant 0 : index
        %swap3A_506 = tpu.vector_load %arg12[%swap3A, %swap3A_505] {strides = array<i32>} : memref<128x128xf32, #tpu.memory_space<vmem>>, vector<16xf32>,
        tpu.vector_store %arg12[%swap3A, %swap3A_505], %mul3A_504 {strides = array<i32>} : memref<128x128xf32, #tpu.memory_space<vmem>>, vector<16xf32>,
        %mul3A_507 = arith.mulf %add3A_383, %mul3A_503 : vector<16xf32>
        %swap3A_508 = arith.index_cast %add3A_353 : i32 to index
        %swap3A_509 = arith.constant 16 : index
        %swap3A_510 = tpu.vector_load %arg12[%swap3A_508, %swap3A_509] {strides = array<i32>} : memref<128x128xf32, #tpu.memory_space<vmem>>, vector<16xf32>,
        tpu.vector_store %arg12[%swap3A_508, %swap3A_509], %mul3A_507 {strides = array<i32>} : memref<128x128xf32, #tpu.memory_space<vmem>>, vector<16xf32>,
        %mul3A_511 = arith.mulf %add3A_398, %mul3A_503 : vector<16xf32>
        %swap3A_512 = arith.index_cast %add3A_353 : i32 to index
        %swap3A_513 = arith.constant 32 : index
        %swap3A_514 = tpu.vector_load %arg12[%swap3A_512, %swap3A_513] {strides = array<i32>} : memref<128x128xf32, #tpu.memory_space<vmem>>, vector<16xf32>,
        tpu.vector_store %arg12[%swap3A_512, %swap3A_513], %mul3A_511 {strides = array<i32>} : memref<128x128xf32, #tpu.memory_space<vmem>>, vector<16xf32>,
        %mul3A_515 = arith.mulf %add3A_413, %mul3A_503 : vector<16xf32>
        %swap3A_516 = arith.index_cast %add3A_353 : i32 to index
        %swap3A_517 = arith.constant 48 : index
        %swap3A_518 = tpu.vector_load %arg12[%swap3A_516, %swap3A_517] {strides = array<i32>} : memref<128x128xf32, #tpu.memory_space<vmem>>, vector<16xf32>,
        tpu.vector_store %arg12[%swap3A_516, %swap3A_517], %mul3A_515 {strides = array<i32>} : memref<128x128xf32, #tpu.memory_space<vmem>>, vector<16xf32>,
        %mul3A_519 = arith.mulf %add3A_428, %mul3A_503 : vector<16xf32>
        %swap3A_520 = arith.index_cast %add3A_353 : i32 to index
        %swap3A_521 = arith.constant 64 : index
        %swap3A_522 = tpu.vector_load %arg12[%swap3A_520, %swap3A_521] {strides = array<i32>} : memref<128x128xf32, #tpu.memory_space<vmem>>, vector<16xf32>,
        tpu.vector_store %arg12[%swap3A_520, %swap3A_521], %mul3A_519 {strides = array<i32>} : memref<128x128xf32, #tpu.memory_space<vmem>>, vector<16xf32>,
        %mul3A_523 = arith.mulf %add3A_443, %mul3A_503 : vector<16xf32>
        %swap3A_524 = arith.index_cast %add3A_353 : i32 to index
        %swap3A_525 = arith.constant 80 : index
        %swap3A_526 = tpu.vector_load %arg12[%swap3A_524, %swap3A_525] {strides = array<i32>} : memref<128x128xf32, #tpu.memory_space<vmem>>, vector<16xf32>,
        tpu.vector_store %arg12[%swap3A_524, %swap3A_525], %mul3A_523 {strides = array<i32>} : memref<128x128xf32, #tpu.memory_space<vmem>>, vector<16xf32>,
        %mul3A_527 = arith.mulf %add3A_458, %mul3A_503 : vector<16xf32>
        %swap3A_528 = arith.index_cast %add3A_353 : i32 to index
        %swap3A_529 = arith.constant 96 : index
        %swap3A_530 = tpu.vector_load %arg12[%swap3A_528, %swap3A_529] {strides = array<i32>} : memref<128x128xf32, #tpu.memory_space<vmem>>, vector<16xf32>,
        tpu.vector_store %arg12[%swap3A_528, %swap3A_529], %mul3A_527 {strides = array<i32>} : memref<128x128xf32, #tpu.memory_space<vmem>>, vector<16xf32>,
        %mul3A_531 = arith.mulf %add3A_473, %mul3A_503 : vector<16xf32>
        %swap3A_532 = arith.index_cast %add3A_353 : i32 to index
        %swap3A_533 = arith.constant 112 : index
        %swap3A_534 = tpu.vector_load %arg12[%swap3A_532, %swap3A_533] {strides = array<i32>} : memref<128x128xf32, #tpu.memory_space<vmem>>, vector<16xf32>,
        tpu.vector_store %arg12[%swap3A_532, %swap3A_533], %mul3A_531 {strides = array<i32>} : memref<128x128xf32, #tpu.memory_space<vmem>>, vector<16xf32>,
      }
      %sub3A_313 = arith.constant 0 : i32
      %sub3A_314 = arith.subi %select_n3A_153, %sub3A_313 : i32
      %sub3A_315 = arith.constant 1 : i32
      %sub3A_316 = arith.constant 1 : i32
      %sub3A_317 = arith.subi %sub3A_315, %sub3A_316 : i32
      %add3A_318 = arith.addi %sub3A_314, %sub3A_317 : i32
      %div3A_319 = arith.constant 1 : i32
      %div3A_320 = arith.divsi %add3A_318, %div3A_319 : i32
      %while3A_321 = arith.constant 1 : i32
      %while3A_322 = arith.constant 0 : i32
      %while3A_323 = arith.constant 0 : i32
      %while3A_324 = arith.subi %div3A_320, %while3A_323 : i32
      %while3A_325 = arith.addi %while3A_323, %while3A_324 : i32
      %while3A_326 = arith.constant 1 : i32
      %while3A_327 = arith.divsi %while3A_324, %while3A_326 : i32
      %while3A_328 = arith.muli %while3A_327, %while3A_326 : i32
      %while3A_329 = arith.addi %while3A_323, %while3A_328 : i32
      %while3A_330 = arith.constant 1 : i32
      scf.for %while3A_351 = %while3A_323 to %while3A_329 step %while3A_330  : i32 {
        %mul3A_352 = arith.muli %while3A_351, %while3A_321 : i32
        %add3A_353 = arith.addi %while3A_322, %mul3A_352 : i32
        %mul3A_354 = arith.constant 16 : i32
        %mul3A_355 = arith.muli %add3A_353, %mul3A_354 : i32
        %add3A_356 = arith.addi %mul3A_253, %mul3A_355 : i32
        %get3A_357 = arith.index_cast %add3A_356 : i32 to index
        %get3A_358 = tpu.vector_load %arg10[%get3A_357] {strides = array<i32>} : memref<4128xi32, #tpu.memory_space<vmem>>, vector<16xi32>,
        %mul3A_359 = arith.constant 16 : i32
        %mul3A_360 = arith.muli %add3A_353, %mul3A_359 : i32
        %dma_start3A = arith.constant 0 : i32
        %dma_start3A_361 = tpu.memref_slice %arg12[%mul3A_360, %dma_start3A] : memref<128x128xf32, #tpu.memory_space<vmem>> -> memref<16x128xf32, #tpu.memory_space<vmem>>
        %dma_start3A_362 = arith.constant 0 : i32
        %dma_start3A_363 = arith.constant 0 : i32
        %dma_start3A_364 = tpu.memref_slice %arg5[%dma_start3A_362, %dma_start3A_363] : memref<100000x128xf32, #tpu.memory_space<hbm>> -> memref<100000x128xf32, #tpu.memory_space<hbm>>
        tpu.enqueue_indirect_dma source(%dma_start3A_361 : memref<16x128xf32, #tpu.memory_space<vmem>>) target(%dma_start3A_364 : memref<100000x128xf32, #tpu.memory_space<hbm>>) offsets(%get3A_358 : vector<16xi32>) semaphore(%arg14 : memref<!tpu.dma_semaphore, #tpu.memory_space<semaphore_mem>>)
      }
      %while3A_331 = arith.constant 1 : i32
      scf.for %while3A_351 = %while3A_329 to %while3A_325 step %while3A_331  : i32 {
        %mul3A_352 = arith.muli %while3A_351, %while3A_321 : i32
        %add3A_353 = arith.addi %while3A_322, %mul3A_352 : i32
        %mul3A_354 = arith.constant 16 : i32
        %mul3A_355 = arith.muli %add3A_353, %mul3A_354 : i32
        %add3A_356 = arith.addi %mul3A_253, %mul3A_355 : i32
        %get3A_357 = arith.index_cast %add3A_356 : i32 to index
        %get3A_358 = tpu.vector_load %arg10[%get3A_357] {strides = array<i32>} : memref<4128xi32, #tpu.memory_space<vmem>>, vector<16xi32>,
        %mul3A_359 = arith.constant 16 : i32
        %mul3A_360 = arith.muli %add3A_353, %mul3A_359 : i32
        %dma_start3A = arith.constant 0 : i32
        %dma_start3A_361 = tpu.memref_slice %arg12[%mul3A_360, %dma_start3A] : memref<128x128xf32, #tpu.memory_space<vmem>> -> memref<16x128xf32, #tpu.memory_space<vmem>>
        %dma_start3A_362 = arith.constant 0 : i32
        %dma_start3A_363 = arith.constant 0 : i32
        %dma_start3A_364 = tpu.memref_slice %arg5[%dma_start3A_362, %dma_start3A_363] : memref<100000x128xf32, #tpu.memory_space<hbm>> -> memref<100000x128xf32, #tpu.memory_space<hbm>>
        tpu.enqueue_indirect_dma source(%dma_start3A_361 : memref<16x128xf32, #tpu.memory_space<vmem>>) target(%dma_start3A_364 : memref<100000x128xf32, #tpu.memory_space<hbm>>) offsets(%get3A_358 : vector<16xi32>) semaphore(%arg14 : memref<!tpu.dma_semaphore, #tpu.memory_space<semaphore_mem>>)
      }
      %sub3A_332 = arith.constant 0 : i32
      %sub3A_333 = arith.subi %select_n3A_153, %sub3A_332 : i32
      %sub3A_334 = arith.constant 1 : i32
      %sub3A_335 = arith.constant 1 : i32
      %sub3A_336 = arith.subi %sub3A_334, %sub3A_335 : i32
      %add3A_337 = arith.addi %sub3A_333, %sub3A_336 : i32
      %div3A_338 = arith.constant 1 : i32
      %div3A_339 = arith.divsi %add3A_337, %div3A_338 : i32
      %while3A_340 = arith.constant 1 : i32
      %while3A_341 = arith.constant 0 : i32
      %while3A_342 = arith.constant 0 : i32
      %while3A_343 = arith.subi %div3A_339, %while3A_342 : i32
      %while3A_344 = arith.addi %while3A_342, %while3A_343 : i32
      %while3A_345 = arith.constant 1 : i32
      %while3A_346 = arith.divsi %while3A_343, %while3A_345 : i32
      %while3A_347 = arith.muli %while3A_346, %while3A_345 : i32
      %while3A_348 = arith.addi %while3A_342, %while3A_347 : i32
      %while3A_349 = arith.constant 1 : i32
      scf.for %while3A_351 = %while3A_342 to %while3A_348 step %while3A_349  : i32 {
        %mul3A_352 = arith.muli %while3A_351, %while3A_340 : i32
        %add3A_353 = arith.addi %while3A_341, %mul3A_352 : i32
        %mul3A_354 = arith.constant 16 : i32
        %mul3A_355 = arith.muli %add3A_353, %mul3A_354 : i32
        %add3A_356 = arith.addi %mul3A_253, %mul3A_355 : i32
        %get3A_357 = arith.index_cast %add3A_356 : i32 to index
        %get3A_358 = tpu.vector_load %arg10[%get3A_357] {strides = array<i32>} : memref<4128xi32, #tpu.memory_space<vmem>>, vector<16xi32>,
        %mul3A_359 = arith.constant 16 : i32
        %mul3A_360 = arith.muli %add3A_353, %mul3A_359 : i32
        %dma_wait3A = arith.constant 0 : i32
        %dma_wait3A_361 = tpu.memref_slice %arg12[%mul3A_360, %dma_wait3A] : memref<128x128xf32, #tpu.memory_space<vmem>> -> memref<16x128xf32, #tpu.memory_space<vmem>>
        %dma_wait3A_362 = arith.constant 0 : i32
        %dma_wait3A_363 = arith.constant 0 : i32
        %dma_wait3A_364 = tpu.memref_slice %arg5[%dma_wait3A_362, %dma_wait3A_363] : memref<100000x128xf32, #tpu.memory_space<hbm>> -> memref<100000x128xf32, #tpu.memory_space<hbm>>
        tpu.wait_indirect_dma semaphore(%arg14 : memref<!tpu.dma_semaphore, #tpu.memory_space<semaphore_mem>>) src(%dma_wait3A_361 : memref<16x128xf32, #tpu.memory_space<vmem>>) dst(%dma_wait3A_364 : memref<100000x128xf32, #tpu.memory_space<hbm>>)
      }
      %while3A_350 = arith.constant 1 : i32
      scf.for %while3A_351 = %while3A_348 to %while3A_344 step %while3A_350  : i32 {
        %mul3A_352 = arith.muli %while3A_351, %while3A_340 : i32
        %add3A_353 = arith.addi %while3A_341, %mul3A_352 : i32
        %mul3A_354 = arith.constant 16 : i32
        %mul3A_355 = arith.muli %add3A_353, %mul3A_354 : i32
        %add3A_356 = arith.addi %mul3A_253, %mul3A_355 : i32
        %get3A_357 = arith.index_cast %add3A_356 : i32 to index
        %get3A_358 = tpu.vector_load %arg10[%get3A_357] {strides = array<i32>} : memref<4128xi32, #tpu.memory_space<vmem>>, vector<16xi32>,
        %mul3A_359 = arith.constant 16 : i32
        %mul3A_360 = arith.muli %add3A_353, %mul3A_359 : i32
        %dma_wait3A = arith.constant 0 : i32
        %dma_wait3A_361 = tpu.memref_slice %arg12[%mul3A_360, %dma_wait3A] : memref<128x128xf32, #tpu.memory_space<vmem>> -> memref<16x128xf32, #tpu.memory_space<vmem>>
        %dma_wait3A_362 = arith.constant 0 : i32
        %dma_wait3A_363 = arith.constant 0 : i32
        %dma_wait3A_364 = tpu.memref_slice %arg5[%dma_wait3A_362, %dma_wait3A_363] : memref<100000x128xf32, #tpu.memory_space<hbm>> -> memref<100000x128xf32, #tpu.memory_space<hbm>>
        tpu.wait_indirect_dma semaphore(%arg14 : memref<!tpu.dma_semaphore, #tpu.memory_space<semaphore_mem>>) src(%dma_wait3A_361 : memref<16x128xf32, #tpu.memory_space<vmem>>) dst(%dma_wait3A_364 : memref<100000x128xf32, #tpu.memory_space<hbm>>)
      }
    } else {
    }
    return
  }
}

</mosaic_0001>

<sc_bundles>
// kernel: kernel.3.cloned.1.call-start
scs
__scs_entry_jumppad:
0x0: {  	(pc) =	sbr.rel $0x88, $3  }
0x1: {  	(tag) =	ssettag $0x0;
	lr =	simm.s32 $0x1  }
0x2: {  	[smem:$0x3F9D] =	sst lr;
	_ =	strace $0xD0000000  }
0x3: {  	_ = 	snop  }
0x4: {  	_ = 	snop  }
0x5: {  	_ = 	snop  }
0x6: {  	_ = 	snop  }
0x7: {  	_ = 	snop  }
__scs_overlays_trampoline_lowered:
0x8: {  	[smem:$0x3FAC] =	sst s0  }
0x9: {  	[smem:$0x3FAD] =	sst s1  }
0xa: {  	[smem:$0x3FAE] =	sst s2  }
0xb: {  	[smem:$0x3FAF] =	sst s3  }
0xc: {  	[smem:$0x3FB0] =	sst s4  }
0xd: {  	[smem:$0x3FB1] =	sst s5  }
0xe: {  	[smem:$0x3FB2] =	sst s6  }
0xf: {  	[smem:$0x3FB3] =	sst s7  }
0x10: {  	[smem:$0x3FB4] =	sst s8  }
0x11: {  	[smem:$0x3FB5] =	sst s9;
	s0 =	simm.s32 @!p0 $0x0  }
0x12: {  	s1 =	sld [smem:$0x3F9B];
	s0 =	simm.s32 @p0 $0x1  }
0x13: {  	[smem:$0x3FB6] =	sst s0;
	s0 =	simm.s32 @!p1 $0x0  }
0x14: {  	s2 =	sld [smem:$0x3F9A];
	s0 =	simm.s32 @p1 $0x1  }
0x15: {  	[smem:$0x3FB7] =	sst s0;
	s0 =	simm.s32 @!p2 $0x0  }
0x16: {  	s3 =	sld [smem:$0x3FDB];
	s0 =	simm.s32 @p2 $0x1  }
0x17: {  	s4 =	simm.s32 $0x1BF5;
	[smem:$0x3FB9] =	sst s0  }
0x18: {  	s0 =	sld [smem:$0x3F9C];
	_ =	swait.ge [sflag:s4], $0x0  }
0x19: {  	s7 =	sld [smem:$0x3F9D]  }
0x1a: {  	s8 =	sadd.s32 $0xFFFFE003, lr  }
0x1b: {  	s9 =	sadd.s32 $0xFFFFFEF7, lr;
	s5 =	simm.s32 $0xFFFFFFFF;
	p2 =	slt.u32 s8, $0xFFFFF086  }
0x1c: {  	p1 =	slt.u32 s9, $0xF7A;
	s5 =	simm.s32 @!p2 $0x0  }
0x1d: {  	s5 =	simm.s32 @p1 $0x1;
	p0 =	seq.s32 s7, s2  }
0x1e: {  	s7 =	smul.u32 @!p0 $0xF7A, s2;
	p2 =	seq.s32 @!p0 s5, $0x0  }
0x1f: {  	s9 =	smul.u32 $0xF7A, s1;
	s8 =	simm.s32 @!p0 $0x1BF5;
	p2 =	por !p2, p0  }
0x20: {  	[sflag:s8] =	ssyncset.s32 @!p0 $0xFFFFF086;
	s6 =	sadd.s32 @!p0 s3, s7;
	s7 =	simm.s32 @!p0 $0x108  }
0x21: {  	s3 =	sadd.s32 s3, s9;
	s6 =	sadd.s32 @!p0 $0x88, s6;
	s7 =	simm.s32 @p2 $0x1082  }
0x22: {  	[simem:s7], [sflag:s8] =	dma.local @!p0 [hbm:s6], $0xF7A  }
0x23: {  	s9 =	sor.u32 $0xD0000000, s2;
	s6 =	simm.s32 $0x108;
	_ =	swait.ge @!p0 [sflag:s8], $0x0  }
0x24: {  	s3 =	sadd.s32 $0x88, s3;
	s6 =	simm.s32 @!p1 $0x1082;
	[sflag:s4] =	ssyncset.s32 $0xFFFFF086  }
0x25: {  	[simem:s6], [sflag:s4] =	dma.local [hbm:s3], $0xF7A  }
0x26: {  	[smem:$0x3F9D] =	sst s1;
	(tag) =	ssettag s2;
	_ =	strace s9  }
0x27: {  	s1 =	sld [smem:$0x3FAD]  }
0x28: {  	s2 =	sld [smem:$0x3FAE]  }
0x29: {  	s4 =	sld [smem:$0x3FB0]  }
0x2a: {  	p0 =	seq.s32 s5, $0x0;
	s5 =	sld [smem:$0x3FB1]  }
0x2b: {  	s6 =	sld [smem:$0x3FB2]  }
0x2c: {  	s7 =	sld [smem:$0x3FB3]  }
0x2d: {  	s3 =	simm.s32 $0x108;
	s8 =	sld [smem:$0x3FB4]  }
0x2e: {  	s3 =	simm.s32 @!p0 $0x1082;
	s9 =	sld [smem:$0x3FB5]  }
0x2f: {  	lr =	sadd.s32 s0, s3;
	s0 =	sld [smem:$0x3FAC]  }
0x30: {  	s3 =	sld [smem:$0x3FAF]  }
0x31: {  	[smem:$0x3FB8] =	sst s10  }
0x32: {  	s10 =	sld [smem:$0x3FB6];
	_ =	sdelay $0x3  }
0x33: {  	p0 =	seq.s32 s10, $0x1;
	s10 =	sld [smem:$0x3FB8];
	_ =	sdelay $0x3  }
0x34: {  	[smem:$0x3FB8] =	sst s10  }
0x35: {  	s10 =	sld [smem:$0x3FB7];
	_ =	sdelay $0x3  }
0x36: {  	p1 =	seq.s32 s10, $0x1;
	s10 =	sld [smem:$0x3FB8];
	_ =	sdelay $0x3  }
0x37: {  	[smem:$0x3FB8] =	sst s10  }
0x38: {  	s10 =	sld [smem:$0x3FB9]  }
0x39: {  	_ = 	snop;
	(pc) =	sbr.ind lr, $3  }
0x3a: {  	_ = 	snop  }
0x3b: {  	_ = 	snop  }
0x3c: {  	p2 =	seq.s32 s10, $0x1;
	s10 =	sld [smem:$0x3FB8]  }
0x3d: {  	_ =	shalt  }
0x3e: {  	_ =	shalt  }
0x3f: {  	_ =	shalt  }
0x40: {  	_ =	shalt  }
0x41: {  	_ =	shalt  }
0x42: {  	_ =	shalt  }
0x43: {  	_ =	shalt  }
0x44: {  	_ =	shalt  }
0x45: {  	_ =	shalt  }
0x46: {  	_ =	shalt  }
0x47: {  	_ =	shalt  }
0x48: {  	_ =	shalt  }
0x49: {  	_ =	shalt  }
0x4a: {  	_ =	shalt  }
0x4b: {  	_ =	shalt  }
0x4c: {  	_ =	shalt  }
0x4d: {  	_ =	shalt  }
0x4e: {  	_ =	shalt  }
0x4f: {  	_ =	shalt  }
0x50: {  	_ =	shalt  }
0x51: {  	_ =	shalt  }
0x52: {  	_ =	shalt  }
0x53: {  	_ =	shalt  }
0x54: {  	_ =	shalt  }
0x55: {  	_ =	shalt  }
0x56: {  	_ =	shalt  }
0x57: {  	_ =	shalt  }
0x58: {  	_ =	shalt  }
0x59: {  	_ =	shalt  }
0x5a: {  	_ =	shalt  }
0x5b: {  	_ =	shalt  }
0x5c: {  	_ =	shalt  }
0x5d: {  	_ =	shalt  }
0x5e: {  	_ =	shalt  }
0x5f: {  	_ =	shalt  }
0x60: {  	_ =	shalt  }
0x61: {  	_ =	shalt  }
0x62: {  	_ =	shalt  }
0x63: {  	_ =	shalt  }
0x64: {  	_ =	shalt  }
0x65: {  	_ =	shalt  }
0x66: {  	_ =	shalt  }
0x67: {  	_ =	shalt  }
0x68: {  	_ =	shalt  }
0x69: {  	_ =	shalt  }
0x6a: {  	_ =	shalt  }
0x6b: {  	_ =	shalt  }
0x6c: {  	_ =	shalt  }
0x6d: {  	_ =	shalt  }
0x6e: {  	_ =	shalt  }
0x6f: {  	_ =	shalt  }
0x70: {  	_ =	shalt  }
0x71: {  	_ =	shalt  }
0x72: {  	_ =	shalt  }
0x73: {  	_ =	shalt  }
0x74: {  	_ =	shalt  }
0x75: {  	_ =	shalt  }
0x76: {  	_ =	shalt  }
0x77: {  	_ =	shalt  }
0x78: {  	_ =	shalt  }
0x79: {  	_ =	shalt  }
0x7a: {  	_ =	shalt  }
0x7b: {  	_ =	shalt  }
0x7c: {  	_ =	shalt  }
0x7d: {  	_ =	shalt  }
0x7e: {  	_ =	shalt  }
0x7f: {  	_ =	shalt  }
0x80: {  	_ =	shalt  }
0x81: {  	_ =	shalt  }
0x82: {  	_ =	shalt  }
0x83: {  	_ =	shalt  }
0x84: {  	_ =	shalt  }
0x85: {  	_ =	shalt  }
0x86: {  	_ =	shalt  }
0x87: {  	_ =	shalt  }
.Lfunc_end0:
.L_simem_size_0:
called_computation_lowered:
.L_overlay_start_0:
0x88: {  	s2 =	sld [smem:$0x3FD9]  }
0x89: {  	s3 =	sld [smem:$0x3FFE];
	_ =	sdelay $0x1  }
0x8a: {  	s1 =	srdreg.scid  }
0x8b: {  	s0 =	sand.u32 $0x1, s1  }
0x8c: {  	s15 =	sshll.u32 s0, $0xA;
	s2 =	sadd.s32 s3, s2  }
0x8d: {  	s2 =	sadd.s32 s2, s15  }
0x8e: {  	[smem:$0x3FC4] =	sst s2  }
0x8f: {  	_ = 	snop  }
0x90: {  	s2 =	sld [smem:$0x3FD0]  }
0x91: {  	s16 =	sld [smem:$0x3FC9]  }
0x92: {  	s4 =	sld [smem:$0x3FC7]  }
0x93: {  	s6 =	simm.s32 $0xA;
	s7 =	simm.s32 $0x10;
	s5 =	sld [smem:$0x3FC6]  }
0x94: {  	[smem:s7], [sflag:s6] =	dma.local [hbm:s2], $0x1  }
0x95: {  	_ =	swait.eq [sflag:s6], $0x1  }
0x96: {  	[sflag:s6] =	ssyncset.done $0x0  }
0x97: {  	[sflag:s6] =	ssyncadd.s32 $0xFFFFFFFF  }
0x98: {  	s17 =	sld [smem:$0x12];
	(tm) =	ssettm $0x1  }
0x99: {  	s18 =	sld [smem:$0x3FFB];
	_ =	sdelay $0x3  }
0x9a: {  	_ =	strace s18  }
0x9b: {  	s6 =	sld [smem:$0x3FFC];
	_ =	sdelay $0x3  }
0x9c: {  	_ =	strace s6  }
0x9d: {  	s6 =	sld [smem:$0x3FFD];
	_ =	sdelay $0x3  }
0x9e: {  	_ =	strace s6  }
0x9f: {  	_ =	strace $0x8FFFFFFF  }
0xa0: {  	s19 =	sld [smem:$0x3FDB];
	_ =	sdelay $0x1  }
0xa1: {  	s20 =	simm.s32 $_scs_section_size  }
0xa2: {  	s8 =	simm.s32 $_size__tile_overlayer_lowered;
	s9 =	simm.s32 $_tile_overlayer_lowered  }
0xa3: {  	s23 =	simm.s32 $0x1BFF;
	s22 =	sshll.u32 s9, $0x1;
	s6 =	sadd.s32 s20, s19  }
0xa4: {  	s10 =	simm.s32 $0x0;
	s21 =	sshll.u32 s8, $0x1;
	s8 =	sadd.s32 s22, s6  }
0xa5: {  	[timem:s10], [sflag:s23] =	dma.local [hbm:s8], s21  }
0xa6: {  	_ =	swait.ge [sflag:s23], s21  }
0xa7: {  	s7 =	ssub.s32 $0x0, s21;
	[sflag:s23] =	ssyncset.done $0x0  }
0xa8: {  	[sflag:s23] =	ssyncadd.s32 s7;
	_ =	sdelay $0x1  }
0xa9: {  	s24 =	simm.s32 $0x1B8B  }
0xaa: {  	_ =	swait.ge [sflag:s24], $0x1  }
0xab: {  	[sflag:s24] =	ssyncset.done $0x0  }
0xac: {  	s25 =	simm.s32 $0x1B8E;
	[sflag:s24] =	ssyncadd.s32 $0xFFFFFFFF  }
0xad: {  	s26 =	simm.s32 $execute0_lowered;
	[smem:$0x3FD2] =	sst s25  }
0xae: {  	s7 =	sshll.u32 s26, $0x1;
	_ =	strace $0x80000046;
	[dreg:$0x1] =	wrdreg $0xFFFFFFFF  }
0xaf: {  	s28 =	simm.s32 $_size_execute0_lowered;
	s6 =	sadd.s32 s6, s7;
	[dreg:$0x0] =	wrdreg $0x0  }
0xb0: {  	s7 =	sshll.u32 s28, $0x1;
	[dreg:$0x2] =	wrdreg s6  }
0xb1: {  	[dreg:$0x3] =	wrdreg s7  }
0xb2: {  	[dreg:$0x4] =	wrdreg $0xC0  }
0xb3: {  	_ =	task [dreg:s10], $0x5FFFF  }
0xb4: {  	[dreg:$0x1] =	wrdreg $0xFFFFFFFF  }
0xb5: {  	[dreg:$0x0] =	wrdreg $0x60  }
0xb6: {  	[dreg:$0x2] =	wrdreg s16  }
0xb7: {  	[dreg:$0x3] =	wrdreg s4  }
0xb8: {  	[dreg:$0x4] =	wrdreg s5  }
0xb9: {  	[dreg:$0x5] =	wrdreg s17  }
0xba: {  	[dreg:$0x6] =	wrdreg $0x9  }
0xbb: {  	_ =	task.clear_ibuf [dreg:s10], $0x7FFFF;
	_ =	strace $0x90000046  }
0xbc: {  	s29 =	simm.s32 $0x9;
	_ =	strace $0x80000048  }
0xbd: {  	_ =	swait.ge [sflag:s29], $0x1  }
0xbe: {  	[sflag:s29] =	ssyncadd.s32 $0xFFFFFFFF  }
0xbf: {  	_ =	strace $0x90000048  }
0xc0: {  	_ =	sfence  }
0xc1: {  	s30 =	sld [smem:$0x0];
	_ =	sdelay $0x2  }
0xc2: {  	s31 =	sshll.u32 s1, $0xD;
	s1 =	sshrl.u32 s1, $0x2  }
0xc3: {  	s3 =	sand.u32 $0x4000, s31;
	s1 =	sadd.s32 s1, s30  }
0xc4: {  	s0 =	sor.u32 s3, s0;
	s1 =	sshll.u32 s1, $0x11  }
0xc5: {  	s0 =	sor.u32 s1, s0  }
0xc6: {  	s0 =	sadd.s32 $0x8F2B, s0  }
0xc7: {  	[sflag:s0] =	ssyncadd.remote.s32 $0x1  }
0xc8: {  	_ =	sfence.sel $0xFFFF  }
0xc9: {  	[dreg:$0x0] =	wrdreg $0xFFFFFFFF;
	(pc) =	sbr.abs _section_cstart, $3  }
0xca: {  	[dreg:$0x1] =	wrdreg $0xFFFFFFFF  }
0xcb: {  	_ =	task.clear_ibuf [dreg:s10], $0x2FFFF;
	_ =	strace $0x9FFFFFFF  }
0xcc: {  	(tm) =	ssettm $0x7FFFFFFF  }
0xcd: {  	_ =	shalt  }
tec
execute0_lowered:
.L_overlay_start_1:
0x0: {  	(tag) =	ssettag $0x1  }
0x1: {  	s1 =	rddreg [dreg:$0x0]  }
0x2: {  	s3 =	srdreg.scid;
	s2 =	rddreg [dreg:$0x1]  }
0x3: {  	s0 =	stileid.u32;
	s4 =	rddreg [dreg:$0x2]  }
0x4: {  	s8 =	simm.s32 $0x3;
	s9 =	simm.s32 $0x1C80;
	s10 =	simm.s32 $0x2D00  }
0x5: {  	s11 =	simm.s32 $0x1;
	s14 =	simm.s32 $0x80;
	s15 =	simm.s32 $0x4D80  }
0x6: {  	s16 =	simm.s32 $0x8D80;
	s3 =	sand.u32 $0x1, s3;
	s5 =	sshll.u32 s0, $0x1  }
.Ltmp0:
0x7: {  	s17 =	simm.s32 $0x0;
	s6 =	sor.u32 s3, s5;
	(pc) =	sbr.rel .LBB2_1-.Ltmp0, $4  }
0x8: {  	s5 =	rddreg [dreg:$0x3];
	s7 =	ssub.s32 $0x2, s3;
	s12 =	smul.u32 $0xC35, s6  }
0x9: {  	s3 =	rddreg [dreg:$0x4];
	_ =	strace $0x80000047;
	s31 =	sshrl.u32 s7, $0x1  }
0xa: {  	v2 =	vimm.s32 $0x0;
	v3 =	vlaneseq.u32;
	v4 =	vimm.s32 $0xFFFFFFFF;
	s6 =	ssub.s32 s7, s31;
	s7 =	simm.s32 $0x0;
	s13 =	sadd.s32 $0xC35, s12  }
0xb: {  	vm0 =	vmmov $0xffff;
	s6 =	smax.u32 s6, $0x1;
	v0 =	vmov s12;
	s12 =	simm.s32 $0x1000;
	v1 =	vmov s13;
	s13 =	simm.s32 $0x2  }
.LBB2_54:
0xc: {  	[sflag:s11] =	ssyncadd.s32 $0xFFFFF800  }
.LBB2_55:
0xd: {  	s17 =	sadd.s32 $0x1, s17  }
0xe: {  	p0 =	sne.s32 s17, s6  }
.Ltmp1:
0xf: {  	_ = 	snop;
	(pc) =	sbr.rel @!p0 .LBB2_56-.Ltmp1, $1  }
0x10: {  	_ =	sdelay $0x3  }
.LBB2_1:
0x11: {  	[tilespmem:s7], [sflag:$0x3] =	stream.linear.gather [hbm4b:s2+s7], $0x1000, $0x38;
	[tilespmem:$0xCD80] =	vst v63  }
0x12: {  	_ =	swait.ge [sflag:s8], $0x1000  }
0x13: {  	s18 =	simm.s32 $0xFFFFFFF8;
	s19 =	simm.s32 $0x70;
	[sflag:s8] =	ssyncset.done $0x0  }
0x14: {  	s20 =	simm.s32 $0x40;
	s21 =	simm.s32 $0x0;
	[sflag:s8] =	ssyncadd.s32 $0xFFFFF000  }
.LBB2_2:
0x15: {  	v5 =	vld [tilespmem:s20+$0xFFFFFFC0];
	_ =	sdelay $0x4  }
0x16: {  	vm1 =	vge.s32 v5, v0;
	vm2 =	vlt.s32 v5, v1  }
0x17: {  	vm1 =	vmand vm1, vm2  }
0x18: {  	v6 =	vsel vm1, $0x1, v2  }
0x19: {  	(xrf0) =	vadd.scan.msk.s32 $0xffff, v6;
	_ =	sdelay $0x5  }
0x1a: {  	s22 =	sadd.s32 $0xFFFFFFFF, s21;
	v6, _, _ =	vpop (xrf0)  }
0x1b: {  	v6 =	vadd.s32 s22, v6  }
0x1c: {  	v6 =	vnsel vm1, $0x101F, v6;
	_ =	sdelay $0x1  }
0x1d: {  	v7 =	vmpcnt.ones.xlane vm1  }
0x1e: {  	s23 =	sadd.s32 $0xFFFFFF90, s19  }
0x1f: {  	(v2sf) =	vpush v7, $0x0;
	v7 =	vor.u32 s23, v3  }
0x20: {  	[tilespmem:v6+s9+$0x0] =	vst.idx.msk $0xffff, v7  }
0x21: {  	[tilespmem:v6+s10+$0x0] =	vst.idx.msk $0xffff, v5  }
0x22: {  	v5 =	vld [tilespmem:s20+$0xFFFFFFD0];
	_ =	sdelay $0x4  }
0x23: {  	vm1 =	vge.s32 v5, v0;
	vm2 =	vlt.s32 v5, v1  }
0x24: {  	vm1 =	vmand vm1, vm2  }
0x25: {  	v6 =	vsel vm1, $0x1, v2  }
0x26: {  	(xrf0) =	vadd.scan.msk.s32 $0xffff, v6;
	_ =	sdelay $0x3  }
0x27: {  	s24 =	spop (v2sf)  }
0x28: {  	s25 =	sadd.s32 s21, s24  }
0x29: {  	s22 =	sadd.s32 $0xFFFFFFFF, s25;
	v6, _, _ =	vpop (xrf0)  }
0x2a: {  	v6 =	vadd.s32 s22, v6  }
0x2b: {  	v6 =	vnsel vm1, $0x101F, v6;
	_ =	sdelay $0x1  }
0x2c: {  	v7 =	vmpcnt.ones.xlane vm1  }
0x2d: {  	s26 =	sadd.s32 $0xFFFFFFA0, s19  }
0x2e: {  	(v2sf) =	vpush v7, $0x0;
	v7 =	vor.u32 s26, v3  }
0x2f: {  	[tilespmem:v6+s9+$0x0] =	vst.idx.msk $0xffff, v7  }
0x30: {  	[tilespmem:v6+s10+$0x0] =	vst.idx.msk $0xffff, v5  }
0x31: {  	v5 =	vld [tilespmem:s20+$0xFFFFFFE0];
	_ =	sdelay $0x4  }
0x32: {  	vm1 =	vge.s32 v5, v0;
	vm2 =	vlt.s32 v5, v1  }
0x33: {  	vm1 =	vmand vm1, vm2  }
0x34: {  	v6 =	vsel vm1, $0x1, v2  }
0x35: {  	(xrf0) =	vadd.scan.msk.s32 $0xffff, v6;
	_ =	sdelay $0x3  }
0x36: {  	s28 =	spop (v2sf)  }
0x37: {  	s21 =	sadd.s32 s25, s28  }
0x38: {  	s22 =	sadd.s32 $0xFFFFFFFF, s21;
	v6, _, _ =	vpop (xrf0)  }
0x39: {  	v6 =	vadd.s32 s22, v6  }
0x3a: {  	v6 =	vnsel vm1, $0x101F, v6;
	_ =	sdelay $0x1  }
0x3b: {  	v7 =	vmpcnt.ones.xlane vm1  }
0x3c: {  	s29 =	sadd.s32 $0xFFFFFFB0, s19  }
0x3d: {  	(v2sf) =	vpush v7, $0x0;
	v7 =	vor.u32 s29, v3  }
0x3e: {  	[tilespmem:v6+s9+$0x0] =	vst.idx.msk $0xffff, v7  }
0x3f: {  	[tilespmem:v6+s10+$0x0] =	vst.idx.msk $0xffff, v5  }
0x40: {  	v5 =	vld [tilespmem:s20+$0xFFFFFFF0];
	_ =	sdelay $0x4  }
0x41: {  	vm1 =	vge.s32 v5, v0;
	vm2 =	vlt.s32 v5, v1  }
0x42: {  	vm1 =	vmand vm1, vm2  }
0x43: {  	v6 =	vsel vm1, $0x1, v2  }
0x44: {  	(xrf0) =	vadd.scan.msk.s32 $0xffff, v6;
	_ =	sdelay $0x3  }
0x45: {  	s30 =	spop (v2sf)  }
0x46: {  	s21 =	sadd.s32 s21, s30  }
0x47: {  	s22 =	sadd.s32 $0xFFFFFFFF, s21;
	v6, _, _ =	vpop (xrf0)  }
0x48: {  	v6 =	vadd.s32 s22, v6  }
0x49: {  	v6 =	vnsel vm1, $0x101F, v6;
	_ =	sdelay $0x1  }
0x4a: {  	v7 =	vmpcnt.ones.xlane vm1  }
0x4b: {  	s31 =	sadd.s32 $0xFFFFFFC0, s19  }
0x4c: {  	(v2sf) =	vpush v7, $0x0;
	v7 =	vor.u32 s31, v3  }
0x4d: {  	[tilespmem:v6+s9+$0x0] =	vst.idx.msk $0xffff, v7  }
0x4e: {  	[tilespmem:v6+s10+$0x0] =	vst.idx.msk $0xffff, v5  }
0x4f: {  	v5 =	vld [tilespmem:s20+$0x0];
	_ =	sdelay $0x4  }
0x50: {  	vm1 =	vge.s32 v5, v0;
	vm2 =	vlt.s32 v5, v1  }
0x51: {  	vm1 =	vmand vm1, vm2  }
0x52: {  	v6 =	vsel vm1, $0x1, v2  }
0x53: {  	(xrf0) =	vadd.scan.msk.s32 $0xffff, v6;
	_ =	sdelay $0x3  }
0x54: {  	s23 =	spop (v2sf)  }
0x55: {  	s21 =	sadd.s32 s21, s23  }
0x56: {  	s22 =	sadd.s32 $0xFFFFFFFF, s21;
	v6, _, _ =	vpop (xrf0)  }
0x57: {  	v6 =	vadd.s32 s22, v6  }
0x58: {  	v6 =	vnsel vm1, $0x101F, v6;
	_ =	sdelay $0x1  }
0x59: {  	v7 =	vmpcnt.ones.xlane vm1  }
0x5a: {  	s24 =	sadd.s32 $0xFFFFFFD0, s19  }
0x5b: {  	(v2sf) =	vpush v7, $0x0;
	v7 =	vor.u32 s24, v3  }
0x5c: {  	[tilespmem:v6+s9+$0x0] =	vst.idx.msk $0xffff, v7  }
0x5d: {  	[tilespmem:v6+s10+$0x0] =	vst.idx.msk $0xffff, v5  }
0x5e: {  	v5 =	vld [tilespmem:s20+$0x10];
	_ =	sdelay $0x4  }
0x5f: {  	vm1 =	vge.s32 v5, v0;
	vm2 =	vlt.s32 v5, v1  }
0x60: {  	vm1 =	vmand vm1, vm2  }
0x61: {  	v6 =	vsel vm1, $0x1, v2  }
0x62: {  	(xrf0) =	vadd.scan.msk.s32 $0xffff, v6;
	_ =	sdelay $0x3  }
0x63: {  	s25 =	spop (v2sf)  }
0x64: {  	s21 =	sadd.s32 s21, s25  }
0x65: {  	s22 =	sadd.s32 $0xFFFFFFFF, s21;
	v6, _, _ =	vpop (xrf0)  }
0x66: {  	v6 =	vadd.s32 s22, v6  }
0x67: {  	v6 =	vnsel vm1, $0x101F, v6;
	_ =	sdelay $0x1  }
0x68: {  	v7 =	vmpcnt.ones.xlane vm1  }
0x69: {  	s26 =	sadd.s32 $0xFFFFFFE0, s19  }
0x6a: {  	(v2sf) =	vpush v7, $0x0;
	v7 =	vor.u32 s26, v3  }
0x6b: {  	[tilespmem:v6+s9+$0x0] =	vst.idx.msk $0xffff, v7  }
0x6c: {  	[tilespmem:v6+s10+$0x0] =	vst.idx.msk $0xffff, v5  }
0x6d: {  	v5 =	vld [tilespmem:s20+$0x20];
	_ =	sdelay $0x4  }
0x6e: {  	vm1 =	vge.s32 v5, v0;
	vm2 =	vlt.s32 v5, v1  }
0x6f: {  	vm1 =	vmand vm1, vm2  }
0x70: {  	v6 =	vsel vm1, $0x1, v2  }
0x71: {  	(xrf0) =	vadd.scan.msk.s32 $0xffff, v6;
	_ =	sdelay $0x3  }
0x72: {  	s28 =	spop (v2sf)  }
0x73: {  	s21 =	sadd.s32 s21, s28  }
0x74: {  	s22 =	sadd.s32 $0xFFFFFFFF, s21;
	v6, _, _ =	vpop (xrf0)  }
0x75: {  	v6 =	vadd.s32 s22, v6  }
0x76: {  	v6 =	vnsel vm1, $0x101F, v6;
	_ =	sdelay $0x2  }
0x77: {  	s29 =	sadd.s32 $0xFFFFFFF0, s19  }
0x78: {  	v7 =	vor.u32 s29, v3  }
0x79: {  	[tilespmem:v6+s9+$0x0] =	vst.idx.msk $0xffff, v7;
	v7 =	vmpcnt.ones.xlane vm1  }
0x7a: {  	[tilespmem:v6+s10+$0x0] =	vst.idx.msk $0xffff, v5  }
0x7b: {  	(v2sf) =	vpush v7, $0x0;
	v5 =	vld [tilespmem:s20+$0x30];
	_ =	sdelay $0x4  }
0x7c: {  	vm1 =	vge.s32 v5, v0;
	vm2 =	vlt.s32 v5, v1  }
0x7d: {  	vm1 =	vmand vm1, vm2  }
0x7e: {  	v6 =	vmpcnt.ones.xlane vm1;
	_ =	sdelay $0x1  }
0x7f: {  	(v2sf) =	vpush v6, $0x0  }
0x80: {  	v6 =	vsel vm1, $0x1, v2  }
0x81: {  	(xrf0) =	vadd.scan.msk.s32 $0xffff, v6;
	_ =	sdelay $0x3  }
0x82: {  	s30 =	spop (v2sf)  }
0x83: {  	s21 =	sadd.s32 s21, s30  }
0x84: {  	v6, _, _ =	vpop (xrf0);
	s22 =	sadd.s32 $0xFFFFFFFF, s21  }
0x85: {  	v6 =	vadd.s32 s22, v6  }
0x86: {  	s18 =	sadd.s32 $0x8, s18;
	v6 =	vnsel vm1, $0x101F, v6  }
0x87: {  	p0 =	slt.u32 s18, $0xF8  }
.Ltmp2:
0x88: {  	_ = 	snop;
	(pc) =	sbr.rel @p0 .LBB2_2-.Ltmp2, $4  }
0x89: {  	_ = 	snop  }
0x8a: {  	v7 =	vor.u32 s19, v3  }
0x8b: {  	[tilespmem:v6+s9+$0x0] =	vst.idx.msk $0xffff, v7;
	s31 =	spop (v2sf)  }
0x8c: {  	s19 =	sadd.s32 $0x80, s19;
	s20 =	sadd.s32 $0x80, s20;
	[tilespmem:v6+s10+$0x0] =	vst.idx.msk $0xffff, v5;
	s21 =	sadd.s32 s21, s31  }
0x8d: {  	s18 =	sadd.s32 $0xF, s21  }
0x8e: {  	s19 =	sand.u32 $0xF, s18  }
0x8f: {  	s20 =	sshra.s32 s18, $0x1F;
	p0 =	slt.s32 s18, $0x1;
	p1 =	sne.s32 s19, $0x0  }
0x90: {  	s31 =	sshrl.u32 s20, $0x1C;
	p0 =	por !p0, !p1  }
0x91: {  	s19 =	simm.s32 $0x1;
	s18 =	sadd.s32 s31, s18;
	p0 =	por !p0, !p0  }
0x92: {  	s18 =	sshra.s32 s18, $0x4;
	s19 =	simm.s32 @!p0 $0x0  }
0x93: {  	s18 =	ssub.s32 s18, s19  }
0x94: {  	p0 =	slt.s32 s18, $0x1  }
.Ltmp3:
0x95: {  	_ = 	snop;
	(pc) =	sbr.rel @p0 .LBB2_55-.Ltmp3, $1  }
0x96: {  	_ =	sdelay $0x3  }
0x97: {  	p1 =	sne.s32 s18, $0x1  }
.Ltmp4:
0x98: {  	_ = 	snop;
	(pc) =	sbr.rel @!p1 .LBB2_5-.Ltmp4, $3  }
0x99: {  	_ =	sdelay $0x1  }
0x9a: {  	s20 =	simm.s32 $0x2D00  }
0x9b: {  	v5 =	vmov s21;
	s19 =	simm.s32 $0x0;
	p0 =	por $0x0, $0x0;
	v6 =	vld [tilespmem:s20+$0x0];
	s20 =	sadd.s32 $0xFFFFFFFF, s18  }
0x9c: {  	_ =	sdelay $0x2  }
0x9d: {  	v7 =	vor.u32 s19, v3  }
0x9e: {  	vm1 =	vlt.s32 v7, v5;
	v6 =	vsub.s32 v6, v0  }
0x9f: {  	v6 =	vnsel vm1, $0xC3F, v6  }
0xa0: {  	p2 =	sne.s32 s20, $0x1  }
.Ltmp5:
0xa1: {  	_ = 	snop;
	(pc) =	sbr.rel @!p2 .LBB2_7-.Ltmp5, $3  }
0xa2: {  	_ =	sdelay $0x1  }
0xa3: {  	s22 =	simm.s32 $0x2D10;
	[tilespmem:v6+s12+$0x0] =	vst.idx.msk $0xffff, v4  }
0xa4: {  	s23 =	sadd.s32 $0xFFFFFFFF, s20;
	p0 =	por $0x1, $0x1;
	s21 =	simm.s32 $0x0;
	v6 =	vld [tilespmem:s22+$0x0]  }
.LBB2_8:
0xa5: {  	p2 =	sne.s32 s23, $0x1;
	_ =	sdelay $0x1  }
0xa6: {  	s21 =	sadd.s32 $0x10, s21  }
0xa7: {  	v7 =	vor.u32 s21, v3  }
0xa8: {  	vm1 =	vlt.s32 v7, v5;
	v6 =	vsub.s32 v6, v0  }
0xa9: {  	v6 =	vnsel vm1, $0xC3F, v6;
	_ =	sdelay $0x1  }
.Ltmp6:
0xaa: {  	(pc) =	sbr.rel @p2 .LBB2_8-.Ltmp6, $3  }
0xab: {  	_ =	sdelay $0x1  }
0xac: {  	s22 =	sadd.s32 $0x10, s22;
	[tilespmem:v6+s12+$0x0] =	vst.idx.msk $0xffff, v4  }
0xad: {  	s23 =	sadd.s32 $0xFFFFFFFF, s23;
	v6 =	vld [tilespmem:s22+$0x0]  }
.LBB2_9:
0xae: {  	_ = 	snop  }
0xaf: {  	s21 =	sadd.s32 @p0 $0x10, s21;
	s22 =	simm.s32 $0x0  }
0xb0: {  	s22 =	smov.u32 @p0 s21  }
0xb1: {  	v7 =	vor.u32 s22, v3  }
0xb2: {  	vm1 =	vlt.s32 v7, v5;
	v6 =	vsub.s32 v6, v0  }
0xb3: {  	v6 =	vnsel vm1, $0xC3F, v6  }
.Ltmp7:
0xb4: {  	_ = 	snop;
	(pc) =	sbr.rel .LBB2_10-.Ltmp7, $2  }
0xb5: {  	_ =	sdelay $0x2  }
0xb6: {  	[tilespmem:v6+s12+$0x0] =	vst.idx.msk $0xffff, v4  }
.LBB2_12:
0xb7: {  	s19 =	sadd.s32 $0x1, s19  }
0xb8: {  	p0 =	sne.s32 s19, s18  }
.Ltmp8:
0xb9: {  	_ = 	snop;
	(pc) =	sbr.rel @!p0 .LBB2_13-.Ltmp8, $1  }
0xba: {  	_ =	sdelay $0x3  }
.LBB2_10:
0xbb: {  	s21 =	sshll.u32 s19, $0x4  }
0xbc: {  	v6 =	vld [tilespmem:s21+$0x2D00];
	_ =	sdelay $0x3  }
0xbd: {  	v7 =	vor.u32 s21, v3  }
0xbe: {  	vm1 =	vlt.s32 v7, v5;
	v6 =	vsub.s32 v6, v0  }
0xbf: {  	v7 =	vld [tilespmem:s21+$0x1C80];
	v6 =	vnsel vm1, $0xC3F, v6;
	_ =	sdelay $0x4  }
0xc0: {  	[tilespmem:v6+s12+$0x0] =	vst.idx.msk $0xffff, v7  }
0xc1: {  	v8 =	vld.idx.msk [tilespmem:v6+s12+$0x0], $0xffff;
	_ =	sdelay $0x4  }
0xc2: {  	vm2 =	vlt.s32 v8, v7  }
0xc3: {  	vm1 =	vmand vm1, vm2  }
0xc4: {  	v8 =	vmpcnt.ones.xlane vm1;
	_ =	sdelay $0x1  }
0xc5: {  	(v2sf) =	vpush v8, $0x0;
	_ =	sdelay $0xe  }
0xc6: {  	s31 =	spop (v2sf)  }
0xc7: {  	p0 =	slt.s32 s31, $0x1  }
.Ltmp9:
0xc8: {  	_ = 	snop;
	(pc) =	sbr.rel @p0 .LBB2_12-.Ltmp9, $1  }
0xc9: {  	_ =	sdelay $0x3  }
.LBB2_11:
0xca: {  	v8 =	vnsel vm1, $0xC3F, v6;
	_ =	sdelay $0x4  }
0xcb: {  	[tilespmem:v8+s12+$0x0] =	vst.idx.msk $0xffff, v7  }
0xcc: {  	v8 =	vld.idx.msk [tilespmem:v8+s12+$0x0], $0xffff;
	_ =	sdelay $0x4  }
0xcd: {  	vm2 =	vlt.s32 v8, v7  }
0xce: {  	vm1 =	vmand vm1, vm2  }
0xcf: {  	v8 =	vmpcnt.ones.xlane vm1;
	_ =	sdelay $0x1  }
0xd0: {  	(v2sf) =	vpush v8, $0x0;
	_ =	sdelay $0xe  }
0xd1: {  	s21 =	spop (v2sf)  }
0xd2: {  	p0 =	sgt.s32 s21, $0x0  }
.Ltmp10:
0xd3: {  	_ = 	snop;
	(pc) =	sbr.rel @p0 .LBB2_11-.Ltmp10, $1  }
0xd4: {  	_ =	sdelay $0x3  }
.Ltmp11:
0xd5: {  	_ = 	snop;
	(pc) =	sbr.rel .LBB2_12-.Ltmp11, $1  }
0xd6: {  	_ =	sdelay $0x3  }
.LBB2_13:
.Ltmp12:
0xd7: {  	(pc) =	sbr.rel @!p1 .LBB2_14-.Ltmp12, $3  }
0xd8: {  	_ =	sdelay $0x1  }
0xd9: {  	s21 =	simm.s32 $0x2D00  }
0xda: {  	s19 =	simm.s32 $0x1C80;
	s18 =	simm.s32 $0x0;
	p0 =	por $0x0, $0x0;
	v6 =	vld [tilespmem:s21+$0x0]  }
0xdb: {  	_ =	sdelay $0x2  }
0xdc: {  	v7 =	vor.u32 s18, v3  }
0xdd: {  	vm1 =	vlt.s32 v7, v5;
	v7 =	vsub.s32 v6, v0  }
0xde: {  	v7 =	vnsel vm1, $0xC3F, v7;
	_ =	sdelay $0x3  }
0xdf: {  	v8 =	vld [tilespmem:s19+$0x0]  }
0xe0: {  	v7 =	vld.idx.msk [tilespmem:v7+s12+$0x0], $0xffff;
	_ =	sdelay $0x4  }
0xe1: {  	vm2 =	veq.s32 v7, v8  }
0xe2: {  	vm1 =	vmand vm1, vm2  }
0xe3: {  	v7 =	vmpcnt.ones.xlane vm1;
	v9 =	vsel vm1, $0x1, v2  }
0xe4: {  	(xrf0) =	vadd.scan.msk.s32 $0xffff, v9  }
0xe5: {  	(v2sf) =	vpush v7, $0x0;
	_ =	sdelay $0x4  }
0xe6: {  	s21 =	simm.s32 $0xFFFFFFFF;
	v7, _, _ =	vpop (xrf0)  }
0xe7: {  	v7 =	vadd.s32 s21, v7  }
0xe8: {  	v7 =	vnsel vm1, $0x101F, v7;
	_ =	sdelay $0x2  }
0xe9: {  	p1 =	sne.s32 s20, $0x1  }
.Ltmp13:
0xea: {  	_ = 	snop;
	(pc) =	sbr.rel @!p1 .LBB2_16-.Ltmp13, $4  }
0xeb: {  	[tilespmem:v7+s9+$0x0] =	vst.idx.msk $0xffff, v8  }
0xec: {  	s23 =	simm.s32 $0x2D10;
	[tilespmem:v7+s10+$0x0] =	vst.idx.msk $0xffff, v6  }
0xed: {  	s22 =	sadd.s32 $0xFFFFFFFF, s20;
	p0 =	por $0x1, $0x1;
	s20 =	simm.s32 $0x0;
	v6 =	vld [tilespmem:s23+$0x0]  }
0xee: {  	s24 =	simm.s32 $0x0;
	s21 =	simm.s32 $0x1C80;
	s25 =	spop (v2sf)  }
.LBB2_17:
0xef: {  	s20 =	sadd.s32 s20, s25;
	s21 =	sadd.s32 $0x10, s21;
	s24 =	sadd.s32 $0x10, s24  }
0xf0: {  	p1 =	sne.s32 s22, $0x1;
	s22 =	sadd.s32 $0xFFFFFFFF, s22  }
0xf1: {  	v7 =	vor.u32 s24, v3  }
0xf2: {  	vm1 =	vlt.s32 v7, v5;
	v7 =	vsub.s32 v6, v0  }
0xf3: {  	v7 =	vnsel vm1, $0xC3F, v7;
	_ =	sdelay $0x4  }
0xf4: {  	v7 =	vld.idx.msk [tilespmem:v7+s12+$0x0], $0xffff  }
0xf5: {  	v8 =	vld [tilespmem:s21+$0x0];
	_ =	sdelay $0x4  }
0xf6: {  	vm2 =	veq.s32 v7, v8  }
0xf7: {  	vm1 =	vmand vm1, vm2  }
0xf8: {  	v7 =	vsel vm1, $0x1, v2;
	v9 =	vmpcnt.ones.xlane vm1  }
0xf9: {  	(xrf0) =	vadd.scan.msk.s32 $0xffff, v7  }
0xfa: {  	(v2sf) =	vpush v9, $0x0;
	_ =	sdelay $0x4  }
0xfb: {  	s25 =	sadd.s32 $0xFFFFFFFF, s20;
	v7, _, _ =	vpop (xrf0)  }
0xfc: {  	v7 =	vadd.s32 s25, v7  }
0xfd: {  	v7 =	vnsel vm1, $0x101F, v7;
	_ =	sdelay $0x3  }
.Ltmp14:
0xfe: {  	(pc) =	sbr.rel @p1 .LBB2_17-.Ltmp14, $4  }
0xff: {  	[tilespmem:v7+s9+$0x0] =	vst.idx.msk $0xffff, v8  }
0x100: {  	s23 =	sadd.s32 $0x10, s23;
	[tilespmem:v7+s10+$0x0] =	vst.idx.msk $0xffff, v6  }
0x101: {  	v6 =	vld [tilespmem:s23+$0x0]  }
0x102: {  	s25 =	spop (v2sf)  }
.LBB2_18:
0x103: {  	s22 =	sadd.s32 @p0 $0x10, s24;
	s23 =	simm.s32 $0x0  }
0x104: {  	s23 =	smov.u32 @p0 s22  }
0x105: {  	v7 =	vor.u32 s23, v3  }
0x106: {  	vm1 =	vlt.s32 v7, v5;
	v5 =	vsub.s32 v6, v0  }
0x107: {  	v5 =	vnsel vm1, $0xC3F, v5;
	_ =	sdelay $0x1  }
0x108: {  	s21 =	sadd.s32 @p0 $0x10, s21  }
0x109: {  	s19 =	smov.u32 @p0 s21  }
0x10a: {  	v7 =	vld [tilespmem:s19+$0x0]  }
0x10b: {  	v5 =	vld.idx.msk [tilespmem:v5+s12+$0x0], $0xffff;
	_ =	sdelay $0x4  }
0x10c: {  	vm2 =	veq.s32 v5, v7  }
0x10d: {  	vm1 =	vmand vm1, vm2  }
0x10e: {  	v5 =	vmpcnt.ones.xlane vm1;
	_ =	sdelay $0x1  }
0x10f: {  	(v2sf) =	vpush v5, $0x0;
	_ =	sdelay $0x6  }
0x110: {  	v5 =	vsel vm1, $0x1, v2  }
0x111: {  	(xrf0) =	vadd.scan.msk.s32 $0xffff, v5;
	_ =	sdelay $0x3  }
0x112: {  	s19 =	sadd.s32 @p0 s20, s25  }
0x113: {  	s18 =	smov.u32 @p0 s19  }
0x114: {  	s19 =	sadd.s32 $0xFFFFFFFF, s18;
	v5, _, _ =	vpop (xrf0)  }
0x115: {  	v5 =	vadd.s32 s19, v5;
	s31 =	spop (v2sf)  }
0x116: {  	v5 =	vnsel vm1, $0x101F, v5;
	s20 =	sadd.s32 s18, s31  }
0x117: {  	p0 =	slt.s32 s20, $0x1  }
.Ltmp15:
0x118: {  	_ = 	snop;
	(pc) =	sbr.rel @p0 .LBB2_55-.Ltmp15, $3  }
0x119: {  	_ =	sdelay $0x1  }
0x11a: {  	[tilespmem:v5+s9+$0x0] =	vst.idx.msk $0xffff, v7  }
0x11b: {  	[tilespmem:v5+s10+$0x0] =	vst.idx.msk $0xffff, v6  }
0x11c: {  	s19 =	sand.u32 $0x7F, s20  }
0x11d: {  	s18 =	sand.u32 $0x7FFFFF80, s20;
	s19 =	sadd.s32 $0xF, s19  }
0x11e: {  	s21 =	sadd.s32 s18, s19  }
0x11f: {  	s23 =	sshrl.u32 s20, $0x4;
	s21 =	sshra.s32 s21, $0x4  }
0x120: {  	s24 =	ssub.s32 s21, s23  }
0x121: {  	p0 =	slt.s32 s24, $0x1  }
.Ltmp16:
0x122: {  	_ = 	snop;
	(pc) =	sbr.rel @p0 .LBB2_26-.Ltmp16, $1  }
0x123: {  	_ =	sdelay $0x3  }
0x124: {  	p1 =	seq.s32 s24, $0x1  }
.Ltmp17:
0x125: {  	s21 =	sshll.u32 s23, $0x6;
	(pc) =	sbr.rel @p1 .LBB2_21-.Ltmp17, $4  }
0x126: {  	v5 =	vld.msk [tilespmem:s20+$0x2CFF ss:$0x0], $0xffff;
	s21 =	sshra.s32 s21, $0x2  }
0x127: {  	v6 =	vld.msk [tilespmem:s20+$0x1C7F ss:$0x0], $0xffff;
	s22 =	sadd.s32 $0x2D00, s21  }
0x128: {  	s21 =	sadd.s32 $0x1C80, s21;
	v9 =	vld [tilespmem:s22+$0x0]  }
0x129: {  	v7 =	vmov s20;
	s23 =	sshll.u32 s23, $0x4;
	s24 =	sadd.s32 $0xFFFFFFFF, s24;
	p0 =	por $0x0, $0x0;
	v8 =	vld [tilespmem:s21+$0x0]  }
0x12a: {  	_ = 	snop  }
0x12b: {  	v10 =	vor.u32 s23, v3  }
0x12c: {  	p1 =	seq.s32 s24, $0x1;
	vm1 =	vlt.s32 v10, v7  }
.Ltmp18:
0x12d: {  	v9 =	vsel vm1, v9, v5;
	(pc) =	sbr.rel @p1 .LBB2_23-.Ltmp18, $4  }
0x12e: {  	[tilespmem:s22+$0x0] =	vst v9;
	v8 =	vsel vm1, v8, v6  }
0x12f: {  	s22 =	sadd.s32 $0x10, s22;
	[tilespmem:s21+$0x0] =	vst v8  }
0x130: {  	s21 =	sadd.s32 $0x10, s21;
	v9 =	vld [tilespmem:s22+$0x0]  }
0x131: {  	s25 =	sadd.s32 $0xFFFFFFFF, s24;
	p0 =	por $0x1, $0x1;
	s24 =	smov.u32 s23;
	v8 =	vld [tilespmem:s21+$0x0]  }
.LBB2_24:
0x132: {  	p1 =	seq.s32 s25, $0x1;
	s24 =	sadd.s32 $0x10, s24  }
0x133: {  	v10 =	vor.u32 s24, v3  }
0x134: {  	vm1 =	vlt.s32 v10, v7  }
.Ltmp19:
0x135: {  	v9 =	vsel vm1, v9, v5;
	(pc) =	sbr.rel @!p1 .LBB2_24-.Ltmp19, $4  }
0x136: {  	[tilespmem:s22+$0x0] =	vst v9;
	v8 =	vsel vm1, v8, v6  }
0x137: {  	s22 =	sadd.s32 $0x10, s22;
	[tilespmem:s21+$0x0] =	vst v8  }
0x138: {  	s21 =	sadd.s32 $0x10, s21;
	v9 =	vld [tilespmem:s22+$0x0]  }
0x139: {  	s25 =	sadd.s32 $0xFFFFFFFF, s25;
	v8 =	vld [tilespmem:s21+$0x0]  }
.LBB2_25:
0x13a: {  	s24 =	sadd.s32 @p0 $0x10, s24  }
0x13b: {  	s23 =	smov.u32 @p0 s24  }
0x13c: {  	v10 =	vor.u32 s23, v3  }
0x13d: {  	vm1 =	vlt.s32 v10, v7  }
0x13e: {  	v5 =	vsel vm1, v9, v5  }
0x13f: {  	[tilespmem:s22+$0x0] =	vst v5;
	v5 =	vsel vm1, v8, v6  }
0x140: {  	[tilespmem:s21+$0x0] =	vst v5  }
.LBB2_26:
0x141: {  	s20 =	sshrl.u32 s20, $0x7  }
0x142: {  	p0 =	seq.s32 s20, $0x0  }
.Ltmp20:
0x143: {  	_ = 	snop;
	(pc) =	sbr.rel @p0 .LBB2_27-.Ltmp20, $2  }
0x144: {  	_ =	sdelay $0x2  }
0x145: {  	s21 =	simm.s32 $0x0  }
.LBB2_30:
0x146: {  	s23 =	sshll.u32 s21, $0x7  }
0x147: {  	v5 =	vld [tilespmem:s23+$0x2D00];
	_ =	sdelay $0x3  }
0x148: {  	s22 =	sshll.u32 s21, $0x9  }
0x149: {  	s22 =	sshra.s32 s22, $0x2;
	[tilespmem:s23+$0x3D80] =	vst v5  }
0x14a: {  	v5 =	vld [tilespmem:s22+$0x2D10];
	_ =	sdelay $0x4  }
0x14b: {  	[tilespmem:s23+$0x3D90] =	vst v5  }
0x14c: {  	v5 =	vld [tilespmem:s22+$0x2D20];
	_ =	sdelay $0x4  }
0x14d: {  	[tilespmem:s23+$0x3DA0] =	vst v5  }
0x14e: {  	v5 =	vld [tilespmem:s22+$0x2D30];
	_ =	sdelay $0x4  }
0x14f: {  	[tilespmem:s23+$0x3DB0] =	vst v5  }
0x150: {  	v5 =	vld [tilespmem:s22+$0x2D40];
	_ =	sdelay $0x4  }
0x151: {  	[tilespmem:s23+$0x3DC0] =	vst v5  }
0x152: {  	v5 =	vld [tilespmem:s22+$0x2D50];
	_ =	sdelay $0x4  }
0x153: {  	[tilespmem:s23+$0x3DD0] =	vst v5  }
0x154: {  	v5 =	vld [tilespmem:s22+$0x2D60];
	_ =	sdelay $0x4  }
0x155: {  	[tilespmem:s23+$0x3DE0] =	vst v5  }
0x156: {  	v5 =	vld [tilespmem:s22+$0x2D70];
	_ =	sdelay $0x4  }
0x157: {  	s22 =	sadd.s32 $0x3D80, s23;
	[tilespmem:s23+$0x3DF0] =	vst v5  }
0x158: {  	[tilespmem:s15], [sflag:$0x1] =	stream.indirect.gather [hbm4b:s4+s14], $0x80, s22, s14, $0xb8;
	[tilespmem:$0xCD80] =	vst v63  }
0x159: {  	s23 =	sadd.s32 $0x1C80, s23  }
0x15a: {  	[tilespmem:s16], [sflag:$0x2] =	stream.indirect.gather [hbm4b:s1+s14], $0x80, s23, s14, $0xb8;
	[tilespmem:$0xCD80] =	vst v63  }
0x15b: {  	_ =	swait.ge [sflag:s11], $0x4000  }
0x15c: {  	[sflag:s11] =	ssyncset.done $0x0  }
0x15d: {  	[sflag:s11] =	ssyncadd.s32 $0xFFFFC000  }
0x15e: {  	_ =	swait.ge [sflag:s13], $0x4000  }
0x15f: {  	[sflag:s13] =	ssyncset.done $0x0  }
0x160: {  	s23 =	simm.s32 $0x0;
	[sflag:s13] =	ssyncadd.s32 $0xFFFFC000  }
0x161: {  	v5 =	vld [tilespmem:s23+$0x8DB0]  }
0x162: {  	v6 =	vld [tilespmem:s23+$0x8D80]  }
0x163: {  	v7 =	vld [tilespmem:s23+$0x8D90]  }
0x164: {  	v8 =	vld [tilespmem:s23+$0x4D90]  }
0x165: {  	v9 =	vld [tilespmem:s23+$0x4D80]  }
0x166: {  	v10 =	vld [tilespmem:s23+$0x8DA0]  }
0x167: {  	v11 =	vld [tilespmem:s23+$0x4DA0]  }
0x168: {  	v12 =	vld [tilespmem:s23+$0x4DB0]  }
0x169: {  	v13 =	vld [tilespmem:s23+$0x8DC0];
	v6 =	vmul.f32 $5.000000000e-01, v6;
	v7 =	vmul.f32 $5.000000000e-01, v7  }
0x16a: {  	v14 =	vld [tilespmem:s23+$0x4DC0];
	v9 =	vmul.f32 $5.000000000e-01, v9;
	v8 =	vmul.f32 $5.000000000e-01, v8  }
0x16b: {  	v15 =	vld [tilespmem:s23+$0x8DD0];
	v10 =	vmul.f32 $5.000000000e-01, v10  }
0x16c: {  	v18 =	vld [tilespmem:s23+$0x8DF0];
	v6 =	vadd.f32 v6, v9;
	v7 =	vadd.f32 v7, v8;
	v8 =	vmul.f32 $5.000000000e-01, v11  }
0x16d: {  	v5 =	vmul.f32 $5.000000000e-01, v5;
	v9 =	vld [tilespmem:s23+$0x4DD0];
	v11 =	vmul.f32 $5.000000000e-01, v12  }
0x16e: {  	v12 =	vld [tilespmem:s23+$0x8DE0];
	v16 =	vmul.f32 v6, v6;
	v17 =	vmul.f32 v7, v7;
	v8 =	vadd.f32 v10, v8  }
0x16f: {  	v14 =	vmul.f32 $5.000000000e-01, v14;
	v13 =	vmul.f32 $5.000000000e-01, v13;
	v10 =	vld [tilespmem:s23+$0x4DE0]  }
0x170: {  	v11 =	vadd.f32 v5, v11;
	v5 =	vld [tilespmem:s23+$0x4DF0];
	v16 =	vadd.f32 v17, v16;
	v57 =	vmul.f32 v8, v8  }
0x171: {  	v15 =	vmul.f32 $5.000000000e-01, v15;
	v13 =	vadd.f32 v13, v14  }
0x172: {  	v58 =	vmul.f32 v11, v11;
	v9 =	vmul.f32 $5.000000000e-01, v9;
	v16 =	vadd.f32 v57, v16  }
0x173: {  	v59 =	vmul.f32 v13, v13;
	v12 =	vmul.f32 $5.000000000e-01, v12  }
0x174: {  	v10 =	vmul.f32 $5.000000000e-01, v10;
	v9 =	vadd.f32 v15, v9;
	v14 =	vadd.f32 v58, v16  }
0x175: {  	v5 =	vmul.f32 $5.000000000e-01, v5;
	v15 =	vmul.f32 $5.000000000e-01, v18  }
0x176: {  	v60 =	vmul.f32 v9, v9;
	v61 =	vadd.f32 v12, v10;
	v14 =	vadd.f32 v59, v14;
	_ =	sdelay $0x1  }
0x177: {  	v12 =	vmul.f32 v61, v61;
	v10 =	vadd.f32 v60, v14;
	v14 =	vadd.f32 v15, v5;
	_ =	sdelay $0x1  }
0x178: {  	v5 =	vadd.f32 v12, v10;
	v10 =	vmul.f32 v14, v14;
	_ =	sdelay $0x1  }
0x179: {  	v5 =	vadd.f32 v10, v5;
	_ =	sdelay $0x1  }
0x17a: {  	(xrf2) =	vadd.scan.msk.f32 $0xffff, v5;
	_ =	sdelay $0x9  }
0x17b: {  	v5, _, _ =	vpop (xrf2)  }
0x17c: {  	v5 =	vbroadcast v5, $0xF;
	_ =	sdelay $0x1  }
0x17d: {  	v10 =	vshra.s32 v5, $0x1;
	v5 =	vmul.f32 $5.000000000e-01, v5  }
0x17e: {  	v10 =	vsub.s32 $0x5F3759DF, v10  }
0x17f: {  	v12 =	vmul.f32 v10, v5;
	_ =	sdelay $0x1  }
0x180: {  	v12 =	vmul.f32 v10, v12;
	_ =	sdelay $0x1  }
0x181: {  	v12 =	vsub.f32 $1.500000000e+00, v12;
	_ =	sdelay $0x1  }
0x182: {  	v10 =	vmul.f32 v10, v12;
	_ =	sdelay $0x1  }
0x183: {  	v5 =	vmul.f32 v10, v5;
	_ =	sdelay $0x1  }
0x184: {  	v5 =	vmul.f32 v5, v10;
	_ =	sdelay $0x1  }
0x185: {  	v5 =	vsub.f32 $1.500000000e+00, v5;
	_ =	sdelay $0x1  }
0x186: {  	v15 =	vmul.f32 v5, v10;
	_ =	sdelay $0x1  }
0x187: {  	s25 =	simm.s32 $0x80;
	v10 =	vmul.f32 v15, v6  }
0x188: {  	v5 =	vld [tilespmem:s25+$0x8DB0];
	v62 =	vmul.f32 v15, v7  }
0x189: {  	v6 =	vld [tilespmem:s25+$0x8D80];
	v63 =	vmul.f32 v15, v8;
	v12 =	vmul.f32 v15, v11;
	[tilespmem:s23+$0x4D80] =	vst v10  }
0x18a: {  	v13 =	vmul.f32 v15, v13;
	v11 =	vmul.f32 v15, v61;
	v7 =	vld [tilespmem:s25+$0x8D90];
	[tilespmem:s23+$0x4D90] =	vst v62  }
0x18b: {  	s24 =	simm.s32 $0x400;
	v10 =	vmul.f32 v15, v9;
	v9 =	vmul.f32 v15, v14;
	v8 =	vld [tilespmem:s25+$0x4D90];
	[tilespmem:s23+$0x4DA0] =	vst v63  }
.LBB2_31:
0x18c: {  	p0 =	sne.s32 s24, $0xFE00;
	v14 =	vld [tilespmem:s25+$0x4D80];
	[tilespmem:s23+$0x4DB0] =	vst v12  }
0x18d: {  	v12 =	vld [tilespmem:s25+$0x8DA0];
	[tilespmem:s23+$0x4DC0] =	vst v13  }
0x18e: {  	v13 =	vld [tilespmem:s25+$0x4DA0];
	[tilespmem:s23+$0x4DD0] =	vst v10  }
0x18f: {  	v10 =	vld [tilespmem:s25+$0x4DB0];
	[tilespmem:s23+$0x4DE0] =	vst v11  }
0x190: {  	v6 =	vmul.f32 $5.000000000e-01, v6;
	v7 =	vmul.f32 $5.000000000e-01, v7;
	v11 =	vld [tilespmem:s25+$0x8DC0];
	[tilespmem:s23+$0x4DF0] =	vst v9;
	s23 =	smov.u32 s25  }
0x191: {  	v8 =	vmul.f32 $5.000000000e-01, v8;
	v9 =	vmul.f32 $5.000000000e-01, v14;
	v14 =	vld [tilespmem:s23+$0x4DC0]  }
0x192: {  	v12 =	vmul.f32 $5.000000000e-01, v12;
	v15 =	vld [tilespmem:s23+$0x8DD0]  }
0x193: {  	v7 =	vadd.f32 v7, v8;
	v6 =	vadd.f32 v6, v9;
	v8 =	vmul.f32 $5.000000000e-01, v13;
	v9 =	vld [tilespmem:s23+$0x4DD0]  }
0x194: {  	v5 =	vmul.f32 $5.000000000e-01, v5;
	v10 =	vmul.f32 $5.000000000e-01, v10;
	v13 =	vld [tilespmem:s23+$0x8DE0]  }
0x195: {  	v17 =	vmul.f32 v7, v7;
	v16 =	vmul.f32 v6, v6;
	v8 =	vadd.f32 v12, v8;
	v12 =	vld [tilespmem:s23+$0x4DE0]  }
0x196: {  	v11 =	vmul.f32 $5.000000000e-01, v11;
	v14 =	vmul.f32 $5.000000000e-01, v14;
	v18 =	vld [tilespmem:s23+$0x8DF0]  }
0x197: {  	v10 =	vadd.f32 v5, v10;
	v16 =	vadd.f32 v17, v16;
	v17 =	vmul.f32 v8, v8;
	v5 =	vld [tilespmem:s23+$0x4DF0]  }
0x198: {  	v15 =	vmul.f32 $5.000000000e-01, v15;
	v9 =	vmul.f32 $5.000000000e-01, v9  }
0x199: {  	v11 =	vadd.f32 v11, v14;
	v16 =	vadd.f32 v17, v16;
	v17 =	vmul.f32 v10, v10  }
0x19a: {  	v13 =	vmul.f32 $5.000000000e-01, v13;
	v12 =	vmul.f32 $5.000000000e-01, v12  }
0x19b: {  	v9 =	vadd.f32 v15, v9;
	v14 =	vadd.f32 v17, v16;
	v16 =	vmul.f32 v11, v11  }
0x19c: {  	v15 =	vmul.f32 $5.000000000e-01, v18;
	v5 =	vmul.f32 $5.000000000e-01, v5  }
0x19d: {  	v17 =	vadd.f32 v13, v12;
	v14 =	vadd.f32 v16, v14;
	v16 =	vmul.f32 v9, v9;
	_ =	sdelay $0x1  }
0x19e: {  	v13 =	vmul.f32 v17, v17;
	v12 =	vadd.f32 v16, v14;
	v14 =	vadd.f32 v15, v5;
	_ =	sdelay $0x1  }
0x19f: {  	v5 =	vadd.f32 v13, v12;
	v12 =	vmul.f32 v14, v14;
	_ =	sdelay $0x1  }
0x1a0: {  	v5 =	vadd.f32 v12, v5;
	_ =	sdelay $0x1  }
0x1a1: {  	(xrf2) =	vadd.scan.msk.f32 $0xffff, v5;
	_ =	sdelay $0x9  }
0x1a2: {  	v5, _, _ =	vpop (xrf2)  }
0x1a3: {  	v5 =	vbroadcast v5, $0xF;
	_ =	sdelay $0x1  }
0x1a4: {  	v12 =	vshra.s32 v5, $0x1;
	v5 =	vmul.f32 $5.000000000e-01, v5  }
0x1a5: {  	v12 =	vsub.s32 $0x5F3759DF, v12  }
0x1a6: {  	v13 =	vmul.f32 v12, v5;
	_ =	sdelay $0x1  }
0x1a7: {  	v13 =	vmul.f32 v12, v13;
	_ =	sdelay $0x1  }
0x1a8: {  	v13 =	vsub.f32 $1.500000000e+00, v13;
	_ =	sdelay $0x1  }
0x1a9: {  	v12 =	vmul.f32 v12, v13;
	_ =	sdelay $0x1  }
0x1aa: {  	v5 =	vmul.f32 v12, v5;
	_ =	sdelay $0x1  }
0x1ab: {  	v5 =	vmul.f32 v5, v12;
	_ =	sdelay $0x1  }
0x1ac: {  	v5 =	vsub.f32 $1.500000000e+00, v5;
	_ =	sdelay $0x1  }
0x1ad: {  	v15 =	vmul.f32 v5, v12;
	_ =	sdelay $0x1  }
.Ltmp21:
0x1ae: {  	s25 =	sshra.s32 s24, $0x2;
	v13 =	vmul.f32 v15, v6;
	v16 =	vmul.f32 v15, v7;
	(pc) =	sbr.rel @p0 .LBB2_31-.Ltmp21, $4  }
0x1af: {  	v18 =	vmul.f32 v15, v8;
	v12 =	vmul.f32 v15, v10;
	v5 =	vld [tilespmem:s25+$0x8DB0]  }
0x1b0: {  	v10 =	vmul.f32 v15, v9;
	v6 =	vld [tilespmem:s25+$0x8D80];
	[tilespmem:s23+$0x4D80] =	vst v13;
	v13 =	vmul.f32 v15, v11  }
0x1b1: {  	v9 =	vmul.f32 v15, v14;
	v11 =	vmul.f32 v15, v17;
	v7 =	vld [tilespmem:s25+$0x8D90];
	[tilespmem:s23+$0x4D90] =	vst v16  }
0x1b2: {  	s24 =	sadd.s32 $0x200, s24;
	v8 =	vld [tilespmem:s25+$0x4D90];
	[tilespmem:s23+$0x4DA0] =	vst v18  }
0x1b3: {  	v14 =	vld [tilespmem:s25+$0x4D80];
	[tilespmem:s23+$0x4DB0] =	vst v12  }
0x1b4: {  	v12 =	vld [tilespmem:s25+$0x8DA0];
	[tilespmem:s23+$0x4DC0] =	vst v13  }
0x1b5: {  	v13 =	vld [tilespmem:s25+$0x4DA0];
	[tilespmem:s23+$0x4DD0] =	vst v10  }
0x1b6: {  	v10 =	vld [tilespmem:s25+$0x4DB0];
	[tilespmem:s23+$0x4DE0] =	vst v11  }
0x1b7: {  	v6 =	vmul.f32 $5.000000000e-01, v6;
	v7 =	vmul.f32 $5.000000000e-01, v7;
	v11 =	vld [tilespmem:s25+$0x8DC0];
	[tilespmem:s23+$0x4DF0] =	vst v9  }
0x1b8: {  	v8 =	vmul.f32 $5.000000000e-01, v8;
	v46 =	vmul.f32 $5.000000000e-01, v14;
	v47 =	vld [tilespmem:s25+$0x4DC0]  }
0x1b9: {  	v15 =	vld [tilespmem:s25+$0x8DD0];
	v12 =	vmul.f32 $5.000000000e-01, v12  }
0x1ba: {  	v49 =	vld [tilespmem:s25+$0x4DD0];
	v7 =	vadd.f32 v7, v8;
	v6 =	vadd.f32 v6, v46;
	v48 =	vmul.f32 $5.000000000e-01, v13  }
0x1bb: {  	v5 =	vmul.f32 $5.000000000e-01, v5;
	v50 =	vld [tilespmem:s25+$0x8DE0];
	v10 =	vmul.f32 $5.000000000e-01, v10  }
0x1bc: {  	v51 =	vld [tilespmem:s25+$0x4DE0];
	v17 =	vmul.f32 v7, v7;
	v16 =	vmul.f32 v6, v6;
	v8 =	vadd.f32 v12, v48  }
0x1bd: {  	v18 =	vld [tilespmem:s25+$0x8DF0];
	v11 =	vmul.f32 $5.000000000e-01, v11;
	v14 =	vmul.f32 $5.000000000e-01, v47  }
0x1be: {  	v53 =	vld [tilespmem:s25+$0x4DF0];
	v5 =	vadd.f32 v5, v10;
	v16 =	vadd.f32 v17, v16;
	v52 =	vmul.f32 v8, v8  }
0x1bf: {  	v9 =	vmul.f32 $5.000000000e-01, v49;
	v15 =	vmul.f32 $5.000000000e-01, v15  }
0x1c0: {  	v54 =	vmul.f32 v5, v5;
	v11 =	vadd.f32 v11, v14;
	v16 =	vadd.f32 v52, v16  }
0x1c1: {  	v12 =	vmul.f32 $5.000000000e-01, v51;
	v13 =	vmul.f32 $5.000000000e-01, v50  }
0x1c2: {  	v9 =	vadd.f32 v15, v9;
	v56 =	vmul.f32 v11, v11;
	v55 =	vadd.f32 v54, v16  }
0x1c3: {  	v10 =	vmul.f32 $5.000000000e-01, v53;
	v57 =	vmul.f32 $5.000000000e-01, v18  }
0x1c4: {  	v12 =	vadd.f32 v13, v12;
	v58 =	vmul.f32 v9, v9;
	v14 =	vadd.f32 v56, v55;
	_ =	sdelay $0x1  }
0x1c5: {  	v10 =	vadd.f32 v57, v10;
	v60 =	vmul.f32 v12, v12;
	v59 =	vadd.f32 v58, v14;
	_ =	sdelay $0x1  }
0x1c6: {  	v61 =	vmul.f32 v10, v10;
	v13 =	vadd.f32 v60, v59;
	_ =	sdelay $0x1  }
0x1c7: {  	v13 =	vadd.f32 v61, v13;
	_ =	sdelay $0x1  }
0x1c8: {  	(xrf2) =	vadd.scan.msk.f32 $0xffff, v13;
	_ =	sdelay $0x9  }
0x1c9: {  	v13, _, _ =	vpop (xrf2)  }
0x1ca: {  	v13 =	vbroadcast v13, $0xF;
	_ =	sdelay $0x1  }
0x1cb: {  	v62 =	vshra.s32 v13, $0x1;
	v13 =	vmul.f32 $5.000000000e-01, v13  }
0x1cc: {  	v14 =	vsub.s32 $0x5F3759DF, v62  }
0x1cd: {  	v63 =	vmul.f32 v14, v13;
	_ =	sdelay $0x1  }
0x1ce: {  	v15 =	vmul.f32 v14, v63;
	_ =	sdelay $0x1  }
0x1cf: {  	v15 =	vsub.f32 $1.500000000e+00, v15;
	_ =	sdelay $0x1  }
0x1d0: {  	v14 =	vmul.f32 v14, v15;
	_ =	sdelay $0x1  }
0x1d1: {  	v13 =	vmul.f32 v14, v13;
	_ =	sdelay $0x1  }
0x1d2: {  	v13 =	vmul.f32 v13, v14;
	_ =	sdelay $0x1  }
0x1d3: {  	v13 =	vsub.f32 $1.500000000e+00, v13;
	_ =	sdelay $0x1  }
0x1d4: {  	v13 =	vmul.f32 v13, v14;
	_ =	sdelay $0x1  }
0x1d5: {  	v6 =	vmul.f32 v13, v6  }
0x1d6: {  	v7 =	vmul.f32 v13, v7  }
0x1d7: {  	v8 =	vmul.f32 v13, v8;
	[tilespmem:s25+$0x4D80] =	vst v6  }
0x1d8: {  	v5 =	vmul.f32 v13, v5;
	[tilespmem:s25+$0x4D90] =	vst v7  }
0x1d9: {  	v6 =	vmul.f32 v13, v11;
	[tilespmem:s25+$0x4DA0] =	vst v8  }
0x1da: {  	v7 =	vmul.f32 v13, v9;
	[tilespmem:s25+$0x4DB0] =	vst v5  }
0x1db: {  	v5 =	vmul.f32 v13, v12;
	[tilespmem:s25+$0x4DC0] =	vst v6  }
0x1dc: {  	s21 =	sadd.s32 $0x1, s21;
	v6 =	vmul.f32 v13, v10;
	[tilespmem:s25+$0x4DD0] =	vst v7  }
0x1dd: {  	p0 =	seq.s32 s21, s20;
	[tilespmem:s25+$0x4DE0] =	vst v5  }
.Ltmp22:
0x1de: {  	[tilespmem:s25+$0x4DF0] =	vst v6;
	(pc) =	sbr.rel @!p0 .LBB2_30-.Ltmp22, $4  }
0x1df: {  	[hbm4b:s5+s14] =	stream.indirect.scatter [tilespmem:s15], [sflag:$0x1], $0x80, s22, s14, $0xb8;
	[tilespmem:$0xCD80] =	vst v63  }
0x1e0: {  	_ =	swait.ge [sflag:s11], $0x4000  }
0x1e1: {  	[sflag:s11] =	ssyncset.done $0x0  }
0x1e2: {  	[sflag:s11] =	ssyncadd.s32 $0xFFFFC000  }
.LBB2_27:
0x1e3: {  	s20 =	sshrl.u32 s19, $0x4  }
0x1e4: {  	p0 =	seq.s32 s20, $0x0  }
.Ltmp23:
0x1e5: {  	_ = 	snop;
	(pc) =	sbr.rel @p0 .LBB2_40-.Ltmp23, $1  }
0x1e6: {  	_ =	sdelay $0x3  }
0x1e7: {  	p1 =	seq.s32 s20, $0x1  }
.Ltmp24:
0x1e8: {  	_ = 	snop;
	(pc) =	sbr.rel @p1 .LBB2_29-.Ltmp24, $4  }
0x1e9: {  	_ = 	snop  }
0x1ea: {  	s22 =	simm.s32 $0x8D80;
	s24 =	simm.s32 $0x4D80;
	s21 =	sshll.u32 s18, $0x2  }
0x1eb: {  	s25 =	simm.s32 $0x2D00;
	s23 =	simm.s32 $0x1C80;
	s26 =	sshra.s32 s21, $0x2  }
0x1ec: {  	p2 =	por $0x0, $0x0;
	s21 =	sadd.s32 $0xFFFFFFFF, s20;
	s26 =	sand.u32 $0xFFFFFF80, s26  }
0x1ed: {  	s25 =	sadd.s32 $0x2D00, s26  }
0x1ee: {  	v5 =	vld [tilespmem:s25+$0x0]  }
0x1ef: {  	s31 =	sadd.s32 $0x1C80, s26  }
0x1f0: {  	p3 =	seq.s32 s21, $0x1;
	v6 =	vld [tilespmem:s31+$0x0]  }
.Ltmp25:
0x1f1: {  	_ = 	snop;
	(pc) =	sbr.rel @p3 .LBB2_34-.Ltmp25, $4  }
0x1f2: {  	s28 =	sadd.s32 $0x10, s18  }
0x1f3: {  	s29 =	sadd.s32 $0xFFFFFFFF, s21;
	s30 =	simm.s32 $0x5580;
	s23 =	sshll.u32 s28, $0x2  }
0x1f4: {  	p2 =	por $0x1, $0x1;
	s31 =	simm.s32 $0x9580;
	s26 =	sshra.s32 s23, $0x2  }
0x1f5: {  	s25 =	simm.s32 $0x2D10;
	s23 =	simm.s32 $0x1C90;
	s26 =	sand.u32 $0xFFFFFF80, s26  }
.LBB2_35:
0x1f6: {  	[tilespmem:s24], [sflag:$0x1] =	stream.indirect_vreg.gather [hbm4b:s4+s7], $0x80, v5, vm0, $0xb8;
	[tilespmem:$0xCD80] =	vst v63  }
0x1f7: {  	p3 =	seq.s32 s29, $0x1;
	s29 =	sadd.s32 $0xFFFFFFFF, s29;
	s24 =	sadd.s32 s26, s25  }
0x1f8: {  	[tilespmem:s22], [sflag:$0x2] =	stream.indirect_vreg.gather [hbm4b:s1+s7], $0x80, v6, vm0, $0xb8;
	[tilespmem:$0xCD80] =	vst v63  }
0x1f9: {  	s26 =	sadd.s32 s26, s23;
	s22 =	smov.u32 s31;
	v5 =	vld [tilespmem:s24+$0x0];
	s24 =	smov.u32 s30  }
0x1fa: {  	v6 =	vld [tilespmem:s26+$0x0];
	_ =	sdelay $0x1  }
.Ltmp26:
0x1fb: {  	(pc) =	sbr.rel @!p3 .LBB2_35-.Ltmp26, $4  }
0x1fc: {  	s28 =	sadd.s32 $0x10, s28  }
0x1fd: {  	s26 =	sshll.u32 s28, $0x2  }
0x1fe: {  	s23 =	sadd.s32 $0x10, s23;
	s30 =	sadd.s32 $0x800, s30;
	s26 =	sshra.s32 s26, $0x2  }
0x1ff: {  	s25 =	sadd.s32 $0x10, s25;
	s31 =	sadd.s32 $0x800, s31;
	s26 =	sand.u32 $0xFFFFFF80, s26  }
0x200: {  	s28 =	smov.u32 s24  }
0x201: {  	s29 =	smov.u32 s22;
	s24 =	smov.u32 s30;
	s22 =	smov.u32 s31  }
.LBB2_37:
0x202: {  	_ =	sdelay $0x3  }
0x203: {  	[tilespmem:s28], [sflag:$0x1] =	stream.indirect_vreg.gather @p2 [hbm4b:s4+s7], $0x80, v5, vm0, $0xb8;
	[tilespmem:$0xCD80] =	vst v63  }
0x204: {  	s25 =	sadd.s32 s26, s25  }
0x205: {  	[tilespmem:s29], [sflag:$0x2] =	stream.indirect_vreg.gather @p2 [hbm4b:s1+s7], $0x80, v6, vm0, $0xb8;
	[tilespmem:$0xCD80] =	vst v63  }
0x206: {  	v5 =	vld [tilespmem:s25+$0x0]  }
0x207: {  	s23 =	sadd.s32 s26, s23  }
0x208: {  	v6 =	vld [tilespmem:s23+$0x0];
	_ =	sdelay $0x5  }
0x209: {  	[tilespmem:s24], [sflag:$0x1] =	stream.indirect_vreg.gather [hbm4b:s4+s7], $0x80, v5, vm0, $0xb8;
	[tilespmem:$0xCD80] =	vst v63  }
0x20a: {  	_ = 	snop  }
0x20b: {  	[tilespmem:s22], [sflag:$0x2] =	stream.indirect_vreg.gather [hbm4b:s1+s7], $0x80, v6, vm0, $0xb8;
	[tilespmem:$0xCD80] =	vst v63  }
.Ltmp27:
0x20c: {  	_ =	swait.ge [sflag:s11], $0x800;
	(pc) =	sbr.rel @p1 .LBB2_39-.Ltmp27, $4  }
0x20d: {  	[sflag:s11] =	ssyncset.done $0x0  }
0x20e: {  	[sflag:s11] =	ssyncadd.s32 $0xFFFFF800  }
0x20f: {  	_ =	swait.ge [sflag:s13], $0x800  }
0x210: {  	[sflag:s13] =	ssyncset.done $0x0  }
.LBB2_38:
0x211: {  	p1 =	seq.s32 s21, $0x1;
	s21 =	sadd.s32 $0xFFFFFFFF, s21;
	[sflag:s13] =	ssyncadd.s32 $0xFFFFF800  }
.Ltmp28:
0x212: {  	_ =	swait.ge [sflag:s11], $0x800;
	(pc) =	sbr.rel @!p1 .LBB2_38-.Ltmp28, $4  }
0x213: {  	[sflag:s11] =	ssyncset.done $0x0  }
0x214: {  	[sflag:s11] =	ssyncadd.s32 $0xFFFFF800  }
0x215: {  	_ =	swait.ge [sflag:s13], $0x800  }
0x216: {  	[sflag:s13] =	ssyncset.done $0x0  }
.LBB2_39:
0x217: {  	[sflag:s13] =	ssyncadd.s32 $0xFFFFF800  }
.LBB2_40:
0x218: {  	s22 =	sand.u32 $0xF0, s19  }
0x219: {  	p1 =	seq.s32 s22, $0x0  }
.Ltmp29:
0x21a: {  	_ = 	snop;
	(pc) =	sbr.rel @p1 .LBB2_44-.Ltmp29, $1  }
0x21b: {  	_ =	sdelay $0x3  }
0x21c: {  	s19 =	simm.s32 $0x4DC0  }
0x21d: {  	v5 =	vld [tilespmem:s19+$0xFFFFFFE0]  }
0x21e: {  	v6 =	vld [tilespmem:s19+$0xFFFFFFC0]  }
0x21f: {  	s21 =	simm.s32 $0x8DC0;
	v7 =	vld [tilespmem:s19+$0xFFFFFFD0]  }
0x220: {  	v8 =	vld [tilespmem:s21+$0xFFFFFFC0]  }
0x221: {  	v9 =	vld [tilespmem:s21+$0xFFFFFFD0]  }
0x222: {  	v10 =	vld [tilespmem:s21+$0xFFFFFFE0]  }
0x223: {  	v11 =	vld [tilespmem:s21+$0xFFFFFFF0]  }
0x224: {  	v12 =	vld [tilespmem:s19+$0xFFFFFFF0]  }
0x225: {  	v13 =	vld [tilespmem:s19+$0x0];
	v6 =	vmul.f32 $5.000000000e-01, v6;
	v8 =	vmul.f32 $5.000000000e-01, v8  }
0x226: {  	v14 =	vld [tilespmem:s21+$0x0];
	v7 =	vmul.f32 $5.000000000e-01, v7;
	v9 =	vmul.f32 $5.000000000e-01, v9  }
0x227: {  	v16 =	vld [tilespmem:s21+$0x10];
	v15 =	vmul.f32 $5.000000000e-01, v5  }
0x228: {  	v10 =	vmul.f32 $5.000000000e-01, v10;
	v6 =	vadd.f32 v8, v6;
	v5 =	vadd.f32 v9, v7;
	v9 =	vld [tilespmem:s19+$0x10]  }
0x229: {  	v11 =	vmul.f32 $5.000000000e-01, v11;
	v7 =	vmul.f32 $5.000000000e-01, v12  }
0x22a: {  	v8 =	vadd.f32 v10, v15;
	v12 =	vld [tilespmem:s19+$0x20];
	v10 =	vmul.f32 v6, v6;
	v15 =	vmul.f32 v5, v5  }
0x22b: {  	v13 =	vmul.f32 $5.000000000e-01, v13;
	v7 =	vadd.f32 v11, v7;
	v11 =	vld [tilespmem:s21+$0x20]  }
0x22c: {  	v18 =	vld [tilespmem:s19+$0x30];
	v14 =	vmul.f32 $5.000000000e-01, v14;
	v17 =	vmul.f32 v8, v8;
	v10 =	vadd.f32 v15, v10  }
0x22d: {  	v16 =	vmul.f32 $5.000000000e-01, v16;
	v15 =	vld [tilespmem:s21+$0x30];
	v19 =	vmul.f32 $5.000000000e-01, v9  }
0x22e: {  	v9 =	vadd.f32 v14, v13;
	v14 =	vmul.f32 v7, v7;
	v13 =	vadd.f32 v17, v10  }
0x22f: {  	v12 =	vmul.f32 $5.000000000e-01, v12;
	v10 =	vadd.f32 v16, v19  }
0x230: {  	v62 =	vmul.f32 v9, v9;
	v11 =	vmul.f32 $5.000000000e-01, v11;
	v13 =	vadd.f32 v14, v13  }
0x231: {  	v14 =	vmul.f32 $5.000000000e-01, v18;
	v63 =	vmul.f32 v10, v10  }
0x232: {  	v11 =	vadd.f32 v11, v12;
	v12 =	vmul.f32 $5.000000000e-01, v15;
	v13 =	vadd.f32 v62, v13;
	_ =	sdelay $0x1  }
0x233: {  	v15 =	vmul.f32 v11, v11;
	v12 =	vadd.f32 v12, v14;
	v13 =	vadd.f32 v63, v13;
	_ =	sdelay $0x1  }
0x234: {  	v14 =	vmul.f32 v12, v12;
	v13 =	vadd.f32 v15, v13;
	_ =	sdelay $0x1  }
0x235: {  	v13 =	vadd.f32 v14, v13;
	_ =	sdelay $0x1  }
0x236: {  	(xrf2) =	vadd.scan.msk.f32 $0xffff, v13;
	_ =	sdelay $0x9  }
0x237: {  	v13, _, _ =	vpop (xrf2)  }
0x238: {  	v13 =	vbroadcast v13, $0xF;
	_ =	sdelay $0x1  }
0x239: {  	v14 =	vshra.s32 v13, $0x1;
	v13 =	vmul.f32 $5.000000000e-01, v13  }
0x23a: {  	v14 =	vsub.s32 $0x5F3759DF, v14  }
0x23b: {  	v15 =	vmul.f32 v14, v13;
	_ =	sdelay $0x1  }
0x23c: {  	v15 =	vmul.f32 v14, v15;
	_ =	sdelay $0x1  }
0x23d: {  	v15 =	vsub.f32 $1.500000000e+00, v15;
	_ =	sdelay $0x1  }
0x23e: {  	v14 =	vmul.f32 v14, v15;
	_ =	sdelay $0x1  }
0x23f: {  	v13 =	vmul.f32 v14, v13  }
0x240: {  	p1 =	seq.s32 s22, $0x1  }
.Ltmp30:
0x241: {  	v13 =	vmul.f32 v13, v14;
	(pc) =	sbr.rel @p1 .LBB2_43-.Ltmp30, $3  }
0x242: {  	_ = 	snop  }
0x243: {  	v13 =	vsub.f32 $1.500000000e+00, v13;
	_ =	sdelay $0x1  }
0x244: {  	s22 =	sadd.s32 $0xFFFFFFFF, s22;
	s23 =	simm.s32 $0x4DC0;
	v13 =	vmul.f32 v13, v14  }
.LBB2_42:
0x245: {  	p1 =	seq.s32 s22, $0x1;
	s23 =	sadd.s32 $0x80, s23;
	s21 =	sadd.s32 $0x80, s21  }
0x246: {  	s22 =	sadd.s32 $0xFFFFFFFF, s22;
	v6 =	vmul.f32 v13, v6;
	v8 =	vmul.f32 v13, v8  }
0x247: {  	v9 =	vmul.f32 v13, v9;
	v10 =	vmul.f32 v13, v10  }
0x248: {  	[tilespmem:s19+$0xFFFFFFC0] =	vst v6;
	v6 =	vmul.f32 v13, v11;
	v11 =	vmul.f32 v13, v12  }
0x249: {  	v5 =	vmul.f32 v13, v5;
	v7 =	vmul.f32 v13, v7;
	[tilespmem:s19+$0xFFFFFFE0] =	vst v8  }
0x24a: {  	[tilespmem:s19+$0x0] =	vst v9  }
0x24b: {  	[tilespmem:s19+$0x10] =	vst v10  }
0x24c: {  	[tilespmem:s19+$0x20] =	vst v6  }
0x24d: {  	v6 =	vld [tilespmem:s23+$0xFFFFFFE0];
	[tilespmem:s19+$0x30] =	vst v11  }
0x24e: {  	v8 =	vld [tilespmem:s23+$0xFFFFFFC0];
	[tilespmem:s19+$0xFFFFFFD0] =	vst v5  }
0x24f: {  	v5 =	vld [tilespmem:s23+$0xFFFFFFD0];
	[tilespmem:s19+$0xFFFFFFF0] =	vst v7;
	s19 =	smov.u32 s23  }
0x250: {  	v7 =	vld [tilespmem:s21+$0xFFFFFFC0]  }
0x251: {  	v9 =	vld [tilespmem:s21+$0xFFFFFFE0]  }
0x252: {  	v10 =	vld [tilespmem:s21+$0xFFFFFFD0]  }
0x253: {  	v8 =	vmul.f32 $5.000000000e-01, v8;
	v11 =	vld [tilespmem:s21+$0xFFFFFFF0]  }
0x254: {  	v12 =	vld [tilespmem:s23+$0xFFFFFFF0]  }
0x255: {  	v13 =	vmul.f32 $5.000000000e-01, v6;
	v14 =	vld [tilespmem:s23+$0x0]  }
0x256: {  	v6 =	vmul.f32 $5.000000000e-01, v7;
	v7 =	vmul.f32 $5.000000000e-01, v9;
	v9 =	vld [tilespmem:s21+$0x0]  }
0x257: {  	v5 =	vmul.f32 $5.000000000e-01, v5;
	v10 =	vmul.f32 $5.000000000e-01, v10  }
0x258: {  	v6 =	vadd.f32 v6, v8;
	v8 =	vadd.f32 v7, v13;
	v13 =	vld [tilespmem:s21+$0x10]  }
0x259: {  	v5 =	vadd.f32 v10, v5;
	v7 =	vmul.f32 $5.000000000e-01, v12;
	v10 =	vmul.f32 $5.000000000e-01, v11;
	v11 =	vld [tilespmem:s23+$0x10]  }
0x25a: {  	v12 =	vmul.f32 v6, v6;
	v14 =	vmul.f32 $5.000000000e-01, v14;
	v15 =	vld [tilespmem:s23+$0x20]  }
0x25b: {  	v16 =	vmul.f32 v5, v5;
	v7 =	vadd.f32 v10, v7;
	v9 =	vmul.f32 $5.000000000e-01, v9;
	v17 =	vld [tilespmem:s21+$0x20]  }
0x25c: {  	v10 =	vmul.f32 v8, v8;
	v18 =	vld [tilespmem:s23+$0x30]  }
0x25d: {  	v12 =	vadd.f32 v16, v12;
	v9 =	vadd.f32 v9, v14;
	v14 =	vld [tilespmem:s21+$0x30]  }
0x25e: {  	v13 =	vmul.f32 $5.000000000e-01, v13;
	v11 =	vmul.f32 $5.000000000e-01, v11  }
0x25f: {  	v16 =	vmul.f32 v7, v7;
	v12 =	vadd.f32 v10, v12;
	v15 =	vmul.f32 $5.000000000e-01, v15  }
0x260: {  	v19 =	vmul.f32 v9, v9;
	v10 =	vadd.f32 v13, v11;
	v11 =	vmul.f32 $5.000000000e-01, v17  }
0x261: {  	v12 =	vadd.f32 v16, v12;
	v13 =	vmul.f32 $5.000000000e-01, v18  }
0x262: {  	v16 =	vmul.f32 v10, v10;
	v11 =	vadd.f32 v11, v15;
	v14 =	vmul.f32 $5.000000000e-01, v14  }
0x263: {  	v15 =	vadd.f32 v19, v12  }
0x264: {  	v17 =	vmul.f32 v11, v11;
	v12 =	vadd.f32 v14, v13  }
0x265: {  	v13 =	vadd.f32 v16, v15  }
0x266: {  	v14 =	vmul.f32 v12, v12  }
0x267: {  	v13 =	vadd.f32 v17, v13;
	_ =	sdelay $0x1  }
0x268: {  	v13 =	vadd.f32 v14, v13;
	_ =	sdelay $0x1  }
0x269: {  	(xrf2) =	vadd.scan.msk.f32 $0xffff, v13;
	_ =	sdelay $0x9  }
0x26a: {  	v13, _, _ =	vpop (xrf2)  }
0x26b: {  	v13 =	vbroadcast v13, $0xF;
	_ =	sdelay $0x1  }
0x26c: {  	v14 =	vshra.s32 v13, $0x1;
	v13 =	vmul.f32 $5.000000000e-01, v13  }
0x26d: {  	v14 =	vsub.s32 $0x5F3759DF, v14  }
0x26e: {  	v15 =	vmul.f32 v14, v13;
	_ =	sdelay $0x1  }
0x26f: {  	v15 =	vmul.f32 v14, v15;
	_ =	sdelay $0x1  }
0x270: {  	v15 =	vsub.f32 $1.500000000e+00, v15;
	_ =	sdelay $0x1  }
0x271: {  	v14 =	vmul.f32 v14, v15;
	_ =	sdelay $0x1  }
0x272: {  	v13 =	vmul.f32 v14, v13;
	_ =	sdelay $0x1  }
.Ltmp31:
0x273: {  	v13 =	vmul.f32 v13, v14;
	(pc) =	sbr.rel @!p1 .LBB2_42-.Ltmp31, $3  }
0x274: {  	_ = 	snop  }
0x275: {  	v13 =	vsub.f32 $1.500000000e+00, v13;
	_ =	sdelay $0x1  }
0x276: {  	v13 =	vmul.f32 v13, v14  }
.LBB2_43:
0x277: {  	_ = 	snop  }
0x278: {  	v6 =	vmul.f32 v13, v6  }
0x279: {  	v8 =	vmul.f32 v13, v8  }
0x27a: {  	v9 =	vmul.f32 v13, v9;
	[tilespmem:s19+$0xFFFFFFC0] =	vst v6  }
0x27b: {  	v62 =	vmul.f32 v13, v11;
	[tilespmem:s19+$0xFFFFFFE0] =	vst v8  }
0x27c: {  	v63 =	vmul.f32 v13, v12;
	[tilespmem:s19+$0x0] =	vst v9  }
0x27d: {  	v6 =	vmul.f32 v13, v10;
	[tilespmem:s19+$0x20] =	vst v62  }
0x27e: {  	v5 =	vmul.f32 v13, v5;
	[tilespmem:s19+$0x30] =	vst v63  }
0x27f: {  	[tilespmem:s19+$0x10] =	vst v6;
	v6 =	vmul.f32 v13, v7  }
0x280: {  	[tilespmem:s19+$0xFFFFFFD0] =	vst v5  }
0x281: {  	[tilespmem:s19+$0xFFFFFFF0] =	vst v6  }
.LBB2_44:
.Ltmp32:
0x282: {  	(pc) =	sbr.rel @p0 .LBB2_55-.Ltmp32, $1  }
0x283: {  	_ =	sdelay $0x3  }
0x284: {  	p0 =	sne.s32 s20, $0x1  }
.Ltmp33:
0x285: {  	_ = 	snop;
	(pc) =	sbr.rel @!p0 .LBB2_46-.Ltmp33, $4  }
0x286: {  	_ = 	snop  }
0x287: {  	s21 =	simm.s32 $0x4D80  }
0x288: {  	s22 =	simm.s32 $0x2D00;
	s19 =	sshll.u32 s18, $0x2;
	p1 =	por $0x0, $0x0  }
0x289: {  	p2 =	por $0x0, $0x0;
	s23 =	sshra.s32 s19, $0x2;
	s19 =	sadd.s32 $0xFFFFFFFF, s20  }
0x28a: {  	p3 =	sne.s32 s19, $0x1  }
.Ltmp34:
0x28b: {  	_ = 	snop;
	(pc) =	sbr.rel @!p3 .LBB2_48-.Ltmp34, $4  }
0x28c: {  	_ = 	snop  }
0x28d: {  	s20 =	sand.u32 $0xFFFFFF80, s23;
	s18 =	sadd.s32 $0x10, s18  }
0x28e: {  	s20 =	sadd.s32 $0x2D00, s20;
	s31 =	sshll.u32 s18, $0x2  }
0x28f: {  	p1 =	por $0x1, $0x1;
	v5 =	vld [tilespmem:s20+$0x0];
	s23 =	sshra.s32 s31, $0x2;
	s20 =	sadd.s32 $0xFFFFFFFF, s19  }
0x290: {  	_ =	sdelay $0x5  }
0x291: {  	s23 =	sand.u32 $0xFFFFFF80, s23  }
0x292: {  	s26 =	sadd.s32 $0x2D10, s23  }
0x293: {  	[hbm4b:s5+s7] =	stream.indirect_vreg.scatter [tilespmem:s21], [sflag:$0x1], $0x80, v5, vm0, $0xb8;
	[tilespmem:$0xCD80] =	vst v63  }
0x294: {  	p3 =	sne.s32 s20, $0x1;
	v5 =	vld [tilespmem:s26+$0x0]  }
.Ltmp35:
0x295: {  	_ = 	snop;
	(pc) =	sbr.rel @!p3 .LBB2_50-.Ltmp35, $4  }
0x296: {  	_ = 	snop  }
0x297: {  	s24 =	sadd.s32 $0x10, s18  }
0x298: {  	s18 =	simm.s32 $0x2D10;
	p2 =	por $0x1, $0x1;
	s25 =	sshll.u32 s24, $0x2  }
0x299: {  	s23 =	sshra.s32 s25, $0x2;
	s25 =	sadd.s32 $0xFFFFFFFF, s20;
	s20 =	simm.s32 $0x4D80  }
.LBB2_51:
0x29a: {  	p3 =	sne.s32 s25, $0x1;
	s23 =	sand.u32 $0xFFFFFF80, s23;
	s18 =	sadd.s32 $0x10, s18  }
0x29b: {  	s20 =	sadd.s32 $0x800, s20;
	s23 =	sadd.s32 s23, s18  }
0x29c: {  	[hbm4b:s5+s7] =	stream.indirect_vreg.scatter [tilespmem:s20], [sflag:$0x1], $0x80, v5, vm0, $0xb8;
	[tilespmem:$0xCD80] =	vst v63  }
0x29d: {  	v5 =	vld [tilespmem:s23+$0x0]  }
.Ltmp36:
0x29e: {  	(pc) =	sbr.rel @p3 .LBB2_51-.Ltmp36, $4  }
0x29f: {  	_ = 	snop  }
0x2a0: {  	s24 =	sadd.s32 $0x10, s24  }
0x2a1: {  	s23 =	sshll.u32 s24, $0x2  }
0x2a2: {  	s25 =	sadd.s32 $0xFFFFFFFF, s25;
	s23 =	sshra.s32 s23, $0x2  }
.LBB2_52:
0x2a3: {  	_ = 	snop  }
0x2a4: {  	s23 =	sand.u32 $0xFFFFFF80, s23;
	s18 =	sadd.s32 @p1 $0x10, s18  }
0x2a5: {  	s22 =	smov.u32 @p1 s18;
	s18 =	sadd.s32 @p2 $0x800, s20;
	s20 =	simm.s32 $0x4D80  }
0x2a6: {  	s22 =	sadd.s32 s23, s22;
	s20 =	smov.u32 @p2 s18  }
0x2a7: {  	[hbm4b:s5+s7] =	stream.indirect_vreg.scatter @p1 [tilespmem:s20], [sflag:$0x1], $0x80, v5, vm0, $0xb8;
	[tilespmem:$0xCD80] =	vst v63  }
0x2a8: {  	v5 =	vld [tilespmem:s22+$0x0];
	_ =	sdelay $0x5  }
.Ltmp37:
0x2a9: {  	s18 =	sadd.s32 @p1 $0x800, s20;
	(pc) =	sbr.rel @!p0 .LBB2_54-.Ltmp37, $4  }
0x2aa: {  	s21 =	smov.u32 @p1 s18  }
0x2ab: {  	[hbm4b:s5+s7] =	stream.indirect_vreg.scatter [tilespmem:s21], [sflag:$0x1], $0x80, v5, vm0, $0xb8;
	[tilespmem:$0xCD80] =	vst v63  }
0x2ac: {  	_ =	swait.ge [sflag:s11], $0x800  }
0x2ad: {  	[sflag:s11] =	ssyncset.done $0x0  }
.LBB2_53:
0x2ae: {  	p0 =	sne.s32 s19, $0x1;
	s19 =	sadd.s32 $0xFFFFFFFF, s19;
	[sflag:s11] =	ssyncadd.s32 $0xFFFFF800  }
.Ltmp38:
0x2af: {  	(pc) =	sbr.rel @p0 .LBB2_53-.Ltmp38, $3  }
0x2b0: {  	_ =	sdelay $0x1  }
0x2b1: {  	_ =	swait.ge [sflag:s11], $0x800  }
0x2b2: {  	[sflag:s11] =	ssyncset.done $0x0  }
.Ltmp39:
0x2b3: {  	_ = 	snop;
	(pc) =	sbr.rel .LBB2_54-.Ltmp39, $1  }
0x2b4: {  	_ =	sdelay $0x3  }
.LBB2_5:
.Ltmp40:
0x2b5: {  	(pc) =	sbr.rel .LBB2_9-.Ltmp40, $2  }
0x2b6: {  	_ =	sdelay $0x2  }
0x2b7: {  	s21 =	simm.s32 $0x0  }
.LBB2_14:
.Ltmp41:
0x2b8: {  	(pc) =	sbr.rel .LBB2_18-.Ltmp41, $2  }
0x2b9: {  	_ =	sdelay $0x2  }
0x2ba: {  	s20 =	simm.s32 $0x0;
	s21 =	simm.s32 $0x1C80;
	s24 =	simm.s32 $0x0  }
.LBB2_7:
.Ltmp42:
0x2bb: {  	(pc) =	sbr.rel .LBB2_9-.Ltmp42, $2  }
0x2bc: {  	_ =	sdelay $0x2  }
0x2bd: {  	s21 =	simm.s32 $0x0  }
.LBB2_16:
.Ltmp43:
0x2be: {  	(pc) =	sbr.rel .LBB2_18-.Ltmp43, $2  }
0x2bf: {  	_ =	sdelay $0x2  }
0x2c0: {  	s20 =	simm.s32 $0x0;
	s21 =	simm.s32 $0x1C80;
	s24 =	simm.s32 $0x0  }
.LBB2_21:
.Ltmp44:
0x2c1: {  	(pc) =	sbr.rel .LBB2_25-.Ltmp44, $2  }
0x2c2: {  	_ =	sdelay $0x2  }
0x2c3: {  	s24 =	smov.u32 s23  }
.LBB2_29:
.Ltmp45:
0x2c4: {  	(pc) =	sbr.rel .LBB2_37-.Ltmp45, $2  }
0x2c5: {  	_ =	sdelay $0x2  }
0x2c6: {  	_ = 	snop  }
.LBB2_46:
.Ltmp46:
0x2c7: {  	(pc) =	sbr.rel .LBB2_52-.Ltmp46, $2  }
0x2c8: {  	_ =	sdelay $0x2  }
0x2c9: {  	s18 =	simm.s32 $0x2D00;
	s20 =	simm.s32 $0x4D80  }
.LBB2_23:
.Ltmp47:
0x2ca: {  	(pc) =	sbr.rel .LBB2_25-.Ltmp47, $2  }
0x2cb: {  	_ =	sdelay $0x2  }
0x2cc: {  	s24 =	smov.u32 s23  }
.LBB2_34:
.Ltmp48:
0x2cd: {  	(pc) =	sbr.rel .LBB2_37-.Ltmp48, $3  }
0x2ce: {  	_ =	sdelay $0x1  }
0x2cf: {  	s28 =	simm.s32 $0x4D80  }
0x2d0: {  	s29 =	simm.s32 $0x8D80;
	s24 =	simm.s32 $0x5580;
	s22 =	simm.s32 $0x9580  }
.LBB2_48:
.Ltmp49:
0x2d1: {  	(pc) =	sbr.rel .LBB2_52-.Ltmp49, $2  }
0x2d2: {  	_ =	sdelay $0x2  }
0x2d3: {  	s18 =	simm.s32 $0x2D00;
	s20 =	simm.s32 $0x4D80  }
.LBB2_50:
.Ltmp50:
0x2d4: {  	(pc) =	sbr.rel .LBB2_52-.Ltmp50, $2  }
0x2d5: {  	_ =	sdelay $0x2  }
0x2d6: {  	s20 =	simm.s32 $0x4D80  }
.LBB2_56:
0x2d7: {  	_ =	sfence.sel $0x180000  }
0x2d8: {  	[bflag:$0x0] =	sbarrier.arrive $0xFFFF  }
0x2d9: {  	p0 =	sne.s32 s0, $0x0;
	_ =	strace $0x90000047  }
0x2da: {  	s0 =	sadd.s32 @!p0 $0x100000, s3;
	[bflag:$0x2] =	sbarrier.arrive $0xFFFF  }
0x2db: {  	[sflag:s0] =	ssyncadd.tile.s32 @!p0 $0x1;
	_ =	shalt  }
.Lfunc_end2:
_tile_overlayer_lowered:
.L_overlay_start_2:
0x2dc: {  	(tag) =	ssettag $0x2  }
0x2dd: {  	s0 =	rddreg [dreg:$0x0];
	s2 =	stileid.u32  }
0x2de: {  	s1 =	rddreg [dreg:$0x1];
	p0 =	sne.s32 s2, $0x0  }
0x2df: {  	s3 =	rddreg [dreg:$0x2];
	[bflag:$0x3] =	sbarrier.arrive $0xFFFF;
	s2 =	simm.s32 @!p0 $0x1C03  }
0x2e0: {  	[timem:s3], [sflag:s2] =	dma.local @!p0 [hbm:s0], s1  }
0x2e1: {  	s0 =	simm.s32 @!p0 $0x3  }
0x2e2: {  	_ =	swait.ge @!p0 [sflag:s0], s1  }
0x2e3: {  	s1 =	ssub.s32 @!p0 $0x0, s1;
	[sflag:s0] =	ssyncset.done @!p0 $0x0  }
0x2e4: {  	[sflag:s0] =	ssyncadd.s32 @!p0 s1  }
0x2e5: {  	[bflag:$0x3] =	sbarrier.arrive $0xFFFF  }
0x2e6: {  	_ =	shalt  }

</sc_bundles>
